<compile_context>
chip_gen: v7x
topology: tpu7x:2x2x1
jax: 0.10.2.dev20260603
libtpu: 0.0.44.dev20260713+nightly
codegen_flags: <defaults>
</compile_context>

<pallas_src>
import jax
import jax.numpy as jnp
from jax import lax
from jax.experimental import pallas as pl
from jax.experimental.pallas import tpu as pltpu
from jax.experimental.pallas import tpu_sc as plsc

N = 10000
E = 160000
D_IN = 256
D_H = 512
D_OUT = 256

NCORE = 2
NT = 16
C = 128
WIN = 128
NW = 79
EPAD = NT * NW * WIN
NPAD = NT * 640
STRIPE = NPAD // NT


def _make_sc_agg(K, with_ones=False):
  KT = K + (1 if with_ones else 0)
  mesh = plsc.VectorSubcoreMesh(
      core_axis_name="c", subcore_axis_name="s", num_cores=NCORE,
      num_subcores=NT)

  def body(table_hbm, src_hbm, dst_hbm, out_hbm,
           src_v, dst_v, rows_v, acc_sh):
    c = lax.axis_index("c")
    s = lax.axis_index("s")

    pltpu.sync_copy(src_hbm.at[s], src_v)
    pltpu.sync_copy(dst_hbm.at[s], dst_v)

    def fill(val):
      @pl.loop(0, WIN)
      def _(i):
        @pl.loop(0, C, step=16)
        def _(j):
          rows_v[i, pl.ds(j, 16)] = jnp.full((16,), val, jnp.float32)

    for k in range(KT):
      ones_pass = with_ones and k == K

      @pl.when(c == (k % NCORE))
      def _():
        fill(0.0)
        for r in range(STRIPE // WIN):
          pltpu.sync_copy(rows_v, acc_sh.at[pl.ds(s * STRIPE + r * WIN, WIN)])
        plsc.subcore_barrier()

        if ones_pass:
          fill(1.0)

          @pl.loop(0, NW)
          def _(w):
            pltpu.sync_copy(rows_v, acc_sh.at[dst_v.at[w]], add=True)
        else:
          @pl.loop(0, NW)
          def _(w):
            pltpu.sync_copy(table_hbm.at[k].at[src_v.at[w]], rows_v)
            pltpu.sync_copy(rows_v, acc_sh.at[dst_v.at[w]], add=True)

        plsc.subcore_barrier()
        pltpu.sync_copy(acc_sh.at[pl.ds(s * STRIPE, STRIPE)],
                        out_hbm.at[k].at[pl.ds(s * STRIPE, STRIPE)])
        plsc.subcore_barrier()

  return pl.kernel(
      body,
      out_type=jax.ShapeDtypeStruct((KT, NPAD, C), jnp.float32),
      mesh=mesh,
      scratch_types=[
          pltpu.VMEM((NW, WIN), jnp.int32),
          pltpu.VMEM((NW, WIN), jnp.int32),
          pltpu.VMEM((WIN, C), jnp.float32),
          pltpu.VMEM_SHARED((NPAD, C), jnp.float32),
      ])


_sc_agg_3 = _make_sc_agg(K=2, with_ones=True)
_sc_agg_4 = _make_sc_agg(K=4)
_sc_agg_2 = _make_sc_agg(K=2)


RB = 1000
GRID = N // RB


def _inv_deg(deg_blk):
  return 1.0 / jnp.maximum(deg_blk[0, :, 0:1], 1.0)


def _combine0_body(x_ref, agg_ref, ws_ref, wn_ref, b_ref,
                   h_ref, hc_ref):
  inv = 1.0 / jnp.maximum(agg_ref[2, :, 0:1], 1.0)
  neigh = jnp.concatenate([agg_ref[0], agg_ref[1]], axis=1) * inv
  h = (jnp.dot(x_ref[...], ws_ref[...], preferred_element_type=jnp.float32)
       + jnp.dot(neigh, wn_ref[...], preferred_element_type=jnp.float32)
       + b_ref[...])
  h = jnp.maximum(h, 0.0)
  h_ref[...] = h
  for kk in range(4):
    hc_ref[kk] = h[:, kk * C:(kk + 1) * C]


def _combine1_body(h0_ref, agg_ref, deg_ref, ws_ref, wn_ref, b_ref, wn2_ref,
                   h_ref, pc_ref):
  inv = _inv_deg(deg_ref[...])
  neigh = jnp.concatenate([agg_ref[kk] for kk in range(4)], axis=1) * inv
  h = (jnp.dot(h0_ref[...], ws_ref[...], preferred_element_type=jnp.float32)
       + jnp.dot(neigh, wn_ref[...], preferred_element_type=jnp.float32)
       + b_ref[...])
  h = jnp.maximum(h, 0.0)
  h_ref[...] = h
  p = jnp.dot(h, wn2_ref[...], preferred_element_type=jnp.float32)
  for kk in range(2):
    pc_ref[kk] = p[:, kk * C:(kk + 1) * C]


def _combine2_body(h1_ref, agg_ref, deg_ref, ws_ref, b_ref, out_ref):
  inv = _inv_deg(deg_ref[...])
  neigh = jnp.concatenate([agg_ref[0], agg_ref[1]], axis=1) * inv
  out_ref[...] = (
      jnp.dot(h1_ref[...], ws_ref[...], preferred_element_type=jnp.float32)
      + neigh + b_ref[...])


def _row_spec(d):
  return pl.BlockSpec((RB, d), lambda i: (i, 0))


def _deg_spec():
  return pl.BlockSpec((1, RB, C), lambda i: (2, i, 0))


def _chunk_spec(k):
  return pl.BlockSpec((k, RB, C), lambda i: (0, i, 0))


def _full_spec(shape):
  nd = len(shape)
  return pl.BlockSpec(shape, lambda i: (0,) * nd)


_combine0 = pl.pallas_call(
    _combine0_body,
    grid=(GRID,),
    in_specs=[_row_spec(D_IN), _chunk_spec(3),
              _full_spec((D_IN, D_H)), _full_spec((D_IN, D_H)),
              _full_spec((1, D_H))],
    out_specs=[_row_spec(D_H), _chunk_spec(4)],
    out_shape=[jax.ShapeDtypeStruct((N, D_H), jnp.float32),
               jax.ShapeDtypeStruct((4, N, C), jnp.float32)],
)

_combine1 = pl.pallas_call(
    _combine1_body,
    grid=(GRID,),
    in_specs=[_row_spec(D_H), _chunk_spec(4), _deg_spec(),
              _full_spec((D_H, D_H)), _full_spec((D_H, D_H)),
              _full_spec((1, D_H)), _full_spec((D_H, D_OUT))],
    out_specs=[_row_spec(D_H), _chunk_spec(2)],
    out_shape=[jax.ShapeDtypeStruct((N, D_H), jnp.float32),
               jax.ShapeDtypeStruct((2, N, C), jnp.float32)],
)

_combine2 = pl.pallas_call(
    _combine2_body,
    grid=(GRID,),
    in_specs=[_row_spec(D_H), _chunk_spec(2), _deg_spec(),
              _full_spec((D_H, D_OUT)), _full_spec((1, D_OUT))],
    out_specs=_row_spec(D_OUT),
    out_shape=jax.ShapeDtypeStruct((N, D_OUT), jnp.float32),
)


def kernel(x, edge_index, W_self_0, W_neigh_0, b_0, W_self_1, W_neigh_1, b_1,
           W_self_2, W_neigh_2, b_2):
  src = edge_index[0]
  dst = edge_index[1]
  npad_e = EPAD - E
  pad_src = jnp.zeros((npad_e,), jnp.int32)
  pad_dst = N + (jnp.arange(npad_e, dtype=jnp.int32) % (NPAD - N))
  src_p = jnp.concatenate([src, pad_src]).reshape(NT, NW, WIN)
  dst_p = jnp.concatenate([dst, pad_dst]).reshape(NT, NW, WIN)

  x_c = x.reshape(N, 2, C).transpose(1, 0, 2)

  agg0 = _sc_agg_3(x_c, src_p, dst_p)
  h0, h0c = _combine0(x, agg0, W_self_0, W_neigh_0, b_0.reshape(1, D_H))
  agg1 = _sc_agg_4(h0c, src_p, dst_p)
  h1, pc = _combine1(h0, agg1, agg0, W_self_1, W_neigh_1,
                     b_1.reshape(1, D_H), W_neigh_2)
  agg2 = _sc_agg_2(pc, src_p, dst_p)
  out = _combine2(h1, agg2, agg0, W_self_2, b_2.reshape(1, D_OUT))
  return out

# --- scband reference (transcript-rebuilt; emitter-appended) ---
"""Pipeline reference for scband-sage-790273982580 (READ-ONLY COPY).

The authoritative reference and input builder live on the scoring server;
editing this copy changes nothing except your own understanding.
"""

import jax, jax.numpy as jnp
import numpy as np

N = 10000
E = 160000
D_IN = 256
D_H = 512
D_OUT = 256


def _init_w(key, fan_in, fan_out):
    s = 1.0 / np.sqrt(fan_in)
    return jax.random.uniform(key, (fan_in, fan_out), dtype=jnp.float32, minval=-s, maxval=s)


def setup_inputs(seed: int = 0):
    key = jax.random.key(seed)
    ks = jax.random.split(key, 12)
    x = jax.random.normal(ks[0], (N, D_IN), dtype=jnp.float32)
    edge_index = jax.random.randint(ks[1], (2, E), 0, N, dtype=jnp.int32)
    return {
        "x": x,
        "edge_index": edge_index,
        "W_self_0": _init_w(ks[2], D_IN, D_H),
        "W_neigh_0": _init_w(ks[3], D_IN, D_H),
        "b_0": jnp.zeros((D_H,), dtype=jnp.float32),
        "W_self_1": _init_w(ks[4], D_H, D_H),
        "W_neigh_1": _init_w(ks[5], D_H, D_H),
        "b_1": jnp.zeros((D_H,), dtype=jnp.float32),
        "W_self_2": _init_w(ks[6], D_H, D_OUT),
        "W_neigh_2": _init_w(ks[7], D_H, D_OUT),
        "b_2": jnp.zeros((D_OUT,), dtype=jnp.float32),
    }


def _sage_conv_mean(h, src, dst, W_self, W_neigh, b):
    # DGL SAGEConv(aggregator_type='mean'): fc_self(h_dst) + fc_neigh(mean_{u in N(v)} h_u)
    msg = jnp.take(h, src, axis=0)
    agg = jax.ops.segment_sum(msg, dst, num_segments=N)
    deg = jax.ops.segment_sum(jnp.ones((src.shape[0],), dtype=h.dtype), dst, num_segments=N)
    h_neigh = agg / jnp.clip(deg, 1.0, None)[:, None]
    return h @ W_self + h_neigh @ W_neigh + b


def reference(x, edge_index, W_self_0, W_neigh_0, b_0, W_self_1, W_neigh_1, b_1, W_self_2, W_neigh_2, b_2):
    src = edge_index[0]
    dst = edge_index[1]
    h = _sage_conv_mean(x, src, dst, W_self_0, W_neigh_0, b_0)
    h = jax.nn.relu(h)  # dropout inactive in eval mode
    h = _sage_conv_mean(h, src, dst, W_self_1, W_neigh_1, b_1)
    h = jax.nn.relu(h)
    h = _sage_conv_mean(h, src, dst, W_self_2, W_neigh_2, b_2)
    return h

if __name__ == "__main__":
    import jax
    _d = setup_inputs()
    print(jax.jit(kernel)(*tuple(_d.values())))

</pallas_src>

<mosaic_0001>
#map = affine_map<(d0, d1) -> (0, 0, 0)>
module attributes {stable_mosaic.version = 14 : i64} {
  func.func @body(%arg0: i32, %arg1: i32, %arg2: memref<2x10000x128xf32, #tpu.memory_space<hbm>>, %arg3: memref<16x79x128xi32, #tpu.memory_space<hbm>>, %arg4: memref<16x79x128xi32, #tpu.memory_space<hbm>>, %arg5: memref<2x10240x128xf32, #tpu.memory_space<hbm>>, %arg6: memref<79x128xi32, #tpu.memory_space<vmem>>, %arg7: memref<79x128xi32, #tpu.memory_space<vmem>>, %arg8: memref<128x128xf32, #tpu.memory_space<vmem>>, %arg9: memref<10240x128xf32, #tpu.memory_space<vmem_shared>>) attributes {dimension_semantics = [#tpu.dimension_semantics<core_parallel>, #tpu.dimension_semantics<subcore_parallel>], iteration_bounds = array<i64: 2, 16>, scalar_prefetch = 0 : i64, scratch_operands = 4 : i64, tpu.core_type = #tpu.core_type<sc_vector_subcore>, window_params = [{transform_indices = #map}, {transform_indices = #map}, {transform_indices = #map}, {transform_indices = #map}]} {
    "tpu.region"() ({
      %run_scoped3A = tpu.sem_alloc : memref<!tpu.dma_semaphore, #tpu.memory_space<semaphore_mem>>
      %dma_start3A = arith.constant 0 : i32
      %dma_start3A_7 = arith.constant 0 : i32
      %dma_start3A_8 = tpu.memref_slice %arg3[%arg1, %dma_start3A, %dma_start3A_7] : memref<16x79x128xi32, #tpu.memory_space<hbm>> -> memref<1x79x128xi32, #tpu.memory_space<hbm>>
      %dma_start3A_9 = tpu.memref_squeeze %dma_start3A_8 : memref<1x79x128xi32, #tpu.memory_space<hbm>> -> memref<79x128xi32, #tpu.memory_space<hbm>>
      %dma_start3A_10 = arith.constant 0 : i32
      %dma_start3A_11 = arith.constant 0 : i32
      %dma_start3A_12 = tpu.memref_slice %arg3[%arg1, %dma_start3A_10, %dma_start3A_11] : memref<16x79x128xi32, #tpu.memory_space<hbm>> -> memref<1x79x128xi32, #tpu.memory_space<hbm>>
      %dma_start3A_13 = tpu.memref_squeeze %dma_start3A_12 : memref<1x79x128xi32, #tpu.memory_space<hbm>> -> memref<79x128xi32, #tpu.memory_space<hbm>>
      tpu.enqueue_dma source(%dma_start3A_13 : memref<79x128xi32, #tpu.memory_space<hbm>>) target(%arg6 : memref<79x128xi32, #tpu.memory_space<vmem>>) target_semaphore(%run_scoped3A : memref<!tpu.dma_semaphore, #tpu.memory_space<semaphore_mem>>)
      %dma_wait3A = arith.constant 0 : i32
      %dma_wait3A_14 = arith.constant 0 : i32
      %dma_wait3A_15 = tpu.memref_slice %arg3[%arg1, %dma_wait3A, %dma_wait3A_14] : memref<16x79x128xi32, #tpu.memory_space<hbm>> -> memref<1x79x128xi32, #tpu.memory_space<hbm>>
      %dma_wait3A_16 = tpu.memref_squeeze %dma_wait3A_15 : memref<1x79x128xi32, #tpu.memory_space<hbm>> -> memref<79x128xi32, #tpu.memory_space<hbm>>
      %dma_wait3A_17 = arith.constant 0 : i32
      %dma_wait3A_18 = arith.constant 0 : i32
      %dma_wait3A_19 = tpu.memref_slice %arg3[%arg1, %dma_wait3A_17, %dma_wait3A_18] : memref<16x79x128xi32, #tpu.memory_space<hbm>> -> memref<1x79x128xi32, #tpu.memory_space<hbm>>
      %dma_wait3A_20 = tpu.memref_squeeze %dma_wait3A_19 : memref<1x79x128xi32, #tpu.memory_space<hbm>> -> memref<79x128xi32, #tpu.memory_space<hbm>>
      tpu.wait_dma2 semaphore(%run_scoped3A : memref<!tpu.dma_semaphore, #tpu.memory_space<semaphore_mem>>) src(%dma_wait3A_20 : memref<79x128xi32, #tpu.memory_space<hbm>>) dst(%arg6 : memref<79x128xi32, #tpu.memory_space<vmem>>)
      tpu.yield
    }) : () -> ()
    "tpu.region"() ({
      %run_scoped3A = tpu.sem_alloc : memref<!tpu.dma_semaphore, #tpu.memory_space<semaphore_mem>>
      %dma_start3A = arith.constant 0 : i32
      %dma_start3A_7 = arith.constant 0 : i32
      %dma_start3A_8 = tpu.memref_slice %arg4[%arg1, %dma_start3A, %dma_start3A_7] : memref<16x79x128xi32, #tpu.memory_space<hbm>> -> memref<1x79x128xi32, #tpu.memory_space<hbm>>
      %dma_start3A_9 = tpu.memref_squeeze %dma_start3A_8 : memref<1x79x128xi32, #tpu.memory_space<hbm>> -> memref<79x128xi32, #tpu.memory_space<hbm>>
      %dma_start3A_10 = arith.constant 0 : i32
      %dma_start3A_11 = arith.constant 0 : i32
      %dma_start3A_12 = tpu.memref_slice %arg4[%arg1, %dma_start3A_10, %dma_start3A_11] : memref<16x79x128xi32, #tpu.memory_space<hbm>> -> memref<1x79x128xi32, #tpu.memory_space<hbm>>
      %dma_start3A_13 = tpu.memref_squeeze %dma_start3A_12 : memref<1x79x128xi32, #tpu.memory_space<hbm>> -> memref<79x128xi32, #tpu.memory_space<hbm>>
      tpu.enqueue_dma source(%dma_start3A_13 : memref<79x128xi32, #tpu.memory_space<hbm>>) target(%arg7 : memref<79x128xi32, #tpu.memory_space<vmem>>) target_semaphore(%run_scoped3A : memref<!tpu.dma_semaphore, #tpu.memory_space<semaphore_mem>>)
      %dma_wait3A = arith.constant 0 : i32
      %dma_wait3A_14 = arith.constant 0 : i32
      %dma_wait3A_15 = tpu.memref_slice %arg4[%arg1, %dma_wait3A, %dma_wait3A_14] : memref<16x79x128xi32, #tpu.memory_space<hbm>> -> memref<1x79x128xi32, #tpu.memory_space<hbm>>
      %dma_wait3A_16 = tpu.memref_squeeze %dma_wait3A_15 : memref<1x79x128xi32, #tpu.memory_space<hbm>> -> memref<79x128xi32, #tpu.memory_space<hbm>>
      %dma_wait3A_17 = arith.constant 0 : i32
      %dma_wait3A_18 = arith.constant 0 : i32
      %dma_wait3A_19 = tpu.memref_slice %arg4[%arg1, %dma_wait3A_17, %dma_wait3A_18] : memref<16x79x128xi32, #tpu.memory_space<hbm>> -> memref<1x79x128xi32, #tpu.memory_space<hbm>>
      %dma_wait3A_20 = tpu.memref_squeeze %dma_wait3A_19 : memref<1x79x128xi32, #tpu.memory_space<hbm>> -> memref<79x128xi32, #tpu.memory_space<hbm>>
      tpu.wait_dma2 semaphore(%run_scoped3A : memref<!tpu.dma_semaphore, #tpu.memory_space<semaphore_mem>>) src(%dma_wait3A_20 : memref<79x128xi32, #tpu.memory_space<hbm>>) dst(%arg7 : memref<79x128xi32, #tpu.memory_space<vmem>>)
      tpu.yield
    }) : () -> ()
    %eq3A = arith.constant 0 : i32
    %eq3A_0 = arith.cmpi eq, %arg0, %eq3A : i32
    %convert_element_type3A = arith.extui %eq3A_0 : i1 to i32
    %cond3A = arith.constant 0 : i32
    %cond3A_1 = arith.cmpi ne, %convert_element_type3A, %cond3A : i32
    scf.if %cond3A_1 {
      %scan3A = arith.constant 0 : i32
      %scan3A_7 = arith.constant 128 : i32
      %scan3A_8 = arith.addi %scan3A, %scan3A_7 : i32
      %scan3A_9 = arith.constant 1 : i32
      scf.for %scan3A_40 = %scan3A to %scan3A_8 step %scan3A_9  : i32 {
        %mul3A_41 = arith.constant 1 : i32
        %mul3A_42 = arith.muli %scan3A_40, %mul3A_41 : i32
        %add3A_43 = arith.constant 0 : i32
        %add3A_44 = arith.addi %add3A_43, %mul3A_42 : i32
        %scan3A_45 = arith.constant 0 : i32
        %scan3A_46 = arith.constant 8 : i32
        %scan3A_47 = arith.addi %scan3A_45, %scan3A_46 : i32
        %scan3A_48 = arith.constant 1 : i32
        scf.for %scan3A_50 = %scan3A_45 to %scan3A_47 step %scan3A_48  : i32 {
          %mul3A_51 = arith.constant 16 : i32
          %mul3A_52 = arith.muli %scan3A_50, %mul3A_51 : i32
          %add3A_53 = arith.constant 0 : i32
          %add3A_54 = arith.addi %add3A_53, %mul3A_52 : i32
          %broadcast_in_dim3A = arith.constant 0.000000e+00 : f32
          %broadcast_in_dim3A_55 = vector.broadcast %broadcast_in_dim3A : f32 to vector<16xf32>
          %swap3A = arith.index_cast %add3A_44 : i32 to index
          %swap3A_56 = arith.index_cast %add3A_54 : i32 to index
          %swap3A_57 = tpu.vector_load %arg8[%swap3A, %swap3A_56] {strides = array<i32>} : memref<128x128xf32, #tpu.memory_space<vmem>>, vector<1x16xf32>,
          %swap3A_58 = vector.shape_cast %swap3A_57 : vector<1x16xf32> to vector<16xf32>
          %swap3A_59 = vector.shape_cast %broadcast_in_dim3A_55 : vector<16xf32> to vector<1x16xf32>
          tpu.vector_store %arg8[%swap3A, %swap3A_56], %swap3A_59 {strides = array<i32>} : memref<128x128xf32, #tpu.memory_space<vmem>>, vector<1x16xf32>,
        }
        %scan3A_49 = arith.constant 8 : i32
      }
      %scan3A_10 = arith.constant 128 : i32
      %mul3A = arith.constant 640 : i32
      %mul3A_11 = arith.muli %arg1, %mul3A : i32
      %add3A = arith.constant 0 : i32
      %add3A_12 = arith.addi %mul3A_11, %add3A : i32
      "tpu.region"() ({
        %run_scoped3A_40 = tpu.sem_alloc : memref<!tpu.dma_semaphore, #tpu.memory_space<semaphore_mem>>
        %dma_start3A = arith.constant 0 : i32
        %dma_start3A_41 = tpu.memref_slice %arg9[%add3A_12, %dma_start3A] : memref<10240x128xf32, #tpu.memory_space<vmem_shared>> -> memref<128x128xf32, #tpu.memory_space<vmem_shared>>
        %dma_start3A_42 = arith.constant 0 : i32
        %dma_start3A_43 = tpu.memref_slice %arg9[%add3A_12, %dma_start3A_42] : memref<10240x128xf32, #tpu.memory_space<vmem_shared>> -> memref<128x128xf32, #tpu.memory_space<vmem_shared>>
        tpu.enqueue_dma source(%arg8 : memref<128x128xf32, #tpu.memory_space<vmem>>) target(%dma_start3A_43 : memref<128x128xf32, #tpu.memory_space<vmem_shared>>) target_semaphore(%run_scoped3A_40 : memref<!tpu.dma_semaphore, #tpu.memory_space<semaphore_mem>>)
        %dma_wait3A = arith.constant 0 : i32
        %dma_wait3A_44 = tpu.memref_slice %arg9[%add3A_12, %dma_wait3A] : memref<10240x128xf32, #tpu.memory_space<vmem_shared>> -> memref<128x128xf32, #tpu.memory_space<vmem_shared>>
        %dma_wait3A_45 = arith.constant 0 : i32
        %dma_wait3A_46 = tpu.memref_slice %arg9[%add3A_12, %dma_wait3A_45] : memref<10240x128xf32, #tpu.memory_space<vmem_shared>> -> memref<128x128xf32, #tpu.memory_space<vmem_shared>>
        tpu.wait_dma2 semaphore(%run_scoped3A_40 : memref<!tpu.dma_semaphore, #tpu.memory_space<semaphore_mem>>) src(%arg8 : memref<128x128xf32, #tpu.memory_space<vmem>>) dst(%dma_wait3A_46 : memref<128x128xf32, #tpu.memory_space<vmem_shared>>)
        tpu.yield
      }) : () -> ()
      %mul3A_13 = arith.constant 640 : i32
      %mul3A_14 = arith.muli %arg1, %mul3A_13 : i32
      %add3A_15 = arith.constant 128 : i32
      %add3A_16 = arith.addi %mul3A_14, %add3A_15 : i32
      "tpu.region"() ({
        %run_scoped3A_40 = tpu.sem_alloc : memref<!tpu.dma_semaphore, #tpu.memory_space<semaphore_mem>>
        %dma_start3A = arith.constant 0 : i32
        %dma_start3A_41 = tpu.memref_slice %arg9[%add3A_16, %dma_start3A] : memref<10240x128xf32, #tpu.memory_space<vmem_shared>> -> memref<128x128xf32, #tpu.memory_space<vmem_shared>>
        %dma_start3A_42 = arith.constant 0 : i32
        %dma_start3A_43 = tpu.memref_slice %arg9[%add3A_16, %dma_start3A_42] : memref<10240x128xf32, #tpu.memory_space<vmem_shared>> -> memref<128x128xf32, #tpu.memory_space<vmem_shared>>
        tpu.enqueue_dma source(%arg8 : memref<128x128xf32, #tpu.memory_space<vmem>>) target(%dma_start3A_43 : memref<128x128xf32, #tpu.memory_space<vmem_shared>>) target_semaphore(%run_scoped3A_40 : memref<!tpu.dma_semaphore, #tpu.memory_space<semaphore_mem>>)
        %dma_wait3A = arith.constant 0 : i32
        %dma_wait3A_44 = tpu.memref_slice %arg9[%add3A_16, %dma_wait3A] : memref<10240x128xf32, #tpu.memory_space<vmem_shared>> -> memref<128x128xf32, #tpu.memory_space<vmem_shared>>
        %dma_wait3A_45 = arith.constant 0 : i32
        %dma_wait3A_46 = tpu.memref_slice %arg9[%add3A_16, %dma_wait3A_45] : memref<10240x128xf32, #tpu.memory_space<vmem_shared>> -> memref<128x128xf32, #tpu.memory_space<vmem_shared>>
        tpu.wait_dma2 semaphore(%run_scoped3A_40 : memref<!tpu.dma_semaphore, #tpu.memory_space<semaphore_mem>>) src(%arg8 : memref<128x128xf32, #tpu.memory_space<vmem>>) dst(%dma_wait3A_46 : memref<128x128xf32, #tpu.memory_space<vmem_shared>>)
        tpu.yield
      }) : () -> ()
      %mul3A_17 = arith.constant 640 : i32
      %mul3A_18 = arith.muli %arg1, %mul3A_17 : i32
      %add3A_19 = arith.constant 256 : i32
      %add3A_20 = arith.addi %mul3A_18, %add3A_19 : i32
      "tpu.region"() ({
        %run_scoped3A_40 = tpu.sem_alloc : memref<!tpu.dma_semaphore, #tpu.memory_space<semaphore_mem>>
        %dma_start3A = arith.constant 0 : i32
        %dma_start3A_41 = tpu.memref_slice %arg9[%add3A_20, %dma_start3A] : memref<10240x128xf32, #tpu.memory_space<vmem_shared>> -> memref<128x128xf32, #tpu.memory_space<vmem_shared>>
        %dma_start3A_42 = arith.constant 0 : i32
        %dma_start3A_43 = tpu.memref_slice %arg9[%add3A_20, %dma_start3A_42] : memref<10240x128xf32, #tpu.memory_space<vmem_shared>> -> memref<128x128xf32, #tpu.memory_space<vmem_shared>>
        tpu.enqueue_dma source(%arg8 : memref<128x128xf32, #tpu.memory_space<vmem>>) target(%dma_start3A_43 : memref<128x128xf32, #tpu.memory_space<vmem_shared>>) target_semaphore(%run_scoped3A_40 : memref<!tpu.dma_semaphore, #tpu.memory_space<semaphore_mem>>)
        %dma_wait3A = arith.constant 0 : i32
        %dma_wait3A_44 = tpu.memref_slice %arg9[%add3A_20, %dma_wait3A] : memref<10240x128xf32, #tpu.memory_space<vmem_shared>> -> memref<128x128xf32, #tpu.memory_space<vmem_shared>>
        %dma_wait3A_45 = arith.constant 0 : i32
        %dma_wait3A_46 = tpu.memref_slice %arg9[%add3A_20, %dma_wait3A_45] : memref<10240x128xf32, #tpu.memory_space<vmem_shared>> -> memref<128x128xf32, #tpu.memory_space<vmem_shared>>
        tpu.wait_dma2 semaphore(%run_scoped3A_40 : memref<!tpu.dma_semaphore, #tpu.memory_space<semaphore_mem>>) src(%arg8 : memref<128x128xf32, #tpu.memory_space<vmem>>) dst(%dma_wait3A_46 : memref<128x128xf32, #tpu.memory_space<vmem_shared>>)
        tpu.yield
      }) : () -> ()
      %mul3A_21 = arith.constant 640 : i32
      %mul3A_22 = arith.muli %arg1, %mul3A_21 : i32
      %add3A_23 = arith.constant 384 : i32
      %add3A_24 = arith.addi %mul3A_22, %add3A_23 : i32
      "tpu.region"() ({
        %run_scoped3A_40 = tpu.sem_alloc : memref<!tpu.dma_semaphore, #tpu.memory_space<semaphore_mem>>
        %dma_start3A = arith.constant 0 : i32
        %dma_start3A_41 = tpu.memref_slice %arg9[%add3A_24, %dma_start3A] : memref<10240x128xf32, #tpu.memory_space<vmem_shared>> -> memref<128x128xf32, #tpu.memory_space<vmem_shared>>
        %dma_start3A_42 = arith.constant 0 : i32
        %dma_start3A_43 = tpu.memref_slice %arg9[%add3A_24, %dma_start3A_42] : memref<10240x128xf32, #tpu.memory_space<vmem_shared>> -> memref<128x128xf32, #tpu.memory_space<vmem_shared>>
        tpu.enqueue_dma source(%arg8 : memref<128x128xf32, #tpu.memory_space<vmem>>) target(%dma_start3A_43 : memref<128x128xf32, #tpu.memory_space<vmem_shared>>) target_semaphore(%run_scoped3A_40 : memref<!tpu.dma_semaphore, #tpu.memory_space<semaphore_mem>>)
        %dma_wait3A = arith.constant 0 : i32
        %dma_wait3A_44 = tpu.memref_slice %arg9[%add3A_24, %dma_wait3A] : memref<10240x128xf32, #tpu.memory_space<vmem_shared>> -> memref<128x128xf32, #tpu.memory_space<vmem_shared>>
        %dma_wait3A_45 = arith.constant 0 : i32
        %dma_wait3A_46 = tpu.memref_slice %arg9[%add3A_24, %dma_wait3A_45] : memref<10240x128xf32, #tpu.memory_space<vmem_shared>> -> memref<128x128xf32, #tpu.memory_space<vmem_shared>>
        tpu.wait_dma2 semaphore(%run_scoped3A_40 : memref<!tpu.dma_semaphore, #tpu.memory_space<semaphore_mem>>) src(%arg8 : memref<128x128xf32, #tpu.memory_space<vmem>>) dst(%dma_wait3A_46 : memref<128x128xf32, #tpu.memory_space<vmem_shared>>)
        tpu.yield
      }) : () -> ()
      %mul3A_25 = arith.constant 640 : i32
      %mul3A_26 = arith.muli %arg1, %mul3A_25 : i32
      %add3A_27 = arith.constant 512 : i32
      %add3A_28 = arith.addi %mul3A_26, %add3A_27 : i32
      "tpu.region"() ({
        %run_scoped3A_40 = tpu.sem_alloc : memref<!tpu.dma_semaphore, #tpu.memory_space<semaphore_mem>>
        %dma_start3A = arith.constant 0 : i32
        %dma_start3A_41 = tpu.memref_slice %arg9[%add3A_28, %dma_start3A] : memref<10240x128xf32, #tpu.memory_space<vmem_shared>> -> memref<128x128xf32, #tpu.memory_space<vmem_shared>>
        %dma_start3A_42 = arith.constant 0 : i32
        %dma_start3A_43 = tpu.memref_slice %arg9[%add3A_28, %dma_start3A_42] : memref<10240x128xf32, #tpu.memory_space<vmem_shared>> -> memref<128x128xf32, #tpu.memory_space<vmem_shared>>
        tpu.enqueue_dma source(%arg8 : memref<128x128xf32, #tpu.memory_space<vmem>>) target(%dma_start3A_43 : memref<128x128xf32, #tpu.memory_space<vmem_shared>>) target_semaphore(%run_scoped3A_40 : memref<!tpu.dma_semaphore, #tpu.memory_space<semaphore_mem>>)
        %dma_wait3A = arith.constant 0 : i32
        %dma_wait3A_44 = tpu.memref_slice %arg9[%add3A_28, %dma_wait3A] : memref<10240x128xf32, #tpu.memory_space<vmem_shared>> -> memref<128x128xf32, #tpu.memory_space<vmem_shared>>
        %dma_wait3A_45 = arith.constant 0 : i32
        %dma_wait3A_46 = tpu.memref_slice %arg9[%add3A_28, %dma_wait3A_45] : memref<10240x128xf32, #tpu.memory_space<vmem_shared>> -> memref<128x128xf32, #tpu.memory_space<vmem_shared>>
        tpu.wait_dma2 semaphore(%run_scoped3A_40 : memref<!tpu.dma_semaphore, #tpu.memory_space<semaphore_mem>>) src(%arg8 : memref<128x128xf32, #tpu.memory_space<vmem>>) dst(%dma_wait3A_46 : memref<128x128xf32, #tpu.memory_space<vmem_shared>>)
        tpu.yield
      }) : () -> ()
      %barrier3A = arith.constant 0 : index
      tpu.barrier barrier_id(%barrier3A)
      %scan3A_29 = arith.constant 0 : i32
      %scan3A_30 = arith.constant 79 : i32
      %scan3A_31 = arith.addi %scan3A_29, %scan3A_30 : i32
      %scan3A_32 = arith.constant 1 : i32
      scf.for %scan3A_40 = %scan3A_29 to %scan3A_31 step %scan3A_32  : i32 {
        %mul3A_41 = arith.constant 1 : i32
        %mul3A_42 = arith.muli %scan3A_40, %mul3A_41 : i32
        %add3A_43 = arith.constant 0 : i32
        %add3A_44 = arith.addi %add3A_43, %mul3A_42 : i32
        %run_scoped3A_45 = arith.constant 0 : i32
        "tpu.region"() ({
          %run_scoped3A_46 = tpu.sem_alloc : memref<!tpu.dma_semaphore, #tpu.memory_space<semaphore_mem>>
          %dma_start3A = arith.constant 0 : i32
          %dma_start3A_47 = tpu.memref_slice %arg6[%add3A_44, %dma_start3A] : memref<79x128xi32, #tpu.memory_space<vmem>> -> memref<1x128xi32, #tpu.memory_space<vmem>>
          %dma_start3A_48 = tpu.memref_squeeze %dma_start3A_47 : memref<1x128xi32, #tpu.memory_space<vmem>> -> memref<128xi32, #tpu.memory_space<vmem>>
          %dma_start3A_49 = arith.constant 0 : i32
          %dma_start3A_50 = arith.constant 0 : i32
          %dma_start3A_51 = tpu.memref_slice %arg2[%run_scoped3A_45, %dma_start3A_49, %dma_start3A_50] : memref<2x10000x128xf32, #tpu.memory_space<hbm>> -> memref<1x10000x128xf32, #tpu.memory_space<hbm>>
          %dma_start3A_52 = tpu.memref_squeeze %dma_start3A_51 : memref<1x10000x128xf32, #tpu.memory_space<hbm>> -> memref<10000x128xf32, #tpu.memory_space<hbm>>
          %dma_start3A_53 = arith.constant 0 : i32
          %dma_start3A_54 = arith.constant 0 : i32
          %dma_start3A_55 = tpu.memref_slice %dma_start3A_52[%dma_start3A_53, %dma_start3A_54] : memref<10000x128xf32, #tpu.memory_space<hbm>> -> memref<10000x128xf32, #tpu.memory_space<hbm>>
          tpu.enqueue_indirect_dma source(%dma_start3A_55 : memref<10000x128xf32, #tpu.memory_space<hbm>>) target(%arg8 : memref<128x128xf32, #tpu.memory_space<vmem>>) offsets(%dma_start3A_48 : memref<128xi32, #tpu.memory_space<vmem>>) semaphore(%run_scoped3A_46 : memref<!tpu.dma_semaphore, #tpu.memory_space<semaphore_mem>>)
          %dma_wait3A = arith.constant 0 : i32
          %dma_wait3A_56 = tpu.memref_slice %arg6[%add3A_44, %dma_wait3A] : memref<79x128xi32, #tpu.memory_space<vmem>> -> memref<1x128xi32, #tpu.memory_space<vmem>>
          %dma_wait3A_57 = tpu.memref_squeeze %dma_wait3A_56 : memref<1x128xi32, #tpu.memory_space<vmem>> -> memref<128xi32, #tpu.memory_space<vmem>>
          %dma_wait3A_58 = arith.constant 0 : i32
          %dma_wait3A_59 = arith.constant 0 : i32
          %dma_wait3A_60 = tpu.memref_slice %arg2[%run_scoped3A_45, %dma_wait3A_58, %dma_wait3A_59] : memref<2x10000x128xf32, #tpu.memory_space<hbm>> -> memref<1x10000x128xf32, #tpu.memory_space<hbm>>
          %dma_wait3A_61 = tpu.memref_squeeze %dma_wait3A_60 : memref<1x10000x128xf32, #tpu.memory_space<hbm>> -> memref<10000x128xf32, #tpu.memory_space<hbm>>
          %dma_wait3A_62 = arith.constant 0 : i32
          %dma_wait3A_63 = arith.constant 0 : i32
          %dma_wait3A_64 = tpu.memref_slice %dma_wait3A_61[%dma_wait3A_62, %dma_wait3A_63] : memref<10000x128xf32, #tpu.memory_space<hbm>> -> memref<10000x128xf32, #tpu.memory_space<hbm>>
          tpu.wait_indirect_dma semaphore(%run_scoped3A_46 : memref<!tpu.dma_semaphore, #tpu.memory_space<semaphore_mem>>) src(%dma_wait3A_64 : memref<10000x128xf32, #tpu.memory_space<hbm>>) dst(%arg8 : memref<128x128xf32, #tpu.memory_space<vmem>>)
          tpu.yield
        }) : () -> ()
        "tpu.region"() ({
          %run_scoped3A_46 = tpu.sem_alloc : memref<!tpu.dma_semaphore, #tpu.memory_space<semaphore_mem>>
          %dma_start3A = arith.constant 0 : i32
          %dma_start3A_47 = tpu.memref_slice %arg7[%add3A_44, %dma_start3A] : memref<79x128xi32, #tpu.memory_space<vmem>> -> memref<1x128xi32, #tpu.memory_space<vmem>>
          %dma_start3A_48 = tpu.memref_squeeze %dma_start3A_47 : memref<1x128xi32, #tpu.memory_space<vmem>> -> memref<128xi32, #tpu.memory_space<vmem>>
          %dma_start3A_49 = arith.constant 0 : i32
          %dma_start3A_50 = arith.constant 0 : i32
          %dma_start3A_51 = tpu.memref_slice %arg9[%dma_start3A_49, %dma_start3A_50] : memref<10240x128xf32, #tpu.memory_space<vmem_shared>> -> memref<10240x128xf32, #tpu.memory_space<vmem_shared>>
          tpu.enqueue_indirect_dma source(%arg8 : memref<128x128xf32, #tpu.memory_space<vmem>>) target(%dma_start3A_51 : memref<10240x128xf32, #tpu.memory_space<vmem_shared>>) offsets(%dma_start3A_48 : memref<128xi32, #tpu.memory_space<vmem>>) semaphore(%run_scoped3A_46 : memref<!tpu.dma_semaphore, #tpu.memory_space<semaphore_mem>>) {add = true}
          %dma_wait3A = arith.constant 0 : i32
          %dma_wait3A_52 = tpu.memref_slice %arg7[%add3A_44, %dma_wait3A] : memref<79x128xi32, #tpu.memory_space<vmem>> -> memref<1x128xi32, #tpu.memory_space<vmem>>
          %dma_wait3A_53 = tpu.memref_squeeze %dma_wait3A_52 : memref<1x128xi32, #tpu.memory_space<vmem>> -> memref<128xi32, #tpu.memory_space<vmem>>
          %dma_wait3A_54 = arith.constant 0 : i32
          %dma_wait3A_55 = arith.constant 0 : i32
          %dma_wait3A_56 = tpu.memref_slice %arg9[%dma_wait3A_54, %dma_wait3A_55] : memref<10240x128xf32, #tpu.memory_space<vmem_shared>> -> memref<10240x128xf32, #tpu.memory_space<vmem_shared>>
          tpu.wait_indirect_dma semaphore(%run_scoped3A_46 : memref<!tpu.dma_semaphore, #tpu.memory_space<semaphore_mem>>) src(%arg8 : memref<128x128xf32, #tpu.memory_space<vmem>>) dst(%dma_wait3A_56 : memref<10240x128xf32, #tpu.memory_space<vmem_shared>>)
          tpu.yield
        }) : () -> ()
      }
      %scan3A_33 = arith.constant 79 : i32
      %barrier3A_34 = arith.constant 0 : index
      tpu.barrier barrier_id(%barrier3A_34)
      %mul3A_35 = arith.constant 640 : i32
      %mul3A_36 = arith.muli %arg1, %mul3A_35 : i32
      %mul3A_37 = arith.constant 640 : i32
      %mul3A_38 = arith.muli %arg1, %mul3A_37 : i32
      %run_scoped3A = arith.constant 0 : i32
      "tpu.region"() ({
        %run_scoped3A_40 = tpu.sem_alloc : memref<!tpu.dma_semaphore, #tpu.memory_space<semaphore_mem>>
        %dma_start3A = arith.constant 0 : i32
        %dma_start3A_41 = arith.constant 0 : i32
        %dma_start3A_42 = tpu.memref_slice %arg5[%run_scoped3A, %dma_start3A, %dma_start3A_41] : memref<2x10240x128xf32, #tpu.memory_space<hbm>> -> memref<1x10240x128xf32, #tpu.memory_space<hbm>>
        %dma_start3A_43 = tpu.memref_squeeze %dma_start3A_42 : memref<1x10240x128xf32, #tpu.memory_space<hbm>> -> memref<10240x128xf32, #tpu.memory_space<hbm>>
        %dma_start3A_44 = arith.constant 0 : i32
        %dma_start3A_45 = tpu.memref_slice %dma_start3A_43[%mul3A_38, %dma_start3A_44] : memref<10240x128xf32, #tpu.memory_space<hbm>> -> memref<640x128xf32, #tpu.memory_space<hbm>>
        %dma_start3A_46 = arith.constant 0 : i32
        %dma_start3A_47 = tpu.memref_slice %arg9[%mul3A_36, %dma_start3A_46] : memref<10240x128xf32, #tpu.memory_space<vmem_shared>> -> memref<640x128xf32, #tpu.memory_space<vmem_shared>>
        tpu.enqueue_dma source(%dma_start3A_47 : memref<640x128xf32, #tpu.memory_space<vmem_shared>>) target(%dma_start3A_45 : memref<640x128xf32, #tpu.memory_space<hbm>>) target_semaphore(%run_scoped3A_40 : memref<!tpu.dma_semaphore, #tpu.memory_space<semaphore_mem>>)
        %dma_wait3A = arith.constant 0 : i32
        %dma_wait3A_48 = arith.constant 0 : i32
        %dma_wait3A_49 = tpu.memref_slice %arg5[%run_scoped3A, %dma_wait3A, %dma_wait3A_48] : memref<2x10240x128xf32, #tpu.memory_space<hbm>> -> memref<1x10240x128xf32, #tpu.memory_space<hbm>>
        %dma_wait3A_50 = tpu.memref_squeeze %dma_wait3A_49 : memref<1x10240x128xf32, #tpu.memory_space<hbm>> -> memref<10240x128xf32, #tpu.memory_space<hbm>>
        %dma_wait3A_51 = arith.constant 0 : i32
        %dma_wait3A_52 = tpu.memref_slice %dma_wait3A_50[%mul3A_38, %dma_wait3A_51] : memref<10240x128xf32, #tpu.memory_space<hbm>> -> memref<640x128xf32, #tpu.memory_space<hbm>>
        %dma_wait3A_53 = arith.constant 0 : i32
        %dma_wait3A_54 = tpu.memref_slice %arg9[%mul3A_36, %dma_wait3A_53] : memref<10240x128xf32, #tpu.memory_space<vmem_shared>> -> memref<640x128xf32, #tpu.memory_space<vmem_shared>>
        tpu.wait_dma2 semaphore(%run_scoped3A_40 : memref<!tpu.dma_semaphore, #tpu.memory_space<semaphore_mem>>) src(%dma_wait3A_54 : memref<640x128xf32, #tpu.memory_space<vmem_shared>>) dst(%dma_wait3A_52 : memref<640x128xf32, #tpu.memory_space<hbm>>)
        tpu.yield
      }) : () -> ()
      %barrier3A_39 = arith.constant 0 : index
      tpu.barrier barrier_id(%barrier3A_39)
    } else {
    }
    %eq3A_2 = arith.constant 1 : i32
    %eq3A_3 = arith.cmpi eq, %arg0, %eq3A_2 : i32
    %convert_element_type3A_4 = arith.extui %eq3A_3 : i1 to i32
    %cond3A_5 = arith.constant 0 : i32
    %cond3A_6 = arith.cmpi ne, %convert_element_type3A_4, %cond3A_5 : i32
    scf.if %cond3A_6 {
      %scan3A = arith.constant 0 : i32
      %scan3A_7 = arith.constant 128 : i32
      %scan3A_8 = arith.addi %scan3A, %scan3A_7 : i32
      %scan3A_9 = arith.constant 1 : i32
      scf.for %scan3A_40 = %scan3A to %scan3A_8 step %scan3A_9  : i32 {
        %mul3A_41 = arith.constant 1 : i32
        %mul3A_42 = arith.muli %scan3A_40, %mul3A_41 : i32
        %add3A_43 = arith.constant 0 : i32
        %add3A_44 = arith.addi %add3A_43, %mul3A_42 : i32
        %scan3A_45 = arith.constant 0 : i32
        %scan3A_46 = arith.constant 8 : i32
        %scan3A_47 = arith.addi %scan3A_45, %scan3A_46 : i32
        %scan3A_48 = arith.constant 1 : i32
        scf.for %scan3A_50 = %scan3A_45 to %scan3A_47 step %scan3A_48  : i32 {
          %mul3A_51 = arith.constant 16 : i32
          %mul3A_52 = arith.muli %scan3A_50, %mul3A_51 : i32
          %add3A_53 = arith.constant 0 : i32
          %add3A_54 = arith.addi %add3A_53, %mul3A_52 : i32
          %broadcast_in_dim3A = arith.constant 0.000000e+00 : f32
          %broadcast_in_dim3A_55 = vector.broadcast %broadcast_in_dim3A : f32 to vector<16xf32>
          %swap3A = arith.index_cast %add3A_44 : i32 to index
          %swap3A_56 = arith.index_cast %add3A_54 : i32 to index
          %swap3A_57 = tpu.vector_load %arg8[%swap3A, %swap3A_56] {strides = array<i32>} : memref<128x128xf32, #tpu.memory_space<vmem>>, vector<1x16xf32>,
          %swap3A_58 = vector.shape_cast %swap3A_57 : vector<1x16xf32> to vector<16xf32>
          %swap3A_59 = vector.shape_cast %broadcast_in_dim3A_55 : vector<16xf32> to vector<1x16xf32>
          tpu.vector_store %arg8[%swap3A, %swap3A_56], %swap3A_59 {strides = array<i32>} : memref<128x128xf32, #tpu.memory_space<vmem>>, vector<1x16xf32>,
        }
        %scan3A_49 = arith.constant 8 : i32
      }
      %scan3A_10 = arith.constant 128 : i32
      %mul3A = arith.constant 640 : i32
      %mul3A_11 = arith.muli %arg1, %mul3A : i32
      %add3A = arith.constant 0 : i32
      %add3A_12 = arith.addi %mul3A_11, %add3A : i32
      "tpu.region"() ({
        %run_scoped3A_40 = tpu.sem_alloc : memref<!tpu.dma_semaphore, #tpu.memory_space<semaphore_mem>>
        %dma_start3A = arith.constant 0 : i32
        %dma_start3A_41 = tpu.memref_slice %arg9[%add3A_12, %dma_start3A] : memref<10240x128xf32, #tpu.memory_space<vmem_shared>> -> memref<128x128xf32, #tpu.memory_space<vmem_shared>>
        %dma_start3A_42 = arith.constant 0 : i32
        %dma_start3A_43 = tpu.memref_slice %arg9[%add3A_12, %dma_start3A_42] : memref<10240x128xf32, #tpu.memory_space<vmem_shared>> -> memref<128x128xf32, #tpu.memory_space<vmem_shared>>
        tpu.enqueue_dma source(%arg8 : memref<128x128xf32, #tpu.memory_space<vmem>>) target(%dma_start3A_43 : memref<128x128xf32, #tpu.memory_space<vmem_shared>>) target_semaphore(%run_scoped3A_40 : memref<!tpu.dma_semaphore, #tpu.memory_space<semaphore_mem>>)
        %dma_wait3A = arith.constant 0 : i32
        %dma_wait3A_44 = tpu.memref_slice %arg9[%add3A_12, %dma_wait3A] : memref<10240x128xf32, #tpu.memory_space<vmem_shared>> -> memref<128x128xf32, #tpu.memory_space<vmem_shared>>
        %dma_wait3A_45 = arith.constant 0 : i32
        %dma_wait3A_46 = tpu.memref_slice %arg9[%add3A_12, %dma_wait3A_45] : memref<10240x128xf32, #tpu.memory_space<vmem_shared>> -> memref<128x128xf32, #tpu.memory_space<vmem_shared>>
        tpu.wait_dma2 semaphore(%run_scoped3A_40 : memref<!tpu.dma_semaphore, #tpu.memory_space<semaphore_mem>>) src(%arg8 : memref<128x128xf32, #tpu.memory_space<vmem>>) dst(%dma_wait3A_46 : memref<128x128xf32, #tpu.memory_space<vmem_shared>>)
        tpu.yield
      }) : () -> ()
      %mul3A_13 = arith.constant 640 : i32
      %mul3A_14 = arith.muli %arg1, %mul3A_13 : i32
      %add3A_15 = arith.constant 128 : i32
      %add3A_16 = arith.addi %mul3A_14, %add3A_15 : i32
      "tpu.region"() ({
        %run_scoped3A_40 = tpu.sem_alloc : memref<!tpu.dma_semaphore, #tpu.memory_space<semaphore_mem>>
        %dma_start3A = arith.constant 0 : i32
        %dma_start3A_41 = tpu.memref_slice %arg9[%add3A_16, %dma_start3A] : memref<10240x128xf32, #tpu.memory_space<vmem_shared>> -> memref<128x128xf32, #tpu.memory_space<vmem_shared>>
        %dma_start3A_42 = arith.constant 0 : i32
        %dma_start3A_43 = tpu.memref_slice %arg9[%add3A_16, %dma_start3A_42] : memref<10240x128xf32, #tpu.memory_space<vmem_shared>> -> memref<128x128xf32, #tpu.memory_space<vmem_shared>>
        tpu.enqueue_dma source(%arg8 : memref<128x128xf32, #tpu.memory_space<vmem>>) target(%dma_start3A_43 : memref<128x128xf32, #tpu.memory_space<vmem_shared>>) target_semaphore(%run_scoped3A_40 : memref<!tpu.dma_semaphore, #tpu.memory_space<semaphore_mem>>)
        %dma_wait3A = arith.constant 0 : i32
        %dma_wait3A_44 = tpu.memref_slice %arg9[%add3A_16, %dma_wait3A] : memref<10240x128xf32, #tpu.memory_space<vmem_shared>> -> memref<128x128xf32, #tpu.memory_space<vmem_shared>>
        %dma_wait3A_45 = arith.constant 0 : i32
        %dma_wait3A_46 = tpu.memref_slice %arg9[%add3A_16, %dma_wait3A_45] : memref<10240x128xf32, #tpu.memory_space<vmem_shared>> -> memref<128x128xf32, #tpu.memory_space<vmem_shared>>
        tpu.wait_dma2 semaphore(%run_scoped3A_40 : memref<!tpu.dma_semaphore, #tpu.memory_space<semaphore_mem>>) src(%arg8 : memref<128x128xf32, #tpu.memory_space<vmem>>) dst(%dma_wait3A_46 : memref<128x128xf32, #tpu.memory_space<vmem_shared>>)
        tpu.yield
      }) : () -> ()
      %mul3A_17 = arith.constant 640 : i32
      %mul3A_18 = arith.muli %arg1, %mul3A_17 : i32
      %add3A_19 = arith.constant 256 : i32
      %add3A_20 = arith.addi %mul3A_18, %add3A_19 : i32
      "tpu.region"() ({
        %run_scoped3A_40 = tpu.sem_alloc : memref<!tpu.dma_semaphore, #tpu.memory_space<semaphore_mem>>
        %dma_start3A = arith.constant 0 : i32
        %dma_start3A_41 = tpu.memref_slice %arg9[%add3A_20, %dma_start3A] : memref<10240x128xf32, #tpu.memory_space<vmem_shared>> -> memref<128x128xf32, #tpu.memory_space<vmem_shared>>
        %dma_start3A_42 = arith.constant 0 : i32
        %dma_start3A_43 = tpu.memref_slice %arg9[%add3A_20, %dma_start3A_42] : memref<10240x128xf32, #tpu.memory_space<vmem_shared>> -> memref<128x128xf32, #tpu.memory_space<vmem_shared>>
        tpu.enqueue_dma source(%arg8 : memref<128x128xf32, #tpu.memory_space<vmem>>) target(%dma_start3A_43 : memref<128x128xf32, #tpu.memory_space<vmem_shared>>) target_semaphore(%run_scoped3A_40 : memref<!tpu.dma_semaphore, #tpu.memory_space<semaphore_mem>>)
        %dma_wait3A = arith.constant 0 : i32
        %dma_wait3A_44 = tpu.memref_slice %arg9[%add3A_20, %dma_wait3A] : memref<10240x128xf32, #tpu.memory_space<vmem_shared>> -> memref<128x128xf32, #tpu.memory_space<vmem_shared>>
        %dma_wait3A_45 = arith.constant 0 : i32
        %dma_wait3A_46 = tpu.memref_slice %arg9[%add3A_20, %dma_wait3A_45] : memref<10240x128xf32, #tpu.memory_space<vmem_shared>> -> memref<128x128xf32, #tpu.memory_space<vmem_shared>>
        tpu.wait_dma2 semaphore(%run_scoped3A_40 : memref<!tpu.dma_semaphore, #tpu.memory_space<semaphore_mem>>) src(%arg8 : memref<128x128xf32, #tpu.memory_space<vmem>>) dst(%dma_wait3A_46 : memref<128x128xf32, #tpu.memory_space<vmem_shared>>)
        tpu.yield
      }) : () -> ()
      %mul3A_21 = arith.constant 640 : i32
      %mul3A_22 = arith.muli %arg1, %mul3A_21 : i32
      %add3A_23 = arith.constant 384 : i32
      %add3A_24 = arith.addi %mul3A_22, %add3A_23 : i32
      "tpu.region"() ({
        %run_scoped3A_40 = tpu.sem_alloc : memref<!tpu.dma_semaphore, #tpu.memory_space<semaphore_mem>>
        %dma_start3A = arith.constant 0 : i32
        %dma_start3A_41 = tpu.memref_slice %arg9[%add3A_24, %dma_start3A] : memref<10240x128xf32, #tpu.memory_space<vmem_shared>> -> memref<128x128xf32, #tpu.memory_space<vmem_shared>>
        %dma_start3A_42 = arith.constant 0 : i32
        %dma_start3A_43 = tpu.memref_slice %arg9[%add3A_24, %dma_start3A_42] : memref<10240x128xf32, #tpu.memory_space<vmem_shared>> -> memref<128x128xf32, #tpu.memory_space<vmem_shared>>
        tpu.enqueue_dma source(%arg8 : memref<128x128xf32, #tpu.memory_space<vmem>>) target(%dma_start3A_43 : memref<128x128xf32, #tpu.memory_space<vmem_shared>>) target_semaphore(%run_scoped3A_40 : memref<!tpu.dma_semaphore, #tpu.memory_space<semaphore_mem>>)
        %dma_wait3A = arith.constant 0 : i32
        %dma_wait3A_44 = tpu.memref_slice %arg9[%add3A_24, %dma_wait3A] : memref<10240x128xf32, #tpu.memory_space<vmem_shared>> -> memref<128x128xf32, #tpu.memory_space<vmem_shared>>
        %dma_wait3A_45 = arith.constant 0 : i32
        %dma_wait3A_46 = tpu.memref_slice %arg9[%add3A_24, %dma_wait3A_45] : memref<10240x128xf32, #tpu.memory_space<vmem_shared>> -> memref<128x128xf32, #tpu.memory_space<vmem_shared>>
        tpu.wait_dma2 semaphore(%run_scoped3A_40 : memref<!tpu.dma_semaphore, #tpu.memory_space<semaphore_mem>>) src(%arg8 : memref<128x128xf32, #tpu.memory_space<vmem>>) dst(%dma_wait3A_46 : memref<128x128xf32, #tpu.memory_space<vmem_shared>>)
        tpu.yield
      }) : () -> ()
      %mul3A_25 = arith.constant 640 : i32
      %mul3A_26 = arith.muli %arg1, %mul3A_25 : i32
      %add3A_27 = arith.constant 512 : i32
      %add3A_28 = arith.addi %mul3A_26, %add3A_27 : i32
      "tpu.region"() ({
        %run_scoped3A_40 = tpu.sem_alloc : memref<!tpu.dma_semaphore, #tpu.memory_space<semaphore_mem>>
        %dma_start3A = arith.constant 0 : i32
        %dma_start3A_41 = tpu.memref_slice %arg9[%add3A_28, %dma_start3A] : memref<10240x128xf32, #tpu.memory_space<vmem_shared>> -> memref<128x128xf32, #tpu.memory_space<vmem_shared>>
        %dma_start3A_42 = arith.constant 0 : i32
        %dma_start3A_43 = tpu.memref_slice %arg9[%add3A_28, %dma_start3A_42] : memref<10240x128xf32, #tpu.memory_space<vmem_shared>> -> memref<128x128xf32, #tpu.memory_space<vmem_shared>>
        tpu.enqueue_dma source(%arg8 : memref<128x128xf32, #tpu.memory_space<vmem>>) target(%dma_start3A_43 : memref<128x128xf32, #tpu.memory_space<vmem_shared>>) target_semaphore(%run_scoped3A_40 : memref<!tpu.dma_semaphore, #tpu.memory_space<semaphore_mem>>)
        %dma_wait3A = arith.constant 0 : i32
        %dma_wait3A_44 = tpu.memref_slice %arg9[%add3A_28, %dma_wait3A] : memref<10240x128xf32, #tpu.memory_space<vmem_shared>> -> memref<128x128xf32, #tpu.memory_space<vmem_shared>>
        %dma_wait3A_45 = arith.constant 0 : i32
        %dma_wait3A_46 = tpu.memref_slice %arg9[%add3A_28, %dma_wait3A_45] : memref<10240x128xf32, #tpu.memory_space<vmem_shared>> -> memref<128x128xf32, #tpu.memory_space<vmem_shared>>
        tpu.wait_dma2 semaphore(%run_scoped3A_40 : memref<!tpu.dma_semaphore, #tpu.memory_space<semaphore_mem>>) src(%arg8 : memref<128x128xf32, #tpu.memory_space<vmem>>) dst(%dma_wait3A_46 : memref<128x128xf32, #tpu.memory_space<vmem_shared>>)
        tpu.yield
      }) : () -> ()
      %barrier3A = arith.constant 0 : index
      tpu.barrier barrier_id(%barrier3A)
      %scan3A_29 = arith.constant 0 : i32
      %scan3A_30 = arith.constant 79 : i32
      %scan3A_31 = arith.addi %scan3A_29, %scan3A_30 : i32
      %scan3A_32 = arith.constant 1 : i32
      scf.for %scan3A_40 = %scan3A_29 to %scan3A_31 step %scan3A_32  : i32 {
        %mul3A_41 = arith.constant 1 : i32
        %mul3A_42 = arith.muli %scan3A_40, %mul3A_41 : i32
        %add3A_43 = arith.constant 0 : i32
        %add3A_44 = arith.addi %add3A_43, %mul3A_42 : i32
        %run_scoped3A_45 = arith.constant 1 : i32
        "tpu.region"() ({
          %run_scoped3A_46 = tpu.sem_alloc : memref<!tpu.dma_semaphore, #tpu.memory_space<semaphore_mem>>
          %dma_start3A = arith.constant 0 : i32
          %dma_start3A_47 = tpu.memref_slice %arg6[%add3A_44, %dma_start3A] : memref<79x128xi32, #tpu.memory_space<vmem>> -> memref<1x128xi32, #tpu.memory_space<vmem>>
          %dma_start3A_48 = tpu.memref_squeeze %dma_start3A_47 : memref<1x128xi32, #tpu.memory_space<vmem>> -> memref<128xi32, #tpu.memory_space<vmem>>
          %dma_start3A_49 = arith.constant 0 : i32
          %dma_start3A_50 = arith.constant 0 : i32
          %dma_start3A_51 = tpu.memref_slice %arg2[%run_scoped3A_45, %dma_start3A_49, %dma_start3A_50] : memref<2x10000x128xf32, #tpu.memory_space<hbm>> -> memref<1x10000x128xf32, #tpu.memory_space<hbm>>
          %dma_start3A_52 = tpu.memref_squeeze %dma_start3A_51 : memref<1x10000x128xf32, #tpu.memory_space<hbm>> -> memref<10000x128xf32, #tpu.memory_space<hbm>>
          %dma_start3A_53 = arith.constant 0 : i32
          %dma_start3A_54 = arith.constant 0 : i32
          %dma_start3A_55 = tpu.memref_slice %dma_start3A_52[%dma_start3A_53, %dma_start3A_54] : memref<10000x128xf32, #tpu.memory_space<hbm>> -> memref<10000x128xf32, #tpu.memory_space<hbm>>
          tpu.enqueue_indirect_dma source(%dma_start3A_55 : memref<10000x128xf32, #tpu.memory_space<hbm>>) target(%arg8 : memref<128x128xf32, #tpu.memory_space<vmem>>) offsets(%dma_start3A_48 : memref<128xi32, #tpu.memory_space<vmem>>) semaphore(%run_scoped3A_46 : memref<!tpu.dma_semaphore, #tpu.memory_space<semaphore_mem>>)
          %dma_wait3A = arith.constant 0 : i32
          %dma_wait3A_56 = tpu.memref_slice %arg6[%add3A_44, %dma_wait3A] : memref<79x128xi32, #tpu.memory_space<vmem>> -> memref<1x128xi32, #tpu.memory_space<vmem>>
          %dma_wait3A_57 = tpu.memref_squeeze %dma_wait3A_56 : memref<1x128xi32, #tpu.memory_space<vmem>> -> memref<128xi32, #tpu.memory_space<vmem>>
          %dma_wait3A_58 = arith.constant 0 : i32
          %dma_wait3A_59 = arith.constant 0 : i32
          %dma_wait3A_60 = tpu.memref_slice %arg2[%run_scoped3A_45, %dma_wait3A_58, %dma_wait3A_59] : memref<2x10000x128xf32, #tpu.memory_space<hbm>> -> memref<1x10000x128xf32, #tpu.memory_space<hbm>>
          %dma_wait3A_61 = tpu.memref_squeeze %dma_wait3A_60 : memref<1x10000x128xf32, #tpu.memory_space<hbm>> -> memref<10000x128xf32, #tpu.memory_space<hbm>>
          %dma_wait3A_62 = arith.constant 0 : i32
          %dma_wait3A_63 = arith.constant 0 : i32
          %dma_wait3A_64 = tpu.memref_slice %dma_wait3A_61[%dma_wait3A_62, %dma_wait3A_63] : memref<10000x128xf32, #tpu.memory_space<hbm>> -> memref<10000x128xf32, #tpu.memory_space<hbm>>
          tpu.wait_indirect_dma semaphore(%run_scoped3A_46 : memref<!tpu.dma_semaphore, #tpu.memory_space<semaphore_mem>>) src(%dma_wait3A_64 : memref<10000x128xf32, #tpu.memory_space<hbm>>) dst(%arg8 : memref<128x128xf32, #tpu.memory_space<vmem>>)
          tpu.yield
        }) : () -> ()
        "tpu.region"() ({
          %run_scoped3A_46 = tpu.sem_alloc : memref<!tpu.dma_semaphore, #tpu.memory_space<semaphore_mem>>
          %dma_start3A = arith.constant 0 : i32
          %dma_start3A_47 = tpu.memref_slice %arg7[%add3A_44, %dma_start3A] : memref<79x128xi32, #tpu.memory_space<vmem>> -> memref<1x128xi32, #tpu.memory_space<vmem>>
          %dma_start3A_48 = tpu.memref_squeeze %dma_start3A_47 : memref<1x128xi32, #tpu.memory_space<vmem>> -> memref<128xi32, #tpu.memory_space<vmem>>
          %dma_start3A_49 = arith.constant 0 : i32
          %dma_start3A_50 = arith.constant 0 : i32
          %dma_start3A_51 = tpu.memref_slice %arg9[%dma_start3A_49, %dma_start3A_50] : memref<10240x128xf32, #tpu.memory_space<vmem_shared>> -> memref<10240x128xf32, #tpu.memory_space<vmem_shared>>
          tpu.enqueue_indirect_dma source(%arg8 : memref<128x128xf32, #tpu.memory_space<vmem>>) target(%dma_start3A_51 : memref<10240x128xf32, #tpu.memory_space<vmem_shared>>) offsets(%dma_start3A_48 : memref<128xi32, #tpu.memory_space<vmem>>) semaphore(%run_scoped3A_46 : memref<!tpu.dma_semaphore, #tpu.memory_space<semaphore_mem>>) {add = true}
          %dma_wait3A = arith.constant 0 : i32
          %dma_wait3A_52 = tpu.memref_slice %arg7[%add3A_44, %dma_wait3A] : memref<79x128xi32, #tpu.memory_space<vmem>> -> memref<1x128xi32, #tpu.memory_space<vmem>>
          %dma_wait3A_53 = tpu.memref_squeeze %dma_wait3A_52 : memref<1x128xi32, #tpu.memory_space<vmem>> -> memref<128xi32, #tpu.memory_space<vmem>>
          %dma_wait3A_54 = arith.constant 0 : i32
          %dma_wait3A_55 = arith.constant 0 : i32
          %dma_wait3A_56 = tpu.memref_slice %arg9[%dma_wait3A_54, %dma_wait3A_55] : memref<10240x128xf32, #tpu.memory_space<vmem_shared>> -> memref<10240x128xf32, #tpu.memory_space<vmem_shared>>
          tpu.wait_indirect_dma semaphore(%run_scoped3A_46 : memref<!tpu.dma_semaphore, #tpu.memory_space<semaphore_mem>>) src(%arg8 : memref<128x128xf32, #tpu.memory_space<vmem>>) dst(%dma_wait3A_56 : memref<10240x128xf32, #tpu.memory_space<vmem_shared>>)
          tpu.yield
        }) : () -> ()
      }
      %scan3A_33 = arith.constant 79 : i32
      %barrier3A_34 = arith.constant 0 : index
      tpu.barrier barrier_id(%barrier3A_34)
      %mul3A_35 = arith.constant 640 : i32
      %mul3A_36 = arith.muli %arg1, %mul3A_35 : i32
      %mul3A_37 = arith.constant 640 : i32
      %mul3A_38 = arith.muli %arg1, %mul3A_37 : i32
      %run_scoped3A = arith.constant 1 : i32
      "tpu.region"() ({
        %run_scoped3A_40 = tpu.sem_alloc : memref<!tpu.dma_semaphore, #tpu.memory_space<semaphore_mem>>
        %dma_start3A = arith.constant 0 : i32
        %dma_start3A_41 = arith.constant 0 : i32
        %dma_start3A_42 = tpu.memref_slice %arg5[%run_scoped3A, %dma_start3A, %dma_start3A_41] : memref<2x10240x128xf32, #tpu.memory_space<hbm>> -> memref<1x10240x128xf32, #tpu.memory_space<hbm>>
        %dma_start3A_43 = tpu.memref_squeeze %dma_start3A_42 : memref<1x10240x128xf32, #tpu.memory_space<hbm>> -> memref<10240x128xf32, #tpu.memory_space<hbm>>
        %dma_start3A_44 = arith.constant 0 : i32
        %dma_start3A_45 = tpu.memref_slice %dma_start3A_43[%mul3A_38, %dma_start3A_44] : memref<10240x128xf32, #tpu.memory_space<hbm>> -> memref<640x128xf32, #tpu.memory_space<hbm>>
        %dma_start3A_46 = arith.constant 0 : i32
        %dma_start3A_47 = tpu.memref_slice %arg9[%mul3A_36, %dma_start3A_46] : memref<10240x128xf32, #tpu.memory_space<vmem_shared>> -> memref<640x128xf32, #tpu.memory_space<vmem_shared>>
        tpu.enqueue_dma source(%dma_start3A_47 : memref<640x128xf32, #tpu.memory_space<vmem_shared>>) target(%dma_start3A_45 : memref<640x128xf32, #tpu.memory_space<hbm>>) target_semaphore(%run_scoped3A_40 : memref<!tpu.dma_semaphore, #tpu.memory_space<semaphore_mem>>)
        %dma_wait3A = arith.constant 0 : i32
        %dma_wait3A_48 = arith.constant 0 : i32
        %dma_wait3A_49 = tpu.memref_slice %arg5[%run_scoped3A, %dma_wait3A, %dma_wait3A_48] : memref<2x10240x128xf32, #tpu.memory_space<hbm>> -> memref<1x10240x128xf32, #tpu.memory_space<hbm>>
        %dma_wait3A_50 = tpu.memref_squeeze %dma_wait3A_49 : memref<1x10240x128xf32, #tpu.memory_space<hbm>> -> memref<10240x128xf32, #tpu.memory_space<hbm>>
        %dma_wait3A_51 = arith.constant 0 : i32
        %dma_wait3A_52 = tpu.memref_slice %dma_wait3A_50[%mul3A_38, %dma_wait3A_51] : memref<10240x128xf32, #tpu.memory_space<hbm>> -> memref<640x128xf32, #tpu.memory_space<hbm>>
        %dma_wait3A_53 = arith.constant 0 : i32
        %dma_wait3A_54 = tpu.memref_slice %arg9[%mul3A_36, %dma_wait3A_53] : memref<10240x128xf32, #tpu.memory_space<vmem_shared>> -> memref<640x128xf32, #tpu.memory_space<vmem_shared>>
        tpu.wait_dma2 semaphore(%run_scoped3A_40 : memref<!tpu.dma_semaphore, #tpu.memory_space<semaphore_mem>>) src(%dma_wait3A_54 : memref<640x128xf32, #tpu.memory_space<vmem_shared>>) dst(%dma_wait3A_52 : memref<640x128xf32, #tpu.memory_space<hbm>>)
        tpu.yield
      }) : () -> ()
      %barrier3A_39 = arith.constant 0 : index
      tpu.barrier barrier_id(%barrier3A_39)
    } else {
    }
    return
  }
}

#map = affine_map<(d0, d1) -> (0, 0, 0)>
module attributes {stable_mosaic.version = 14 : i64} {
  func.func @body(%arg0: i32, %arg1: i32, %arg2: memref<2x10000x128xf32, #tpu.memory_space<hbm>>, %arg3: memref<16x79x128xi32, #tpu.memory_space<hbm>>, %arg4: memref<16x79x128xi32, #tpu.memory_space<hbm>>, %arg5: memref<3x10240x128xf32, #tpu.memory_space<hbm>>, %arg6: memref<79x128xi32, #tpu.memory_space<vmem>>, %arg7: memref<79x128xi32, #tpu.memory_space<vmem>>, %arg8: memref<128x128xf32, #tpu.memory_space<vmem>>, %arg9: memref<10240x128xf32, #tpu.memory_space<vmem_shared>>) attributes {dimension_semantics = [#tpu.dimension_semantics<core_parallel>, #tpu.dimension_semantics<subcore_parallel>], iteration_bounds = array<i64: 2, 16>, scalar_prefetch = 0 : i64, scratch_operands = 4 : i64, tpu.core_type = #tpu.core_type<sc_vector_subcore>, window_params = [{transform_indices = #map}, {transform_indices = #map}, {transform_indices = #map}, {transform_indices = #map}]} {
    "tpu.region"() ({
      %run_scoped3A = tpu.sem_alloc : memref<!tpu.dma_semaphore, #tpu.memory_space<semaphore_mem>>
      %dma_start3A = arith.constant 0 : i32
      %dma_start3A_12 = arith.constant 0 : i32
      %dma_start3A_13 = tpu.memref_slice %arg3[%arg1, %dma_start3A, %dma_start3A_12] : memref<16x79x128xi32, #tpu.memory_space<hbm>> -> memref<1x79x128xi32, #tpu.memory_space<hbm>>
      %dma_start3A_14 = tpu.memref_squeeze %dma_start3A_13 : memref<1x79x128xi32, #tpu.memory_space<hbm>> -> memref<79x128xi32, #tpu.memory_space<hbm>>
      %dma_start3A_15 = arith.constant 0 : i32
      %dma_start3A_16 = arith.constant 0 : i32
      %dma_start3A_17 = tpu.memref_slice %arg3[%arg1, %dma_start3A_15, %dma_start3A_16] : memref<16x79x128xi32, #tpu.memory_space<hbm>> -> memref<1x79x128xi32, #tpu.memory_space<hbm>>
      %dma_start3A_18 = tpu.memref_squeeze %dma_start3A_17 : memref<1x79x128xi32, #tpu.memory_space<hbm>> -> memref<79x128xi32, #tpu.memory_space<hbm>>
      tpu.enqueue_dma source(%dma_start3A_18 : memref<79x128xi32, #tpu.memory_space<hbm>>) target(%arg6 : memref<79x128xi32, #tpu.memory_space<vmem>>) target_semaphore(%run_scoped3A : memref<!tpu.dma_semaphore, #tpu.memory_space<semaphore_mem>>)
      %dma_wait3A = arith.constant 0 : i32
      %dma_wait3A_19 = arith.constant 0 : i32
      %dma_wait3A_20 = tpu.memref_slice %arg3[%arg1, %dma_wait3A, %dma_wait3A_19] : memref<16x79x128xi32, #tpu.memory_space<hbm>> -> memref<1x79x128xi32, #tpu.memory_space<hbm>>
      %dma_wait3A_21 = tpu.memref_squeeze %dma_wait3A_20 : memref<1x79x128xi32, #tpu.memory_space<hbm>> -> memref<79x128xi32, #tpu.memory_space<hbm>>
      %dma_wait3A_22 = arith.constant 0 : i32
      %dma_wait3A_23 = arith.constant 0 : i32
      %dma_wait3A_24 = tpu.memref_slice %arg3[%arg1, %dma_wait3A_22, %dma_wait3A_23] : memref<16x79x128xi32, #tpu.memory_space<hbm>> -> memref<1x79x128xi32, #tpu.memory_space<hbm>>
      %dma_wait3A_25 = tpu.memref_squeeze %dma_wait3A_24 : memref<1x79x128xi32, #tpu.memory_space<hbm>> -> memref<79x128xi32, #tpu.memory_space<hbm>>
      tpu.wait_dma2 semaphore(%run_scoped3A : memref<!tpu.dma_semaphore, #tpu.memory_space<semaphore_mem>>) src(%dma_wait3A_25 : memref<79x128xi32, #tpu.memory_space<hbm>>) dst(%arg6 : memref<79x128xi32, #tpu.memory_space<vmem>>)
      tpu.yield
    }) : () -> ()
    "tpu.region"() ({
      %run_scoped3A = tpu.sem_alloc : memref<!tpu.dma_semaphore, #tpu.memory_space<semaphore_mem>>
      %dma_start3A = arith.constant 0 : i32
      %dma_start3A_12 = arith.constant 0 : i32
      %dma_start3A_13 = tpu.memref_slice %arg4[%arg1, %dma_start3A, %dma_start3A_12] : memref<16x79x128xi32, #tpu.memory_space<hbm>> -> memref<1x79x128xi32, #tpu.memory_space<hbm>>
      %dma_start3A_14 = tpu.memref_squeeze %dma_start3A_13 : memref<1x79x128xi32, #tpu.memory_space<hbm>> -> memref<79x128xi32, #tpu.memory_space<hbm>>
      %dma_start3A_15 = arith.constant 0 : i32
      %dma_start3A_16 = arith.constant 0 : i32
      %dma_start3A_17 = tpu.memref_slice %arg4[%arg1, %dma_start3A_15, %dma_start3A_16] : memref<16x79x128xi32, #tpu.memory_space<hbm>> -> memref<1x79x128xi32, #tpu.memory_space<hbm>>
      %dma_start3A_18 = tpu.memref_squeeze %dma_start3A_17 : memref<1x79x128xi32, #tpu.memory_space<hbm>> -> memref<79x128xi32, #tpu.memory_space<hbm>>
      tpu.enqueue_dma source(%dma_start3A_18 : memref<79x128xi32, #tpu.memory_space<hbm>>) target(%arg7 : memref<79x128xi32, #tpu.memory_space<vmem>>) target_semaphore(%run_scoped3A : memref<!tpu.dma_semaphore, #tpu.memory_space<semaphore_mem>>)
      %dma_wait3A = arith.constant 0 : i32
      %dma_wait3A_19 = arith.constant 0 : i32
      %dma_wait3A_20 = tpu.memref_slice %arg4[%arg1, %dma_wait3A, %dma_wait3A_19] : memref<16x79x128xi32, #tpu.memory_space<hbm>> -> memref<1x79x128xi32, #tpu.memory_space<hbm>>
      %dma_wait3A_21 = tpu.memref_squeeze %dma_wait3A_20 : memref<1x79x128xi32, #tpu.memory_space<hbm>> -> memref<79x128xi32, #tpu.memory_space<hbm>>
      %dma_wait3A_22 = arith.constant 0 : i32
      %dma_wait3A_23 = arith.constant 0 : i32
      %dma_wait3A_24 = tpu.memref_slice %arg4[%arg1, %dma_wait3A_22, %dma_wait3A_23] : memref<16x79x128xi32, #tpu.memory_space<hbm>> -> memref<1x79x128xi32, #tpu.memory_space<hbm>>
      %dma_wait3A_25 = tpu.memref_squeeze %dma_wait3A_24 : memref<1x79x128xi32, #tpu.memory_space<hbm>> -> memref<79x128xi32, #tpu.memory_space<hbm>>
      tpu.wait_dma2 semaphore(%run_scoped3A : memref<!tpu.dma_semaphore, #tpu.memory_space<semaphore_mem>>) src(%dma_wait3A_25 : memref<79x128xi32, #tpu.memory_space<hbm>>) dst(%arg7 : memref<79x128xi32, #tpu.memory_space<vmem>>)
      tpu.yield
    }) : () -> ()
    %eq3A = arith.constant 0 : i32
    %eq3A_0 = arith.cmpi eq, %arg0, %eq3A : i32
    %convert_element_type3A = arith.extui %eq3A_0 : i1 to i32
    %cond3A = arith.constant 0 : i32
    %cond3A_1 = arith.cmpi ne, %convert_element_type3A, %cond3A : i32
    scf.if %cond3A_1 {
      %scan3A = arith.constant 0 : i32
      %scan3A_12 = arith.constant 128 : i32
      %scan3A_13 = arith.addi %scan3A, %scan3A_12 : i32
      %scan3A_14 = arith.constant 1 : i32
      scf.for %scan3A_45 = %scan3A to %scan3A_13 step %scan3A_14  : i32 {
        %mul3A_46 = arith.constant 1 : i32
        %mul3A_47 = arith.muli %scan3A_45, %mul3A_46 : i32
        %add3A_48 = arith.constant 0 : i32
        %add3A_49 = arith.addi %add3A_48, %mul3A_47 : i32
        %scan3A_50 = arith.constant 0 : i32
        %scan3A_51 = arith.constant 8 : i32
        %scan3A_52 = arith.addi %scan3A_50, %scan3A_51 : i32
        %scan3A_53 = arith.constant 1 : i32
        scf.for %scan3A_55 = %scan3A_50 to %scan3A_52 step %scan3A_53  : i32 {
          %mul3A_56 = arith.constant 16 : i32
          %mul3A_57 = arith.muli %scan3A_55, %mul3A_56 : i32
          %add3A_58 = arith.constant 0 : i32
          %add3A_59 = arith.addi %add3A_58, %mul3A_57 : i32
          %broadcast_in_dim3A = arith.constant 0.000000e+00 : f32
          %broadcast_in_dim3A_60 = vector.broadcast %broadcast_in_dim3A : f32 to vector<16xf32>
          %swap3A = arith.index_cast %add3A_49 : i32 to index
          %swap3A_61 = arith.index_cast %add3A_59 : i32 to index
          %swap3A_62 = tpu.vector_load %arg8[%swap3A, %swap3A_61] {strides = array<i32>} : memref<128x128xf32, #tpu.memory_space<vmem>>, vector<1x16xf32>,
          %swap3A_63 = vector.shape_cast %swap3A_62 : vector<1x16xf32> to vector<16xf32>
          %swap3A_64 = vector.shape_cast %broadcast_in_dim3A_60 : vector<16xf32> to vector<1x16xf32>
          tpu.vector_store %arg8[%swap3A, %swap3A_61], %swap3A_64 {strides = array<i32>} : memref<128x128xf32, #tpu.memory_space<vmem>>, vector<1x16xf32>,
        }
        %scan3A_54 = arith.constant 8 : i32
      }
      %scan3A_15 = arith.constant 128 : i32
      %mul3A = arith.constant 640 : i32
      %mul3A_16 = arith.muli %arg1, %mul3A : i32
      %add3A = arith.constant 0 : i32
      %add3A_17 = arith.addi %mul3A_16, %add3A : i32
      "tpu.region"() ({
        %run_scoped3A_45 = tpu.sem_alloc : memref<!tpu.dma_semaphore, #tpu.memory_space<semaphore_mem>>
        %dma_start3A = arith.constant 0 : i32
        %dma_start3A_46 = tpu.memref_slice %arg9[%add3A_17, %dma_start3A] : memref<10240x128xf32, #tpu.memory_space<vmem_shared>> -> memref<128x128xf32, #tpu.memory_space<vmem_shared>>
        %dma_start3A_47 = arith.constant 0 : i32
        %dma_start3A_48 = tpu.memref_slice %arg9[%add3A_17, %dma_start3A_47] : memref<10240x128xf32, #tpu.memory_space<vmem_shared>> -> memref<128x128xf32, #tpu.memory_space<vmem_shared>>
        tpu.enqueue_dma source(%arg8 : memref<128x128xf32, #tpu.memory_space<vmem>>) target(%dma_start3A_48 : memref<128x128xf32, #tpu.memory_space<vmem_shared>>) target_semaphore(%run_scoped3A_45 : memref<!tpu.dma_semaphore, #tpu.memory_space<semaphore_mem>>)
        %dma_wait3A = arith.constant 0 : i32
        %dma_wait3A_49 = tpu.memref_slice %arg9[%add3A_17, %dma_wait3A] : memref<10240x128xf32, #tpu.memory_space<vmem_shared>> -> memref<128x128xf32, #tpu.memory_space<vmem_shared>>
        %dma_wait3A_50 = arith.constant 0 : i32
        %dma_wait3A_51 = tpu.memref_slice %arg9[%add3A_17, %dma_wait3A_50] : memref<10240x128xf32, #tpu.memory_space<vmem_shared>> -> memref<128x128xf32, #tpu.memory_space<vmem_shared>>
        tpu.wait_dma2 semaphore(%run_scoped3A_45 : memref<!tpu.dma_semaphore, #tpu.memory_space<semaphore_mem>>) src(%arg8 : memref<128x128xf32, #tpu.memory_space<vmem>>) dst(%dma_wait3A_51 : memref<128x128xf32, #tpu.memory_space<vmem_shared>>)
        tpu.yield
      }) : () -> ()
      %mul3A_18 = arith.constant 640 : i32
      %mul3A_19 = arith.muli %arg1, %mul3A_18 : i32
      %add3A_20 = arith.constant 128 : i32
      %add3A_21 = arith.addi %mul3A_19, %add3A_20 : i32
      "tpu.region"() ({
        %run_scoped3A_45 = tpu.sem_alloc : memref<!tpu.dma_semaphore, #tpu.memory_space<semaphore_mem>>
        %dma_start3A = arith.constant 0 : i32
        %dma_start3A_46 = tpu.memref_slice %arg9[%add3A_21, %dma_start3A] : memref<10240x128xf32, #tpu.memory_space<vmem_shared>> -> memref<128x128xf32, #tpu.memory_space<vmem_shared>>
        %dma_start3A_47 = arith.constant 0 : i32
        %dma_start3A_48 = tpu.memref_slice %arg9[%add3A_21, %dma_start3A_47] : memref<10240x128xf32, #tpu.memory_space<vmem_shared>> -> memref<128x128xf32, #tpu.memory_space<vmem_shared>>
        tpu.enqueue_dma source(%arg8 : memref<128x128xf32, #tpu.memory_space<vmem>>) target(%dma_start3A_48 : memref<128x128xf32, #tpu.memory_space<vmem_shared>>) target_semaphore(%run_scoped3A_45 : memref<!tpu.dma_semaphore, #tpu.memory_space<semaphore_mem>>)
        %dma_wait3A = arith.constant 0 : i32
        %dma_wait3A_49 = tpu.memref_slice %arg9[%add3A_21, %dma_wait3A] : memref<10240x128xf32, #tpu.memory_space<vmem_shared>> -> memref<128x128xf32, #tpu.memory_space<vmem_shared>>
        %dma_wait3A_50 = arith.constant 0 : i32
        %dma_wait3A_51 = tpu.memref_slice %arg9[%add3A_21, %dma_wait3A_50] : memref<10240x128xf32, #tpu.memory_space<vmem_shared>> -> memref<128x128xf32, #tpu.memory_space<vmem_shared>>
        tpu.wait_dma2 semaphore(%run_scoped3A_45 : memref<!tpu.dma_semaphore, #tpu.memory_space<semaphore_mem>>) src(%arg8 : memref<128x128xf32, #tpu.memory_space<vmem>>) dst(%dma_wait3A_51 : memref<128x128xf32, #tpu.memory_space<vmem_shared>>)
        tpu.yield
      }) : () -> ()
      %mul3A_22 = arith.constant 640 : i32
      %mul3A_23 = arith.muli %arg1, %mul3A_22 : i32
      %add3A_24 = arith.constant 256 : i32
      %add3A_25 = arith.addi %mul3A_23, %add3A_24 : i32
      "tpu.region"() ({
        %run_scoped3A_45 = tpu.sem_alloc : memref<!tpu.dma_semaphore, #tpu.memory_space<semaphore_mem>>
        %dma_start3A = arith.constant 0 : i32
        %dma_start3A_46 = tpu.memref_slice %arg9[%add3A_25, %dma_start3A] : memref<10240x128xf32, #tpu.memory_space<vmem_shared>> -> memref<128x128xf32, #tpu.memory_space<vmem_shared>>
        %dma_start3A_47 = arith.constant 0 : i32
        %dma_start3A_48 = tpu.memref_slice %arg9[%add3A_25, %dma_start3A_47] : memref<10240x128xf32, #tpu.memory_space<vmem_shared>> -> memref<128x128xf32, #tpu.memory_space<vmem_shared>>
        tpu.enqueue_dma source(%arg8 : memref<128x128xf32, #tpu.memory_space<vmem>>) target(%dma_start3A_48 : memref<128x128xf32, #tpu.memory_space<vmem_shared>>) target_semaphore(%run_scoped3A_45 : memref<!tpu.dma_semaphore, #tpu.memory_space<semaphore_mem>>)
        %dma_wait3A = arith.constant 0 : i32
        %dma_wait3A_49 = tpu.memref_slice %arg9[%add3A_25, %dma_wait3A] : memref<10240x128xf32, #tpu.memory_space<vmem_shared>> -> memref<128x128xf32, #tpu.memory_space<vmem_shared>>
        %dma_wait3A_50 = arith.constant 0 : i32
        %dma_wait3A_51 = tpu.memref_slice %arg9[%add3A_25, %dma_wait3A_50] : memref<10240x128xf32, #tpu.memory_space<vmem_shared>> -> memref<128x128xf32, #tpu.memory_space<vmem_shared>>
        tpu.wait_dma2 semaphore(%run_scoped3A_45 : memref<!tpu.dma_semaphore, #tpu.memory_space<semaphore_mem>>) src(%arg8 : memref<128x128xf32, #tpu.memory_space<vmem>>) dst(%dma_wait3A_51 : memref<128x128xf32, #tpu.memory_space<vmem_shared>>)
        tpu.yield
      }) : () -> ()
      %mul3A_26 = arith.constant 640 : i32
      %mul3A_27 = arith.muli %arg1, %mul3A_26 : i32
      %add3A_28 = arith.constant 384 : i32
      %add3A_29 = arith.addi %mul3A_27, %add3A_28 : i32
      "tpu.region"() ({
        %run_scoped3A_45 = tpu.sem_alloc : memref<!tpu.dma_semaphore, #tpu.memory_space<semaphore_mem>>
        %dma_start3A = arith.constant 0 : i32
        %dma_start3A_46 = tpu.memref_slice %arg9[%add3A_29, %dma_start3A] : memref<10240x128xf32, #tpu.memory_space<vmem_shared>> -> memref<128x128xf32, #tpu.memory_space<vmem_shared>>
        %dma_start3A_47 = arith.constant 0 : i32
        %dma_start3A_48 = tpu.memref_slice %arg9[%add3A_29, %dma_start3A_47] : memref<10240x128xf32, #tpu.memory_space<vmem_shared>> -> memref<128x128xf32, #tpu.memory_space<vmem_shared>>
        tpu.enqueue_dma source(%arg8 : memref<128x128xf32, #tpu.memory_space<vmem>>) target(%dma_start3A_48 : memref<128x128xf32, #tpu.memory_space<vmem_shared>>) target_semaphore(%run_scoped3A_45 : memref<!tpu.dma_semaphore, #tpu.memory_space<semaphore_mem>>)
        %dma_wait3A = arith.constant 0 : i32
        %dma_wait3A_49 = tpu.memref_slice %arg9[%add3A_29, %dma_wait3A] : memref<10240x128xf32, #tpu.memory_space<vmem_shared>> -> memref<128x128xf32, #tpu.memory_space<vmem_shared>>
        %dma_wait3A_50 = arith.constant 0 : i32
        %dma_wait3A_51 = tpu.memref_slice %arg9[%add3A_29, %dma_wait3A_50] : memref<10240x128xf32, #tpu.memory_space<vmem_shared>> -> memref<128x128xf32, #tpu.memory_space<vmem_shared>>
        tpu.wait_dma2 semaphore(%run_scoped3A_45 : memref<!tpu.dma_semaphore, #tpu.memory_space<semaphore_mem>>) src(%arg8 : memref<128x128xf32, #tpu.memory_space<vmem>>) dst(%dma_wait3A_51 : memref<128x128xf32, #tpu.memory_space<vmem_shared>>)
        tpu.yield
      }) : () -> ()
      %mul3A_30 = arith.constant 640 : i32
      %mul3A_31 = arith.muli %arg1, %mul3A_30 : i32
      %add3A_32 = arith.constant 512 : i32
      %add3A_33 = arith.addi %mul3A_31, %add3A_32 : i32
      "tpu.region"() ({
        %run_scoped3A_45 = tpu.sem_alloc : memref<!tpu.dma_semaphore, #tpu.memory_space<semaphore_mem>>
        %dma_start3A = arith.constant 0 : i32
        %dma_start3A_46 = tpu.memref_slice %arg9[%add3A_33, %dma_start3A] : memref<10240x128xf32, #tpu.memory_space<vmem_shared>> -> memref<128x128xf32, #tpu.memory_space<vmem_shared>>
        %dma_start3A_47 = arith.constant 0 : i32
        %dma_start3A_48 = tpu.memref_slice %arg9[%add3A_33, %dma_start3A_47] : memref<10240x128xf32, #tpu.memory_space<vmem_shared>> -> memref<128x128xf32, #tpu.memory_space<vmem_shared>>
        tpu.enqueue_dma source(%arg8 : memref<128x128xf32, #tpu.memory_space<vmem>>) target(%dma_start3A_48 : memref<128x128xf32, #tpu.memory_space<vmem_shared>>) target_semaphore(%run_scoped3A_45 : memref<!tpu.dma_semaphore, #tpu.memory_space<semaphore_mem>>)
        %dma_wait3A = arith.constant 0 : i32
        %dma_wait3A_49 = tpu.memref_slice %arg9[%add3A_33, %dma_wait3A] : memref<10240x128xf32, #tpu.memory_space<vmem_shared>> -> memref<128x128xf32, #tpu.memory_space<vmem_shared>>
        %dma_wait3A_50 = arith.constant 0 : i32
        %dma_wait3A_51 = tpu.memref_slice %arg9[%add3A_33, %dma_wait3A_50] : memref<10240x128xf32, #tpu.memory_space<vmem_shared>> -> memref<128x128xf32, #tpu.memory_space<vmem_shared>>
        tpu.wait_dma2 semaphore(%run_scoped3A_45 : memref<!tpu.dma_semaphore, #tpu.memory_space<semaphore_mem>>) src(%arg8 : memref<128x128xf32, #tpu.memory_space<vmem>>) dst(%dma_wait3A_51 : memref<128x128xf32, #tpu.memory_space<vmem_shared>>)
        tpu.yield
      }) : () -> ()
      %barrier3A = arith.constant 0 : index
      tpu.barrier barrier_id(%barrier3A)
      %scan3A_34 = arith.constant 0 : i32
      %scan3A_35 = arith.constant 79 : i32
      %scan3A_36 = arith.addi %scan3A_34, %scan3A_35 : i32
      %scan3A_37 = arith.constant 1 : i32
      scf.for %scan3A_45 = %scan3A_34 to %scan3A_36 step %scan3A_37  : i32 {
        %mul3A_46 = arith.constant 1 : i32
        %mul3A_47 = arith.muli %scan3A_45, %mul3A_46 : i32
        %add3A_48 = arith.constant 0 : i32
        %add3A_49 = arith.addi %add3A_48, %mul3A_47 : i32
        %run_scoped3A_50 = arith.constant 0 : i32
        "tpu.region"() ({
          %run_scoped3A_51 = tpu.sem_alloc : memref<!tpu.dma_semaphore, #tpu.memory_space<semaphore_mem>>
          %dma_start3A = arith.constant 0 : i32
          %dma_start3A_52 = tpu.memref_slice %arg6[%add3A_49, %dma_start3A] : memref<79x128xi32, #tpu.memory_space<vmem>> -> memref<1x128xi32, #tpu.memory_space<vmem>>
          %dma_start3A_53 = tpu.memref_squeeze %dma_start3A_52 : memref<1x128xi32, #tpu.memory_space<vmem>> -> memref<128xi32, #tpu.memory_space<vmem>>
          %dma_start3A_54 = arith.constant 0 : i32
          %dma_start3A_55 = arith.constant 0 : i32
          %dma_start3A_56 = tpu.memref_slice %arg2[%run_scoped3A_50, %dma_start3A_54, %dma_start3A_55] : memref<2x10000x128xf32, #tpu.memory_space<hbm>> -> memref<1x10000x128xf32, #tpu.memory_space<hbm>>
          %dma_start3A_57 = tpu.memref_squeeze %dma_start3A_56 : memref<1x10000x128xf32, #tpu.memory_space<hbm>> -> memref<10000x128xf32, #tpu.memory_space<hbm>>
          %dma_start3A_58 = arith.constant 0 : i32
          %dma_start3A_59 = arith.constant 0 : i32
          %dma_start3A_60 = tpu.memref_slice %dma_start3A_57[%dma_start3A_58, %dma_start3A_59] : memref<10000x128xf32, #tpu.memory_space<hbm>> -> memref<10000x128xf32, #tpu.memory_space<hbm>>
          tpu.enqueue_indirect_dma source(%dma_start3A_60 : memref<10000x128xf32, #tpu.memory_space<hbm>>) target(%arg8 : memref<128x128xf32, #tpu.memory_space<vmem>>) offsets(%dma_start3A_53 : memref<128xi32, #tpu.memory_space<vmem>>) semaphore(%run_scoped3A_51 : memref<!tpu.dma_semaphore, #tpu.memory_space<semaphore_mem>>)
          %dma_wait3A = arith.constant 0 : i32
          %dma_wait3A_61 = tpu.memref_slice %arg6[%add3A_49, %dma_wait3A] : memref<79x128xi32, #tpu.memory_space<vmem>> -> memref<1x128xi32, #tpu.memory_space<vmem>>
          %dma_wait3A_62 = tpu.memref_squeeze %dma_wait3A_61 : memref<1x128xi32, #tpu.memory_space<vmem>> -> memref<128xi32, #tpu.memory_space<vmem>>
          %dma_wait3A_63 = arith.constant 0 : i32
          %dma_wait3A_64 = arith.constant 0 : i32
          %dma_wait3A_65 = tpu.memref_slice %arg2[%run_scoped3A_50, %dma_wait3A_63, %dma_wait3A_64] : memref<2x10000x128xf32, #tpu.memory_space<hbm>> -> memref<1x10000x128xf32, #tpu.memory_space<hbm>>
          %dma_wait3A_66 = tpu.memref_squeeze %dma_wait3A_65 : memref<1x10000x128xf32, #tpu.memory_space<hbm>> -> memref<10000x128xf32, #tpu.memory_space<hbm>>
          %dma_wait3A_67 = arith.constant 0 : i32
          %dma_wait3A_68 = arith.constant 0 : i32
          %dma_wait3A_69 = tpu.memref_slice %dma_wait3A_66[%dma_wait3A_67, %dma_wait3A_68] : memref<10000x128xf32, #tpu.memory_space<hbm>> -> memref<10000x128xf32, #tpu.memory_space<hbm>>
          tpu.wait_indirect_dma semaphore(%run_scoped3A_51 : memref<!tpu.dma_semaphore, #tpu.memory_space<semaphore_mem>>) src(%dma_wait3A_69 : memref<10000x128xf32, #tpu.memory_space<hbm>>) dst(%arg8 : memref<128x128xf32, #tpu.memory_space<vmem>>)
          tpu.yield
        }) : () -> ()
        "tpu.region"() ({
          %run_scoped3A_51 = tpu.sem_alloc : memref<!tpu.dma_semaphore, #tpu.memory_space<semaphore_mem>>
          %dma_start3A = arith.constant 0 : i32
          %dma_start3A_52 = tpu.memref_slice %arg7[%add3A_49, %dma_start3A] : memref<79x128xi32, #tpu.memory_space<vmem>> -> memref<1x128xi32, #tpu.memory_space<vmem>>
          %dma_start3A_53 = tpu.memref_squeeze %dma_start3A_52 : memref<1x128xi32, #tpu.memory_space<vmem>> -> memref<128xi32, #tpu.memory_space<vmem>>
          %dma_start3A_54 = arith.constant 0 : i32
          %dma_start3A_55 = arith.constant 0 : i32
          %dma_start3A_56 = tpu.memref_slice %arg9[%dma_start3A_54, %dma_start3A_55] : memref<10240x128xf32, #tpu.memory_space<vmem_shared>> -> memref<10240x128xf32, #tpu.memory_space<vmem_shared>>
          tpu.enqueue_indirect_dma source(%arg8 : memref<128x128xf32, #tpu.memory_space<vmem>>) target(%dma_start3A_56 : memref<10240x128xf32, #tpu.memory_space<vmem_shared>>) offsets(%dma_start3A_53 : memref<128xi32, #tpu.memory_space<vmem>>) semaphore(%run_scoped3A_51 : memref<!tpu.dma_semaphore, #tpu.memory_space<semaphore_mem>>) {add = true}
          %dma_wait3A = arith.constant 0 : i32
          %dma_wait3A_57 = tpu.memref_slice %arg7[%add3A_49, %dma_wait3A] : memref<79x128xi32, #tpu.memory_space<vmem>> -> memref<1x128xi32, #tpu.memory_space<vmem>>
          %dma_wait3A_58 = tpu.memref_squeeze %dma_wait3A_57 : memref<1x128xi32, #tpu.memory_space<vmem>> -> memref<128xi32, #tpu.memory_space<vmem>>
          %dma_wait3A_59 = arith.constant 0 : i32
          %dma_wait3A_60 = arith.constant 0 : i32
          %dma_wait3A_61 = tpu.memref_slice %arg9[%dma_wait3A_59, %dma_wait3A_60] : memref<10240x128xf32, #tpu.memory_space<vmem_shared>> -> memref<10240x128xf32, #tpu.memory_space<vmem_shared>>
          tpu.wait_indirect_dma semaphore(%run_scoped3A_51 : memref<!tpu.dma_semaphore, #tpu.memory_space<semaphore_mem>>) src(%arg8 : memref<128x128xf32, #tpu.memory_space<vmem>>) dst(%dma_wait3A_61 : memref<10240x128xf32, #tpu.memory_space<vmem_shared>>)
          tpu.yield
        }) : () -> ()
      }
      %scan3A_38 = arith.constant 79 : i32
      %barrier3A_39 = arith.constant 0 : index
      tpu.barrier barrier_id(%barrier3A_39)
      %mul3A_40 = arith.constant 640 : i32
      %mul3A_41 = arith.muli %arg1, %mul3A_40 : i32
      %mul3A_42 = arith.constant 640 : i32
      %mul3A_43 = arith.muli %arg1, %mul3A_42 : i32
      %run_scoped3A = arith.constant 0 : i32
      "tpu.region"() ({
        %run_scoped3A_45 = tpu.sem_alloc : memref<!tpu.dma_semaphore, #tpu.memory_space<semaphore_mem>>
        %dma_start3A = arith.constant 0 : i32
        %dma_start3A_46 = arith.constant 0 : i32
        %dma_start3A_47 = tpu.memref_slice %arg5[%run_scoped3A, %dma_start3A, %dma_start3A_46] : memref<3x10240x128xf32, #tpu.memory_space<hbm>> -> memref<1x10240x128xf32, #tpu.memory_space<hbm>>
        %dma_start3A_48 = tpu.memref_squeeze %dma_start3A_47 : memref<1x10240x128xf32, #tpu.memory_space<hbm>> -> memref<10240x128xf32, #tpu.memory_space<hbm>>
        %dma_start3A_49 = arith.constant 0 : i32
        %dma_start3A_50 = tpu.memref_slice %dma_start3A_48[%mul3A_43, %dma_start3A_49] : memref<10240x128xf32, #tpu.memory_space<hbm>> -> memref<640x128xf32, #tpu.memory_space<hbm>>
        %dma_start3A_51 = arith.constant 0 : i32
        %dma_start3A_52 = tpu.memref_slice %arg9[%mul3A_41, %dma_start3A_51] : memref<10240x128xf32, #tpu.memory_space<vmem_shared>> -> memref<640x128xf32, #tpu.memory_space<vmem_shared>>
        tpu.enqueue_dma source(%dma_start3A_52 : memref<640x128xf32, #tpu.memory_space<vmem_shared>>) target(%dma_start3A_50 : memref<640x128xf32, #tpu.memory_space<hbm>>) target_semaphore(%run_scoped3A_45 : memref<!tpu.dma_semaphore, #tpu.memory_space<semaphore_mem>>)
        %dma_wait3A = arith.constant 0 : i32
        %dma_wait3A_53 = arith.constant 0 : i32
        %dma_wait3A_54 = tpu.memref_slice %arg5[%run_scoped3A, %dma_wait3A, %dma_wait3A_53] : memref<3x10240x128xf32, #tpu.memory_space<hbm>> -> memref<1x10240x128xf32, #tpu.memory_space<hbm>>
        %dma_wait3A_55 = tpu.memref_squeeze %dma_wait3A_54 : memref<1x10240x128xf32, #tpu.memory_space<hbm>> -> memref<10240x128xf32, #tpu.memory_space<hbm>>
        %dma_wait3A_56 = arith.constant 0 : i32
        %dma_wait3A_57 = tpu.memref_slice %dma_wait3A_55[%mul3A_43, %dma_wait3A_56] : memref<10240x128xf32, #tpu.memory_space<hbm>> -> memref<640x128xf32, #tpu.memory_space<hbm>>
        %dma_wait3A_58 = arith.constant 0 : i32
        %dma_wait3A_59 = tpu.memref_slice %arg9[%mul3A_41, %dma_wait3A_58] : memref<10240x128xf32, #tpu.memory_space<vmem_shared>> -> memref<640x128xf32, #tpu.memory_space<vmem_shared>>
        tpu.wait_dma2 semaphore(%run_scoped3A_45 : memref<!tpu.dma_semaphore, #tpu.memory_space<semaphore_mem>>) src(%dma_wait3A_59 : memref<640x128xf32, #tpu.memory_space<vmem_shared>>) dst(%dma_wait3A_57 : memref<640x128xf32, #tpu.memory_space<hbm>>)
        tpu.yield
      }) : () -> ()
      %barrier3A_44 = arith.constant 0 : index
      tpu.barrier barrier_id(%barrier3A_44)
    } else {
    }
    %eq3A_2 = arith.constant 1 : i32
    %eq3A_3 = arith.cmpi eq, %arg0, %eq3A_2 : i32
    %convert_element_type3A_4 = arith.extui %eq3A_3 : i1 to i32
    %cond3A_5 = arith.constant 0 : i32
    %cond3A_6 = arith.cmpi ne, %convert_element_type3A_4, %cond3A_5 : i32
    scf.if %cond3A_6 {
      %scan3A = arith.constant 0 : i32
      %scan3A_12 = arith.constant 128 : i32
      %scan3A_13 = arith.addi %scan3A, %scan3A_12 : i32
      %scan3A_14 = arith.constant 1 : i32
      scf.for %scan3A_45 = %scan3A to %scan3A_13 step %scan3A_14  : i32 {
        %mul3A_46 = arith.constant 1 : i32
        %mul3A_47 = arith.muli %scan3A_45, %mul3A_46 : i32
        %add3A_48 = arith.constant 0 : i32
        %add3A_49 = arith.addi %add3A_48, %mul3A_47 : i32
        %scan3A_50 = arith.constant 0 : i32
        %scan3A_51 = arith.constant 8 : i32
        %scan3A_52 = arith.addi %scan3A_50, %scan3A_51 : i32
        %scan3A_53 = arith.constant 1 : i32
        scf.for %scan3A_55 = %scan3A_50 to %scan3A_52 step %scan3A_53  : i32 {
          %mul3A_56 = arith.constant 16 : i32
          %mul3A_57 = arith.muli %scan3A_55, %mul3A_56 : i32
          %add3A_58 = arith.constant 0 : i32
          %add3A_59 = arith.addi %add3A_58, %mul3A_57 : i32
          %broadcast_in_dim3A = arith.constant 0.000000e+00 : f32
          %broadcast_in_dim3A_60 = vector.broadcast %broadcast_in_dim3A : f32 to vector<16xf32>
          %swap3A = arith.index_cast %add3A_49 : i32 to index
          %swap3A_61 = arith.index_cast %add3A_59 : i32 to index
          %swap3A_62 = tpu.vector_load %arg8[%swap3A, %swap3A_61] {strides = array<i32>} : memref<128x128xf32, #tpu.memory_space<vmem>>, vector<1x16xf32>,
          %swap3A_63 = vector.shape_cast %swap3A_62 : vector<1x16xf32> to vector<16xf32>
          %swap3A_64 = vector.shape_cast %broadcast_in_dim3A_60 : vector<16xf32> to vector<1x16xf32>
          tpu.vector_store %arg8[%swap3A, %swap3A_61], %swap3A_64 {strides = array<i32>} : memref<128x128xf32, #tpu.memory_space<vmem>>, vector<1x16xf32>,
        }
        %scan3A_54 = arith.constant 8 : i32
      }
      %scan3A_15 = arith.constant 128 : i32
      %mul3A = arith.constant 640 : i32
      %mul3A_16 = arith.muli %arg1, %mul3A : i32
      %add3A = arith.constant 0 : i32
      %add3A_17 = arith.addi %mul3A_16, %add3A : i32
      "tpu.region"() ({
        %run_scoped3A_45 = tpu.sem_alloc : memref<!tpu.dma_semaphore, #tpu.memory_space<semaphore_mem>>
        %dma_start3A = arith.constant 0 : i32
        %dma_start3A_46 = tpu.memref_slice %arg9[%add3A_17, %dma_start3A] : memref<10240x128xf32, #tpu.memory_space<vmem_shared>> -> memref<128x128xf32, #tpu.memory_space<vmem_shared>>
        %dma_start3A_47 = arith.constant 0 : i32
        %dma_start3A_48 = tpu.memref_slice %arg9[%add3A_17, %dma_start3A_47] : memref<10240x128xf32, #tpu.memory_space<vmem_shared>> -> memref<128x128xf32, #tpu.memory_space<vmem_shared>>
        tpu.enqueue_dma source(%arg8 : memref<128x128xf32, #tpu.memory_space<vmem>>) target(%dma_start3A_48 : memref<128x128xf32, #tpu.memory_space<vmem_shared>>) target_semaphore(%run_scoped3A_45 : memref<!tpu.dma_semaphore, #tpu.memory_space<semaphore_mem>>)
        %dma_wait3A = arith.constant 0 : i32
        %dma_wait3A_49 = tpu.memref_slice %arg9[%add3A_17, %dma_wait3A] : memref<10240x128xf32, #tpu.memory_space<vmem_shared>> -> memref<128x128xf32, #tpu.memory_space<vmem_shared>>
        %dma_wait3A_50 = arith.constant 0 : i32
        %dma_wait3A_51 = tpu.memref_slice %arg9[%add3A_17, %dma_wait3A_50] : memref<10240x128xf32, #tpu.memory_space<vmem_shared>> -> memref<128x128xf32, #tpu.memory_space<vmem_shared>>
        tpu.wait_dma2 semaphore(%run_scoped3A_45 : memref<!tpu.dma_semaphore, #tpu.memory_space<semaphore_mem>>) src(%arg8 : memref<128x128xf32, #tpu.memory_space<vmem>>) dst(%dma_wait3A_51 : memref<128x128xf32, #tpu.memory_space<vmem_shared>>)
        tpu.yield
      }) : () -> ()
      %mul3A_18 = arith.constant 640 : i32
      %mul3A_19 = arith.muli %arg1, %mul3A_18 : i32
      %add3A_20 = arith.constant 128 : i32
      %add3A_21 = arith.addi %mul3A_19, %add3A_20 : i32
      "tpu.region"() ({
        %run_scoped3A_45 = tpu.sem_alloc : memref<!tpu.dma_semaphore, #tpu.memory_space<semaphore_mem>>
        %dma_start3A = arith.constant 0 : i32
        %dma_start3A_46 = tpu.memref_slice %arg9[%add3A_21, %dma_start3A] : memref<10240x128xf32, #tpu.memory_space<vmem_shared>> -> memref<128x128xf32, #tpu.memory_space<vmem_shared>>
        %dma_start3A_47 = arith.constant 0 : i32
        %dma_start3A_48 = tpu.memref_slice %arg9[%add3A_21, %dma_start3A_47] : memref<10240x128xf32, #tpu.memory_space<vmem_shared>> -> memref<128x128xf32, #tpu.memory_space<vmem_shared>>
        tpu.enqueue_dma source(%arg8 : memref<128x128xf32, #tpu.memory_space<vmem>>) target(%dma_start3A_48 : memref<128x128xf32, #tpu.memory_space<vmem_shared>>) target_semaphore(%run_scoped3A_45 : memref<!tpu.dma_semaphore, #tpu.memory_space<semaphore_mem>>)
        %dma_wait3A = arith.constant 0 : i32
        %dma_wait3A_49 = tpu.memref_slice %arg9[%add3A_21, %dma_wait3A] : memref<10240x128xf32, #tpu.memory_space<vmem_shared>> -> memref<128x128xf32, #tpu.memory_space<vmem_shared>>
        %dma_wait3A_50 = arith.constant 0 : i32
        %dma_wait3A_51 = tpu.memref_slice %arg9[%add3A_21, %dma_wait3A_50] : memref<10240x128xf32, #tpu.memory_space<vmem_shared>> -> memref<128x128xf32, #tpu.memory_space<vmem_shared>>
        tpu.wait_dma2 semaphore(%run_scoped3A_45 : memref<!tpu.dma_semaphore, #tpu.memory_space<semaphore_mem>>) src(%arg8 : memref<128x128xf32, #tpu.memory_space<vmem>>) dst(%dma_wait3A_51 : memref<128x128xf32, #tpu.memory_space<vmem_shared>>)
        tpu.yield
      }) : () -> ()
      %mul3A_22 = arith.constant 640 : i32
      %mul3A_23 = arith.muli %arg1, %mul3A_22 : i32
      %add3A_24 = arith.constant 256 : i32
      %add3A_25 = arith.addi %mul3A_23, %add3A_24 : i32
      "tpu.region"() ({
        %run_scoped3A_45 = tpu.sem_alloc : memref<!tpu.dma_semaphore, #tpu.memory_space<semaphore_mem>>
        %dma_start3A = arith.constant 0 : i32
        %dma_start3A_46 = tpu.memref_slice %arg9[%add3A_25, %dma_start3A] : memref<10240x128xf32, #tpu.memory_space<vmem_shared>> -> memref<128x128xf32, #tpu.memory_space<vmem_shared>>
        %dma_start3A_47 = arith.constant 0 : i32
        %dma_start3A_48 = tpu.memref_slice %arg9[%add3A_25, %dma_start3A_47] : memref<10240x128xf32, #tpu.memory_space<vmem_shared>> -> memref<128x128xf32, #tpu.memory_space<vmem_shared>>
        tpu.enqueue_dma source(%arg8 : memref<128x128xf32, #tpu.memory_space<vmem>>) target(%dma_start3A_48 : memref<128x128xf32, #tpu.memory_space<vmem_shared>>) target_semaphore(%run_scoped3A_45 : memref<!tpu.dma_semaphore, #tpu.memory_space<semaphore_mem>>)
        %dma_wait3A = arith.constant 0 : i32
        %dma_wait3A_49 = tpu.memref_slice %arg9[%add3A_25, %dma_wait3A] : memref<10240x128xf32, #tpu.memory_space<vmem_shared>> -> memref<128x128xf32, #tpu.memory_space<vmem_shared>>
        %dma_wait3A_50 = arith.constant 0 : i32
        %dma_wait3A_51 = tpu.memref_slice %arg9[%add3A_25, %dma_wait3A_50] : memref<10240x128xf32, #tpu.memory_space<vmem_shared>> -> memref<128x128xf32, #tpu.memory_space<vmem_shared>>
        tpu.wait_dma2 semaphore(%run_scoped3A_45 : memref<!tpu.dma_semaphore, #tpu.memory_space<semaphore_mem>>) src(%arg8 : memref<128x128xf32, #tpu.memory_space<vmem>>) dst(%dma_wait3A_51 : memref<128x128xf32, #tpu.memory_space<vmem_shared>>)
        tpu.yield
      }) : () -> ()
      %mul3A_26 = arith.constant 640 : i32
      %mul3A_27 = arith.muli %arg1, %mul3A_26 : i32
      %add3A_28 = arith.constant 384 : i32
      %add3A_29 = arith.addi %mul3A_27, %add3A_28 : i32
      "tpu.region"() ({
        %run_scoped3A_45 = tpu.sem_alloc : memref<!tpu.dma_semaphore, #tpu.memory_space<semaphore_mem>>
        %dma_start3A = arith.constant 0 : i32
        %dma_start3A_46 = tpu.memref_slice %arg9[%add3A_29, %dma_start3A] : memref<10240x128xf32, #tpu.memory_space<vmem_shared>> -> memref<128x128xf32, #tpu.memory_space<vmem_shared>>
        %dma_start3A_47 = arith.constant 0 : i32
        %dma_start3A_48 = tpu.memref_slice %arg9[%add3A_29, %dma_start3A_47] : memref<10240x128xf32, #tpu.memory_space<vmem_shared>> -> memref<128x128xf32, #tpu.memory_space<vmem_shared>>
        tpu.enqueue_dma source(%arg8 : memref<128x128xf32, #tpu.memory_space<vmem>>) target(%dma_start3A_48 : memref<128x128xf32, #tpu.memory_space<vmem_shared>>) target_semaphore(%run_scoped3A_45 : memref<!tpu.dma_semaphore, #tpu.memory_space<semaphore_mem>>)
        %dma_wait3A = arith.constant 0 : i32
        %dma_wait3A_49 = tpu.memref_slice %arg9[%add3A_29, %dma_wait3A] : memref<10240x128xf32, #tpu.memory_space<vmem_shared>> -> memref<128x128xf32, #tpu.memory_space<vmem_shared>>
        %dma_wait3A_50 = arith.constant 0 : i32
        %dma_wait3A_51 = tpu.memref_slice %arg9[%add3A_29, %dma_wait3A_50] : memref<10240x128xf32, #tpu.memory_space<vmem_shared>> -> memref<128x128xf32, #tpu.memory_space<vmem_shared>>
        tpu.wait_dma2 semaphore(%run_scoped3A_45 : memref<!tpu.dma_semaphore, #tpu.memory_space<semaphore_mem>>) src(%arg8 : memref<128x128xf32, #tpu.memory_space<vmem>>) dst(%dma_wait3A_51 : memref<128x128xf32, #tpu.memory_space<vmem_shared>>)
        tpu.yield
      }) : () -> ()
      %mul3A_30 = arith.constant 640 : i32
      %mul3A_31 = arith.muli %arg1, %mul3A_30 : i32
      %add3A_32 = arith.constant 512 : i32
      %add3A_33 = arith.addi %mul3A_31, %add3A_32 : i32
      "tpu.region"() ({
        %run_scoped3A_45 = tpu.sem_alloc : memref<!tpu.dma_semaphore, #tpu.memory_space<semaphore_mem>>
        %dma_start3A = arith.constant 0 : i32
        %dma_start3A_46 = tpu.memref_slice %arg9[%add3A_33, %dma_start3A] : memref<10240x128xf32, #tpu.memory_space<vmem_shared>> -> memref<128x128xf32, #tpu.memory_space<vmem_shared>>
        %dma_start3A_47 = arith.constant 0 : i32
        %dma_start3A_48 = tpu.memref_slice %arg9[%add3A_33, %dma_start3A_47] : memref<10240x128xf32, #tpu.memory_space<vmem_shared>> -> memref<128x128xf32, #tpu.memory_space<vmem_shared>>
        tpu.enqueue_dma source(%arg8 : memref<128x128xf32, #tpu.memory_space<vmem>>) target(%dma_start3A_48 : memref<128x128xf32, #tpu.memory_space<vmem_shared>>) target_semaphore(%run_scoped3A_45 : memref<!tpu.dma_semaphore, #tpu.memory_space<semaphore_mem>>)
        %dma_wait3A = arith.constant 0 : i32
        %dma_wait3A_49 = tpu.memref_slice %arg9[%add3A_33, %dma_wait3A] : memref<10240x128xf32, #tpu.memory_space<vmem_shared>> -> memref<128x128xf32, #tpu.memory_space<vmem_shared>>
        %dma_wait3A_50 = arith.constant 0 : i32
        %dma_wait3A_51 = tpu.memref_slice %arg9[%add3A_33, %dma_wait3A_50] : memref<10240x128xf32, #tpu.memory_space<vmem_shared>> -> memref<128x128xf32, #tpu.memory_space<vmem_shared>>
        tpu.wait_dma2 semaphore(%run_scoped3A_45 : memref<!tpu.dma_semaphore, #tpu.memory_space<semaphore_mem>>) src(%arg8 : memref<128x128xf32, #tpu.memory_space<vmem>>) dst(%dma_wait3A_51 : memref<128x128xf32, #tpu.memory_space<vmem_shared>>)
        tpu.yield
      }) : () -> ()
      %barrier3A = arith.constant 0 : index
      tpu.barrier barrier_id(%barrier3A)
      %scan3A_34 = arith.constant 0 : i32
      %scan3A_35 = arith.constant 79 : i32
      %scan3A_36 = arith.addi %scan3A_34, %scan3A_35 : i32
      %scan3A_37 = arith.constant 1 : i32
      scf.for %scan3A_45 = %scan3A_34 to %scan3A_36 step %scan3A_37  : i32 {
        %mul3A_46 = arith.constant 1 : i32
        %mul3A_47 = arith.muli %scan3A_45, %mul3A_46 : i32
        %add3A_48 = arith.constant 0 : i32
        %add3A_49 = arith.addi %add3A_48, %mul3A_47 : i32
        %run_scoped3A_50 = arith.constant 1 : i32
        "tpu.region"() ({
          %run_scoped3A_51 = tpu.sem_alloc : memref<!tpu.dma_semaphore, #tpu.memory_space<semaphore_mem>>
          %dma_start3A = arith.constant 0 : i32
          %dma_start3A_52 = tpu.memref_slice %arg6[%add3A_49, %dma_start3A] : memref<79x128xi32, #tpu.memory_space<vmem>> -> memref<1x128xi32, #tpu.memory_space<vmem>>
          %dma_start3A_53 = tpu.memref_squeeze %dma_start3A_52 : memref<1x128xi32, #tpu.memory_space<vmem>> -> memref<128xi32, #tpu.memory_space<vmem>>
          %dma_start3A_54 = arith.constant 0 : i32
          %dma_start3A_55 = arith.constant 0 : i32
          %dma_start3A_56 = tpu.memref_slice %arg2[%run_scoped3A_50, %dma_start3A_54, %dma_start3A_55] : memref<2x10000x128xf32, #tpu.memory_space<hbm>> -> memref<1x10000x128xf32, #tpu.memory_space<hbm>>
          %dma_start3A_57 = tpu.memref_squeeze %dma_start3A_56 : memref<1x10000x128xf32, #tpu.memory_space<hbm>> -> memref<10000x128xf32, #tpu.memory_space<hbm>>
          %dma_start3A_58 = arith.constant 0 : i32
          %dma_start3A_59 = arith.constant 0 : i32
          %dma_start3A_60 = tpu.memref_slice %dma_start3A_57[%dma_start3A_58, %dma_start3A_59] : memref<10000x128xf32, #tpu.memory_space<hbm>> -> memref<10000x128xf32, #tpu.memory_space<hbm>>
          tpu.enqueue_indirect_dma source(%dma_start3A_60 : memref<10000x128xf32, #tpu.memory_space<hbm>>) target(%arg8 : memref<128x128xf32, #tpu.memory_space<vmem>>) offsets(%dma_start3A_53 : memref<128xi32, #tpu.memory_space<vmem>>) semaphore(%run_scoped3A_51 : memref<!tpu.dma_semaphore, #tpu.memory_space<semaphore_mem>>)
          %dma_wait3A = arith.constant 0 : i32
          %dma_wait3A_61 = tpu.memref_slice %arg6[%add3A_49, %dma_wait3A] : memref<79x128xi32, #tpu.memory_space<vmem>> -> memref<1x128xi32, #tpu.memory_space<vmem>>
          %dma_wait3A_62 = tpu.memref_squeeze %dma_wait3A_61 : memref<1x128xi32, #tpu.memory_space<vmem>> -> memref<128xi32, #tpu.memory_space<vmem>>
          %dma_wait3A_63 = arith.constant 0 : i32
          %dma_wait3A_64 = arith.constant 0 : i32
          %dma_wait3A_65 = tpu.memref_slice %arg2[%run_scoped3A_50, %dma_wait3A_63, %dma_wait3A_64] : memref<2x10000x128xf32, #tpu.memory_space<hbm>> -> memref<1x10000x128xf32, #tpu.memory_space<hbm>>
          %dma_wait3A_66 = tpu.memref_squeeze %dma_wait3A_65 : memref<1x10000x128xf32, #tpu.memory_space<hbm>> -> memref<10000x128xf32, #tpu.memory_space<hbm>>
          %dma_wait3A_67 = arith.constant 0 : i32
          %dma_wait3A_68 = arith.constant 0 : i32
          %dma_wait3A_69 = tpu.memref_slice %dma_wait3A_66[%dma_wait3A_67, %dma_wait3A_68] : memref<10000x128xf32, #tpu.memory_space<hbm>> -> memref<10000x128xf32, #tpu.memory_space<hbm>>
          tpu.wait_indirect_dma semaphore(%run_scoped3A_51 : memref<!tpu.dma_semaphore, #tpu.memory_space<semaphore_mem>>) src(%dma_wait3A_69 : memref<10000x128xf32, #tpu.memory_space<hbm>>) dst(%arg8 : memref<128x128xf32, #tpu.memory_space<vmem>>)
          tpu.yield
        }) : () -> ()
        "tpu.region"() ({
          %run_scoped3A_51 = tpu.sem_alloc : memref<!tpu.dma_semaphore, #tpu.memory_space<semaphore_mem>>
          %dma_start3A = arith.constant 0 : i32
          %dma_start3A_52 = tpu.memref_slice %arg7[%add3A_49, %dma_start3A] : memref<79x128xi32, #tpu.memory_space<vmem>> -> memref<1x128xi32, #tpu.memory_space<vmem>>
          %dma_start3A_53 = tpu.memref_squeeze %dma_start3A_52 : memref<1x128xi32, #tpu.memory_space<vmem>> -> memref<128xi32, #tpu.memory_space<vmem>>
          %dma_start3A_54 = arith.constant 0 : i32
          %dma_start3A_55 = arith.constant 0 : i32
          %dma_start3A_56 = tpu.memref_slice %arg9[%dma_start3A_54, %dma_start3A_55] : memref<10240x128xf32, #tpu.memory_space<vmem_shared>> -> memref<10240x128xf32, #tpu.memory_space<vmem_shared>>
          tpu.enqueue_indirect_dma source(%arg8 : memref<128x128xf32, #tpu.memory_space<vmem>>) target(%dma_start3A_56 : memref<10240x128xf32, #tpu.memory_space<vmem_shared>>) offsets(%dma_start3A_53 : memref<128xi32, #tpu.memory_space<vmem>>) semaphore(%run_scoped3A_51 : memref<!tpu.dma_semaphore, #tpu.memory_space<semaphore_mem>>) {add = true}
          %dma_wait3A = arith.constant 0 : i32
          %dma_wait3A_57 = tpu.memref_slice %arg7[%add3A_49, %dma_wait3A] : memref<79x128xi32, #tpu.memory_space<vmem>> -> memref<1x128xi32, #tpu.memory_space<vmem>>
          %dma_wait3A_58 = tpu.memref_squeeze %dma_wait3A_57 : memref<1x128xi32, #tpu.memory_space<vmem>> -> memref<128xi32, #tpu.memory_space<vmem>>
          %dma_wait3A_59 = arith.constant 0 : i32
          %dma_wait3A_60 = arith.constant 0 : i32
          %dma_wait3A_61 = tpu.memref_slice %arg9[%dma_wait3A_59, %dma_wait3A_60] : memref<10240x128xf32, #tpu.memory_space<vmem_shared>> -> memref<10240x128xf32, #tpu.memory_space<vmem_shared>>
          tpu.wait_indirect_dma semaphore(%run_scoped3A_51 : memref<!tpu.dma_semaphore, #tpu.memory_space<semaphore_mem>>) src(%arg8 : memref<128x128xf32, #tpu.memory_space<vmem>>) dst(%dma_wait3A_61 : memref<10240x128xf32, #tpu.memory_space<vmem_shared>>)
          tpu.yield
        }) : () -> ()
      }
      %scan3A_38 = arith.constant 79 : i32
      %barrier3A_39 = arith.constant 0 : index
      tpu.barrier barrier_id(%barrier3A_39)
      %mul3A_40 = arith.constant 640 : i32
      %mul3A_41 = arith.muli %arg1, %mul3A_40 : i32
      %mul3A_42 = arith.constant 640 : i32
      %mul3A_43 = arith.muli %arg1, %mul3A_42 : i32
      %run_scoped3A = arith.constant 1 : i32
      "tpu.region"() ({
        %run_scoped3A_45 = tpu.sem_alloc : memref<!tpu.dma_semaphore, #tpu.memory_space<semaphore_mem>>
        %dma_start3A = arith.constant 0 : i32
        %dma_start3A_46 = arith.constant 0 : i32
        %dma_start3A_47 = tpu.memref_slice %arg5[%run_scoped3A, %dma_start3A, %dma_start3A_46] : memref<3x10240x128xf32, #tpu.memory_space<hbm>> -> memref<1x10240x128xf32, #tpu.memory_space<hbm>>
        %dma_start3A_48 = tpu.memref_squeeze %dma_start3A_47 : memref<1x10240x128xf32, #tpu.memory_space<hbm>> -> memref<10240x128xf32, #tpu.memory_space<hbm>>
        %dma_start3A_49 = arith.constant 0 : i32
        %dma_start3A_50 = tpu.memref_slice %dma_start3A_48[%mul3A_43, %dma_start3A_49] : memref<10240x128xf32, #tpu.memory_space<hbm>> -> memref<640x128xf32, #tpu.memory_space<hbm>>
        %dma_start3A_51 = arith.constant 0 : i32
        %dma_start3A_52 = tpu.memref_slice %arg9[%mul3A_41, %dma_start3A_51] : memref<10240x128xf32, #tpu.memory_space<vmem_shared>> -> memref<640x128xf32, #tpu.memory_space<vmem_shared>>
        tpu.enqueue_dma source(%dma_start3A_52 : memref<640x128xf32, #tpu.memory_space<vmem_shared>>) target(%dma_start3A_50 : memref<640x128xf32, #tpu.memory_space<hbm>>) target_semaphore(%run_scoped3A_45 : memref<!tpu.dma_semaphore, #tpu.memory_space<semaphore_mem>>)
        %dma_wait3A = arith.constant 0 : i32
        %dma_wait3A_53 = arith.constant 0 : i32
        %dma_wait3A_54 = tpu.memref_slice %arg5[%run_scoped3A, %dma_wait3A, %dma_wait3A_53] : memref<3x10240x128xf32, #tpu.memory_space<hbm>> -> memref<1x10240x128xf32, #tpu.memory_space<hbm>>
        %dma_wait3A_55 = tpu.memref_squeeze %dma_wait3A_54 : memref<1x10240x128xf32, #tpu.memory_space<hbm>> -> memref<10240x128xf32, #tpu.memory_space<hbm>>
        %dma_wait3A_56 = arith.constant 0 : i32
        %dma_wait3A_57 = tpu.memref_slice %dma_wait3A_55[%mul3A_43, %dma_wait3A_56] : memref<10240x128xf32, #tpu.memory_space<hbm>> -> memref<640x128xf32, #tpu.memory_space<hbm>>
        %dma_wait3A_58 = arith.constant 0 : i32
        %dma_wait3A_59 = tpu.memref_slice %arg9[%mul3A_41, %dma_wait3A_58] : memref<10240x128xf32, #tpu.memory_space<vmem_shared>> -> memref<640x128xf32, #tpu.memory_space<vmem_shared>>
        tpu.wait_dma2 semaphore(%run_scoped3A_45 : memref<!tpu.dma_semaphore, #tpu.memory_space<semaphore_mem>>) src(%dma_wait3A_59 : memref<640x128xf32, #tpu.memory_space<vmem_shared>>) dst(%dma_wait3A_57 : memref<640x128xf32, #tpu.memory_space<hbm>>)
        tpu.yield
      }) : () -> ()
      %barrier3A_44 = arith.constant 0 : index
      tpu.barrier barrier_id(%barrier3A_44)
    } else {
    }
    %eq3A_7 = arith.constant 0 : i32
    %eq3A_8 = arith.cmpi eq, %arg0, %eq3A_7 : i32
    %convert_element_type3A_9 = arith.extui %eq3A_8 : i1 to i32
    %cond3A_10 = arith.constant 0 : i32
    %cond3A_11 = arith.cmpi ne, %convert_element_type3A_9, %cond3A_10 : i32
    scf.if %cond3A_11 {
      %scan3A = arith.constant 0 : i32
      %scan3A_12 = arith.constant 128 : i32
      %scan3A_13 = arith.addi %scan3A, %scan3A_12 : i32
      %scan3A_14 = arith.constant 1 : i32
      scf.for %scan3A_50 = %scan3A to %scan3A_13 step %scan3A_14  : i32 {
        %mul3A_51 = arith.constant 1 : i32
        %mul3A_52 = arith.muli %scan3A_50, %mul3A_51 : i32
        %add3A_53 = arith.constant 0 : i32
        %add3A_54 = arith.addi %add3A_53, %mul3A_52 : i32
        %scan3A_55 = arith.constant 0 : i32
        %scan3A_56 = arith.constant 8 : i32
        %scan3A_57 = arith.addi %scan3A_55, %scan3A_56 : i32
        %scan3A_58 = arith.constant 1 : i32
        scf.for %scan3A_60 = %scan3A_55 to %scan3A_57 step %scan3A_58  : i32 {
          %mul3A_61 = arith.constant 16 : i32
          %mul3A_62 = arith.muli %scan3A_60, %mul3A_61 : i32
          %add3A_63 = arith.constant 0 : i32
          %add3A_64 = arith.addi %add3A_63, %mul3A_62 : i32
          %broadcast_in_dim3A = arith.constant 0.000000e+00 : f32
          %broadcast_in_dim3A_65 = vector.broadcast %broadcast_in_dim3A : f32 to vector<16xf32>
          %swap3A = arith.index_cast %add3A_54 : i32 to index
          %swap3A_66 = arith.index_cast %add3A_64 : i32 to index
          %swap3A_67 = tpu.vector_load %arg8[%swap3A, %swap3A_66] {strides = array<i32>} : memref<128x128xf32, #tpu.memory_space<vmem>>, vector<1x16xf32>,
          %swap3A_68 = vector.shape_cast %swap3A_67 : vector<1x16xf32> to vector<16xf32>
          %swap3A_69 = vector.shape_cast %broadcast_in_dim3A_65 : vector<16xf32> to vector<1x16xf32>
          tpu.vector_store %arg8[%swap3A, %swap3A_66], %swap3A_69 {strides = array<i32>} : memref<128x128xf32, #tpu.memory_space<vmem>>, vector<1x16xf32>,
        }
        %scan3A_59 = arith.constant 8 : i32
      }
      %scan3A_15 = arith.constant 128 : i32
      %mul3A = arith.constant 640 : i32
      %mul3A_16 = arith.muli %arg1, %mul3A : i32
      %add3A = arith.constant 0 : i32
      %add3A_17 = arith.addi %mul3A_16, %add3A : i32
      "tpu.region"() ({
        %run_scoped3A_50 = tpu.sem_alloc : memref<!tpu.dma_semaphore, #tpu.memory_space<semaphore_mem>>
        %dma_start3A = arith.constant 0 : i32
        %dma_start3A_51 = tpu.memref_slice %arg9[%add3A_17, %dma_start3A] : memref<10240x128xf32, #tpu.memory_space<vmem_shared>> -> memref<128x128xf32, #tpu.memory_space<vmem_shared>>
        %dma_start3A_52 = arith.constant 0 : i32
        %dma_start3A_53 = tpu.memref_slice %arg9[%add3A_17, %dma_start3A_52] : memref<10240x128xf32, #tpu.memory_space<vmem_shared>> -> memref<128x128xf32, #tpu.memory_space<vmem_shared>>
        tpu.enqueue_dma source(%arg8 : memref<128x128xf32, #tpu.memory_space<vmem>>) target(%dma_start3A_53 : memref<128x128xf32, #tpu.memory_space<vmem_shared>>) target_semaphore(%run_scoped3A_50 : memref<!tpu.dma_semaphore, #tpu.memory_space<semaphore_mem>>)
        %dma_wait3A = arith.constant 0 : i32
        %dma_wait3A_54 = tpu.memref_slice %arg9[%add3A_17, %dma_wait3A] : memref<10240x128xf32, #tpu.memory_space<vmem_shared>> -> memref<128x128xf32, #tpu.memory_space<vmem_shared>>
        %dma_wait3A_55 = arith.constant 0 : i32
        %dma_wait3A_56 = tpu.memref_slice %arg9[%add3A_17, %dma_wait3A_55] : memref<10240x128xf32, #tpu.memory_space<vmem_shared>> -> memref<128x128xf32, #tpu.memory_space<vmem_shared>>
        tpu.wait_dma2 semaphore(%run_scoped3A_50 : memref<!tpu.dma_semaphore, #tpu.memory_space<semaphore_mem>>) src(%arg8 : memref<128x128xf32, #tpu.memory_space<vmem>>) dst(%dma_wait3A_56 : memref<128x128xf32, #tpu.memory_space<vmem_shared>>)
        tpu.yield
      }) : () -> ()
      %mul3A_18 = arith.constant 640 : i32
      %mul3A_19 = arith.muli %arg1, %mul3A_18 : i32
      %add3A_20 = arith.constant 128 : i32
      %add3A_21 = arith.addi %mul3A_19, %add3A_20 : i32
      "tpu.region"() ({
        %run_scoped3A_50 = tpu.sem_alloc : memref<!tpu.dma_semaphore, #tpu.memory_space<semaphore_mem>>
        %dma_start3A = arith.constant 0 : i32
        %dma_start3A_51 = tpu.memref_slice %arg9[%add3A_21, %dma_start3A] : memref<10240x128xf32, #tpu.memory_space<vmem_shared>> -> memref<128x128xf32, #tpu.memory_space<vmem_shared>>
        %dma_start3A_52 = arith.constant 0 : i32
        %dma_start3A_53 = tpu.memref_slice %arg9[%add3A_21, %dma_start3A_52] : memref<10240x128xf32, #tpu.memory_space<vmem_shared>> -> memref<128x128xf32, #tpu.memory_space<vmem_shared>>
        tpu.enqueue_dma source(%arg8 : memref<128x128xf32, #tpu.memory_space<vmem>>) target(%dma_start3A_53 : memref<128x128xf32, #tpu.memory_space<vmem_shared>>) target_semaphore(%run_scoped3A_50 : memref<!tpu.dma_semaphore, #tpu.memory_space<semaphore_mem>>)
        %dma_wait3A = arith.constant 0 : i32
        %dma_wait3A_54 = tpu.memref_slice %arg9[%add3A_21, %dma_wait3A] : memref<10240x128xf32, #tpu.memory_space<vmem_shared>> -> memref<128x128xf32, #tpu.memory_space<vmem_shared>>
        %dma_wait3A_55 = arith.constant 0 : i32
        %dma_wait3A_56 = tpu.memref_slice %arg9[%add3A_21, %dma_wait3A_55] : memref<10240x128xf32, #tpu.memory_space<vmem_shared>> -> memref<128x128xf32, #tpu.memory_space<vmem_shared>>
        tpu.wait_dma2 semaphore(%run_scoped3A_50 : memref<!tpu.dma_semaphore, #tpu.memory_space<semaphore_mem>>) src(%arg8 : memref<128x128xf32, #tpu.memory_space<vmem>>) dst(%dma_wait3A_56 : memref<128x128xf32, #tpu.memory_space<vmem_shared>>)
        tpu.yield
      }) : () -> ()
      %mul3A_22 = arith.constant 640 : i32
      %mul3A_23 = arith.muli %arg1, %mul3A_22 : i32
      %add3A_24 = arith.constant 256 : i32
      %add3A_25 = arith.addi %mul3A_23, %add3A_24 : i32
      "tpu.region"() ({
        %run_scoped3A_50 = tpu.sem_alloc : memref<!tpu.dma_semaphore, #tpu.memory_space<semaphore_mem>>
        %dma_start3A = arith.constant 0 : i32
        %dma_start3A_51 = tpu.memref_slice %arg9[%add3A_25, %dma_start3A] : memref<10240x128xf32, #tpu.memory_space<vmem_shared>> -> memref<128x128xf32, #tpu.memory_space<vmem_shared>>
        %dma_start3A_52 = arith.constant 0 : i32
        %dma_start3A_53 = tpu.memref_slice %arg9[%add3A_25, %dma_start3A_52] : memref<10240x128xf32, #tpu.memory_space<vmem_shared>> -> memref<128x128xf32, #tpu.memory_space<vmem_shared>>
        tpu.enqueue_dma source(%arg8 : memref<128x128xf32, #tpu.memory_space<vmem>>) target(%dma_start3A_53 : memref<128x128xf32, #tpu.memory_space<vmem_shared>>) target_semaphore(%run_scoped3A_50 : memref<!tpu.dma_semaphore, #tpu.memory_space<semaphore_mem>>)
        %dma_wait3A = arith.constant 0 : i32
        %dma_wait3A_54 = tpu.memref_slice %arg9[%add3A_25, %dma_wait3A] : memref<10240x128xf32, #tpu.memory_space<vmem_shared>> -> memref<128x128xf32, #tpu.memory_space<vmem_shared>>
        %dma_wait3A_55 = arith.constant 0 : i32
        %dma_wait3A_56 = tpu.memref_slice %arg9[%add3A_25, %dma_wait3A_55] : memref<10240x128xf32, #tpu.memory_space<vmem_shared>> -> memref<128x128xf32, #tpu.memory_space<vmem_shared>>
        tpu.wait_dma2 semaphore(%run_scoped3A_50 : memref<!tpu.dma_semaphore, #tpu.memory_space<semaphore_mem>>) src(%arg8 : memref<128x128xf32, #tpu.memory_space<vmem>>) dst(%dma_wait3A_56 : memref<128x128xf32, #tpu.memory_space<vmem_shared>>)
        tpu.yield
      }) : () -> ()
      %mul3A_26 = arith.constant 640 : i32
      %mul3A_27 = arith.muli %arg1, %mul3A_26 : i32
      %add3A_28 = arith.constant 384 : i32
      %add3A_29 = arith.addi %mul3A_27, %add3A_28 : i32
      "tpu.region"() ({
        %run_scoped3A_50 = tpu.sem_alloc : memref<!tpu.dma_semaphore, #tpu.memory_space<semaphore_mem>>
        %dma_start3A = arith.constant 0 : i32
        %dma_start3A_51 = tpu.memref_slice %arg9[%add3A_29, %dma_start3A] : memref<10240x128xf32, #tpu.memory_space<vmem_shared>> -> memref<128x128xf32, #tpu.memory_space<vmem_shared>>
        %dma_start3A_52 = arith.constant 0 : i32
        %dma_start3A_53 = tpu.memref_slice %arg9[%add3A_29, %dma_start3A_52] : memref<10240x128xf32, #tpu.memory_space<vmem_shared>> -> memref<128x128xf32, #tpu.memory_space<vmem_shared>>
        tpu.enqueue_dma source(%arg8 : memref<128x128xf32, #tpu.memory_space<vmem>>) target(%dma_start3A_53 : memref<128x128xf32, #tpu.memory_space<vmem_shared>>) target_semaphore(%run_scoped3A_50 : memref<!tpu.dma_semaphore, #tpu.memory_space<semaphore_mem>>)
        %dma_wait3A = arith.constant 0 : i32
        %dma_wait3A_54 = tpu.memref_slice %arg9[%add3A_29, %dma_wait3A] : memref<10240x128xf32, #tpu.memory_space<vmem_shared>> -> memref<128x128xf32, #tpu.memory_space<vmem_shared>>
        %dma_wait3A_55 = arith.constant 0 : i32
        %dma_wait3A_56 = tpu.memref_slice %arg9[%add3A_29, %dma_wait3A_55] : memref<10240x128xf32, #tpu.memory_space<vmem_shared>> -> memref<128x128xf32, #tpu.memory_space<vmem_shared>>
        tpu.wait_dma2 semaphore(%run_scoped3A_50 : memref<!tpu.dma_semaphore, #tpu.memory_space<semaphore_mem>>) src(%arg8 : memref<128x128xf32, #tpu.memory_space<vmem>>) dst(%dma_wait3A_56 : memref<128x128xf32, #tpu.memory_space<vmem_shared>>)
        tpu.yield
      }) : () -> ()
      %mul3A_30 = arith.constant 640 : i32
      %mul3A_31 = arith.muli %arg1, %mul3A_30 : i32
      %add3A_32 = arith.constant 512 : i32
      %add3A_33 = arith.addi %mul3A_31, %add3A_32 : i32
      "tpu.region"() ({
        %run_scoped3A_50 = tpu.sem_alloc : memref<!tpu.dma_semaphore, #tpu.memory_space<semaphore_mem>>
        %dma_start3A = arith.constant 0 : i32
        %dma_start3A_51 = tpu.memref_slice %arg9[%add3A_33, %dma_start3A] : memref<10240x128xf32, #tpu.memory_space<vmem_shared>> -> memref<128x128xf32, #tpu.memory_space<vmem_shared>>
        %dma_start3A_52 = arith.constant 0 : i32
        %dma_start3A_53 = tpu.memref_slice %arg9[%add3A_33, %dma_start3A_52] : memref<10240x128xf32, #tpu.memory_space<vmem_shared>> -> memref<128x128xf32, #tpu.memory_space<vmem_shared>>
        tpu.enqueue_dma source(%arg8 : memref<128x128xf32, #tpu.memory_space<vmem>>) target(%dma_start3A_53 : memref<128x128xf32, #tpu.memory_space<vmem_shared>>) target_semaphore(%run_scoped3A_50 : memref<!tpu.dma_semaphore, #tpu.memory_space<semaphore_mem>>)
        %dma_wait3A = arith.constant 0 : i32
        %dma_wait3A_54 = tpu.memref_slice %arg9[%add3A_33, %dma_wait3A] : memref<10240x128xf32, #tpu.memory_space<vmem_shared>> -> memref<128x128xf32, #tpu.memory_space<vmem_shared>>
        %dma_wait3A_55 = arith.constant 0 : i32
        %dma_wait3A_56 = tpu.memref_slice %arg9[%add3A_33, %dma_wait3A_55] : memref<10240x128xf32, #tpu.memory_space<vmem_shared>> -> memref<128x128xf32, #tpu.memory_space<vmem_shared>>
        tpu.wait_dma2 semaphore(%run_scoped3A_50 : memref<!tpu.dma_semaphore, #tpu.memory_space<semaphore_mem>>) src(%arg8 : memref<128x128xf32, #tpu.memory_space<vmem>>) dst(%dma_wait3A_56 : memref<128x128xf32, #tpu.memory_space<vmem_shared>>)
        tpu.yield
      }) : () -> ()
      %barrier3A = arith.constant 0 : index
      tpu.barrier barrier_id(%barrier3A)
      %scan3A_34 = arith.constant 0 : i32
      %scan3A_35 = arith.constant 128 : i32
      %scan3A_36 = arith.addi %scan3A_34, %scan3A_35 : i32
      %scan3A_37 = arith.constant 1 : i32
      scf.for %scan3A_50 = %scan3A_34 to %scan3A_36 step %scan3A_37  : i32 {
        %mul3A_51 = arith.constant 1 : i32
        %mul3A_52 = arith.muli %scan3A_50, %mul3A_51 : i32
        %add3A_53 = arith.constant 0 : i32
        %add3A_54 = arith.addi %add3A_53, %mul3A_52 : i32
        %scan3A_55 = arith.constant 0 : i32
        %scan3A_56 = arith.constant 8 : i32
        %scan3A_57 = arith.addi %scan3A_55, %scan3A_56 : i32
        %scan3A_58 = arith.constant 1 : i32
        scf.for %scan3A_60 = %scan3A_55 to %scan3A_57 step %scan3A_58  : i32 {
          %mul3A_61 = arith.constant 16 : i32
          %mul3A_62 = arith.muli %scan3A_60, %mul3A_61 : i32
          %add3A_63 = arith.constant 0 : i32
          %add3A_64 = arith.addi %add3A_63, %mul3A_62 : i32
          %broadcast_in_dim3A = arith.constant 1.000000e+00 : f32
          %broadcast_in_dim3A_65 = vector.broadcast %broadcast_in_dim3A : f32 to vector<16xf32>
          %swap3A = arith.index_cast %add3A_54 : i32 to index
          %swap3A_66 = arith.index_cast %add3A_64 : i32 to index
          %swap3A_67 = tpu.vector_load %arg8[%swap3A, %swap3A_66] {strides = array<i32>} : memref<128x128xf32, #tpu.memory_space<vmem>>, vector<1x16xf32>,
          %swap3A_68 = vector.shape_cast %swap3A_67 : vector<1x16xf32> to vector<16xf32>
          %swap3A_69 = vector.shape_cast %broadcast_in_dim3A_65 : vector<16xf32> to vector<1x16xf32>
          tpu.vector_store %arg8[%swap3A, %swap3A_66], %swap3A_69 {strides = array<i32>} : memref<128x128xf32, #tpu.memory_space<vmem>>, vector<1x16xf32>,
        }
        %scan3A_59 = arith.constant 8 : i32
      }
      %scan3A_38 = arith.constant 128 : i32
      %scan3A_39 = arith.constant 0 : i32
      %scan3A_40 = arith.constant 79 : i32
      %scan3A_41 = arith.addi %scan3A_39, %scan3A_40 : i32
      %scan3A_42 = arith.constant 1 : i32
      scf.for %scan3A_50 = %scan3A_39 to %scan3A_41 step %scan3A_42  : i32 {
        %mul3A_51 = arith.constant 1 : i32
        %mul3A_52 = arith.muli %scan3A_50, %mul3A_51 : i32
        %add3A_53 = arith.constant 0 : i32
        %add3A_54 = arith.addi %add3A_53, %mul3A_52 : i32
        "tpu.region"() ({
          %run_scoped3A_55 = tpu.sem_alloc : memref<!tpu.dma_semaphore, #tpu.memory_space<semaphore_mem>>
          %dma_start3A = arith.constant 0 : i32
          %dma_start3A_56 = tpu.memref_slice %arg7[%add3A_54, %dma_start3A] : memref<79x128xi32, #tpu.memory_space<vmem>> -> memref<1x128xi32, #tpu.memory_space<vmem>>
          %dma_start3A_57 = tpu.memref_squeeze %dma_start3A_56 : memref<1x128xi32, #tpu.memory_space<vmem>> -> memref<128xi32, #tpu.memory_space<vmem>>
          %dma_start3A_58 = arith.constant 0 : i32
          %dma_start3A_59 = arith.constant 0 : i32
          %dma_start3A_60 = tpu.memref_slice %arg9[%dma_start3A_58, %dma_start3A_59] : memref<10240x128xf32, #tpu.memory_space<vmem_shared>> -> memref<10240x128xf32, #tpu.memory_space<vmem_shared>>
          tpu.enqueue_indirect_dma source(%arg8 : memref<128x128xf32, #tpu.memory_space<vmem>>) target(%dma_start3A_60 : memref<10240x128xf32, #tpu.memory_space<vmem_shared>>) offsets(%dma_start3A_57 : memref<128xi32, #tpu.memory_space<vmem>>) semaphore(%run_scoped3A_55 : memref<!tpu.dma_semaphore, #tpu.memory_space<semaphore_mem>>) {add = true}
          %dma_wait3A = arith.constant 0 : i32
          %dma_wait3A_61 = tpu.memref_slice %arg7[%add3A_54, %dma_wait3A] : memref<79x128xi32, #tpu.memory_space<vmem>> -> memref<1x128xi32, #tpu.memory_space<vmem>>
          %dma_wait3A_62 = tpu.memref_squeeze %dma_wait3A_61 : memref<1x128xi32, #tpu.memory_space<vmem>> -> memref<128xi32, #tpu.memory_space<vmem>>
          %dma_wait3A_63 = arith.constant 0 : i32
          %dma_wait3A_64 = arith.constant 0 : i32
          %dma_wait3A_65 = tpu.memref_slice %arg9[%dma_wait3A_63, %dma_wait3A_64] : memref<10240x128xf32, #tpu.memory_space<vmem_shared>> -> memref<10240x128xf32, #tpu.memory_space<vmem_shared>>
          tpu.wait_indirect_dma semaphore(%run_scoped3A_55 : memref<!tpu.dma_semaphore, #tpu.memory_space<semaphore_mem>>) src(%arg8 : memref<128x128xf32, #tpu.memory_space<vmem>>) dst(%dma_wait3A_65 : memref<10240x128xf32, #tpu.memory_space<vmem_shared>>)
          tpu.yield
        }) : () -> ()
      }
      %scan3A_43 = arith.constant 79 : i32
      %barrier3A_44 = arith.constant 0 : index
      tpu.barrier barrier_id(%barrier3A_44)
      %mul3A_45 = arith.constant 640 : i32
      %mul3A_46 = arith.muli %arg1, %mul3A_45 : i32
      %mul3A_47 = arith.constant 640 : i32
      %mul3A_48 = arith.muli %arg1, %mul3A_47 : i32
      %run_scoped3A = arith.constant 2 : i32
      "tpu.region"() ({
        %run_scoped3A_50 = tpu.sem_alloc : memref<!tpu.dma_semaphore, #tpu.memory_space<semaphore_mem>>
        %dma_start3A = arith.constant 0 : i32
        %dma_start3A_51 = arith.constant 0 : i32
        %dma_start3A_52 = tpu.memref_slice %arg5[%run_scoped3A, %dma_start3A, %dma_start3A_51] : memref<3x10240x128xf32, #tpu.memory_space<hbm>> -> memref<1x10240x128xf32, #tpu.memory_space<hbm>>
        %dma_start3A_53 = tpu.memref_squeeze %dma_start3A_52 : memref<1x10240x128xf32, #tpu.memory_space<hbm>> -> memref<10240x128xf32, #tpu.memory_space<hbm>>
        %dma_start3A_54 = arith.constant 0 : i32
        %dma_start3A_55 = tpu.memref_slice %dma_start3A_53[%mul3A_48, %dma_start3A_54] : memref<10240x128xf32, #tpu.memory_space<hbm>> -> memref<640x128xf32, #tpu.memory_space<hbm>>
        %dma_start3A_56 = arith.constant 0 : i32
        %dma_start3A_57 = tpu.memref_slice %arg9[%mul3A_46, %dma_start3A_56] : memref<10240x128xf32, #tpu.memory_space<vmem_shared>> -> memref<640x128xf32, #tpu.memory_space<vmem_shared>>
        tpu.enqueue_dma source(%dma_start3A_57 : memref<640x128xf32, #tpu.memory_space<vmem_shared>>) target(%dma_start3A_55 : memref<640x128xf32, #tpu.memory_space<hbm>>) target_semaphore(%run_scoped3A_50 : memref<!tpu.dma_semaphore, #tpu.memory_space<semaphore_mem>>)
        %dma_wait3A = arith.constant 0 : i32
        %dma_wait3A_58 = arith.constant 0 : i32
        %dma_wait3A_59 = tpu.memref_slice %arg5[%run_scoped3A, %dma_wait3A, %dma_wait3A_58] : memref<3x10240x128xf32, #tpu.memory_space<hbm>> -> memref<1x10240x128xf32, #tpu.memory_space<hbm>>
        %dma_wait3A_60 = tpu.memref_squeeze %dma_wait3A_59 : memref<1x10240x128xf32, #tpu.memory_space<hbm>> -> memref<10240x128xf32, #tpu.memory_space<hbm>>
        %dma_wait3A_61 = arith.constant 0 : i32
        %dma_wait3A_62 = tpu.memref_slice %dma_wait3A_60[%mul3A_48, %dma_wait3A_61] : memref<10240x128xf32, #tpu.memory_space<hbm>> -> memref<640x128xf32, #tpu.memory_space<hbm>>
        %dma_wait3A_63 = arith.constant 0 : i32
        %dma_wait3A_64 = tpu.memref_slice %arg9[%mul3A_46, %dma_wait3A_63] : memref<10240x128xf32, #tpu.memory_space<vmem_shared>> -> memref<640x128xf32, #tpu.memory_space<vmem_shared>>
        tpu.wait_dma2 semaphore(%run_scoped3A_50 : memref<!tpu.dma_semaphore, #tpu.memory_space<semaphore_mem>>) src(%dma_wait3A_64 : memref<640x128xf32, #tpu.memory_space<vmem_shared>>) dst(%dma_wait3A_62 : memref<640x128xf32, #tpu.memory_space<hbm>>)
        tpu.yield
      }) : () -> ()
      %barrier3A_49 = arith.constant 0 : index
      tpu.barrier barrier_id(%barrier3A_49)
    } else {
    }
    return
  }
}

#map = affine_map<(d0, d1) -> (0, 0, 0)>
module attributes {stable_mosaic.version = 14 : i64} {
  func.func @body(%arg0: i32, %arg1: i32, %arg2: memref<4x10000x128xf32, #tpu.memory_space<hbm>>, %arg3: memref<16x79x128xi32, #tpu.memory_space<hbm>>, %arg4: memref<16x79x128xi32, #tpu.memory_space<hbm>>, %arg5: memref<4x10240x128xf32, #tpu.memory_space<hbm>>, %arg6: memref<79x128xi32, #tpu.memory_space<vmem>>, %arg7: memref<79x128xi32, #tpu.memory_space<vmem>>, %arg8: memref<128x128xf32, #tpu.memory_space<vmem>>, %arg9: memref<10240x128xf32, #tpu.memory_space<vmem_shared>>) attributes {dimension_semantics = [#tpu.dimension_semantics<core_parallel>, #tpu.dimension_semantics<subcore_parallel>], iteration_bounds = array<i64: 2, 16>, scalar_prefetch = 0 : i64, scratch_operands = 4 : i64, tpu.core_type = #tpu.core_type<sc_vector_subcore>, window_params = [{transform_indices = #map}, {transform_indices = #map}, {transform_indices = #map}, {transform_indices = #map}]} {
    "tpu.region"() ({
      %run_scoped3A = tpu.sem_alloc : memref<!tpu.dma_semaphore, #tpu.memory_space<semaphore_mem>>
      %dma_start3A = arith.constant 0 : i32
      %dma_start3A_17 = arith.constant 0 : i32
      %dma_start3A_18 = tpu.memref_slice %arg3[%arg1, %dma_start3A, %dma_start3A_17] : memref<16x79x128xi32, #tpu.memory_space<hbm>> -> memref<1x79x128xi32, #tpu.memory_space<hbm>>
      %dma_start3A_19 = tpu.memref_squeeze %dma_start3A_18 : memref<1x79x128xi32, #tpu.memory_space<hbm>> -> memref<79x128xi32, #tpu.memory_space<hbm>>
      %dma_start3A_20 = arith.constant 0 : i32
      %dma_start3A_21 = arith.constant 0 : i32
      %dma_start3A_22 = tpu.memref_slice %arg3[%arg1, %dma_start3A_20, %dma_start3A_21] : memref<16x79x128xi32, #tpu.memory_space<hbm>> -> memref<1x79x128xi32, #tpu.memory_space<hbm>>
      %dma_start3A_23 = tpu.memref_squeeze %dma_start3A_22 : memref<1x79x128xi32, #tpu.memory_space<hbm>> -> memref<79x128xi32, #tpu.memory_space<hbm>>
      tpu.enqueue_dma source(%dma_start3A_23 : memref<79x128xi32, #tpu.memory_space<hbm>>) target(%arg6 : memref<79x128xi32, #tpu.memory_space<vmem>>) target_semaphore(%run_scoped3A : memref<!tpu.dma_semaphore, #tpu.memory_space<semaphore_mem>>)
      %dma_wait3A = arith.constant 0 : i32
      %dma_wait3A_24 = arith.constant 0 : i32
      %dma_wait3A_25 = tpu.memref_slice %arg3[%arg1, %dma_wait3A, %dma_wait3A_24] : memref<16x79x128xi32, #tpu.memory_space<hbm>> -> memref<1x79x128xi32, #tpu.memory_space<hbm>>
      %dma_wait3A_26 = tpu.memref_squeeze %dma_wait3A_25 : memref<1x79x128xi32, #tpu.memory_space<hbm>> -> memref<79x128xi32, #tpu.memory_space<hbm>>
      %dma_wait3A_27 = arith.constant 0 : i32
      %dma_wait3A_28 = arith.constant 0 : i32
      %dma_wait3A_29 = tpu.memref_slice %arg3[%arg1, %dma_wait3A_27, %dma_wait3A_28] : memref<16x79x128xi32, #tpu.memory_space<hbm>> -> memref<1x79x128xi32, #tpu.memory_space<hbm>>
      %dma_wait3A_30 = tpu.memref_squeeze %dma_wait3A_29 : memref<1x79x128xi32, #tpu.memory_space<hbm>> -> memref<79x128xi32, #tpu.memory_space<hbm>>
      tpu.wait_dma2 semaphore(%run_scoped3A : memref<!tpu.dma_semaphore, #tpu.memory_space<semaphore_mem>>) src(%dma_wait3A_30 : memref<79x128xi32, #tpu.memory_space<hbm>>) dst(%arg6 : memref<79x128xi32, #tpu.memory_space<vmem>>)
      tpu.yield
    }) : () -> ()
    "tpu.region"() ({
      %run_scoped3A = tpu.sem_alloc : memref<!tpu.dma_semaphore, #tpu.memory_space<semaphore_mem>>
      %dma_start3A = arith.constant 0 : i32
      %dma_start3A_17 = arith.constant 0 : i32
      %dma_start3A_18 = tpu.memref_slice %arg4[%arg1, %dma_start3A, %dma_start3A_17] : memref<16x79x128xi32, #tpu.memory_space<hbm>> -> memref<1x79x128xi32, #tpu.memory_space<hbm>>
      %dma_start3A_19 = tpu.memref_squeeze %dma_start3A_18 : memref<1x79x128xi32, #tpu.memory_space<hbm>> -> memref<79x128xi32, #tpu.memory_space<hbm>>
      %dma_start3A_20 = arith.constant 0 : i32
      %dma_start3A_21 = arith.constant 0 : i32
      %dma_start3A_22 = tpu.memref_slice %arg4[%arg1, %dma_start3A_20, %dma_start3A_21] : memref<16x79x128xi32, #tpu.memory_space<hbm>> -> memref<1x79x128xi32, #tpu.memory_space<hbm>>
      %dma_start3A_23 = tpu.memref_squeeze %dma_start3A_22 : memref<1x79x128xi32, #tpu.memory_space<hbm>> -> memref<79x128xi32, #tpu.memory_space<hbm>>
      tpu.enqueue_dma source(%dma_start3A_23 : memref<79x128xi32, #tpu.memory_space<hbm>>) target(%arg7 : memref<79x128xi32, #tpu.memory_space<vmem>>) target_semaphore(%run_scoped3A : memref<!tpu.dma_semaphore, #tpu.memory_space<semaphore_mem>>)
      %dma_wait3A = arith.constant 0 : i32
      %dma_wait3A_24 = arith.constant 0 : i32
      %dma_wait3A_25 = tpu.memref_slice %arg4[%arg1, %dma_wait3A, %dma_wait3A_24] : memref<16x79x128xi32, #tpu.memory_space<hbm>> -> memref<1x79x128xi32, #tpu.memory_space<hbm>>
      %dma_wait3A_26 = tpu.memref_squeeze %dma_wait3A_25 : memref<1x79x128xi32, #tpu.memory_space<hbm>> -> memref<79x128xi32, #tpu.memory_space<hbm>>
      %dma_wait3A_27 = arith.constant 0 : i32
      %dma_wait3A_28 = arith.constant 0 : i32
      %dma_wait3A_29 = tpu.memref_slice %arg4[%arg1, %dma_wait3A_27, %dma_wait3A_28] : memref<16x79x128xi32, #tpu.memory_space<hbm>> -> memref<1x79x128xi32, #tpu.memory_space<hbm>>
      %dma_wait3A_30 = tpu.memref_squeeze %dma_wait3A_29 : memref<1x79x128xi32, #tpu.memory_space<hbm>> -> memref<79x128xi32, #tpu.memory_space<hbm>>
      tpu.wait_dma2 semaphore(%run_scoped3A : memref<!tpu.dma_semaphore, #tpu.memory_space<semaphore_mem>>) src(%dma_wait3A_30 : memref<79x128xi32, #tpu.memory_space<hbm>>) dst(%arg7 : memref<79x128xi32, #tpu.memory_space<vmem>>)
      tpu.yield
    }) : () -> ()
    %eq3A = arith.constant 0 : i32
    %eq3A_0 = arith.cmpi eq, %arg0, %eq3A : i32
    %convert_element_type3A = arith.extui %eq3A_0 : i1 to i32
    %cond3A = arith.constant 0 : i32
    %cond3A_1 = arith.cmpi ne, %convert_element_type3A, %cond3A : i32
    scf.if %cond3A_1 {
      %scan3A = arith.constant 0 : i32
      %scan3A_17 = arith.constant 128 : i32
      %scan3A_18 = arith.addi %scan3A, %scan3A_17 : i32
      %scan3A_19 = arith.constant 1 : i32
      scf.for %scan3A_50 = %scan3A to %scan3A_18 step %scan3A_19  : i32 {
        %mul3A_51 = arith.constant 1 : i32
        %mul3A_52 = arith.muli %scan3A_50, %mul3A_51 : i32
        %add3A_53 = arith.constant 0 : i32
        %add3A_54 = arith.addi %add3A_53, %mul3A_52 : i32
        %scan3A_55 = arith.constant 0 : i32
        %scan3A_56 = arith.constant 8 : i32
        %scan3A_57 = arith.addi %scan3A_55, %scan3A_56 : i32
        %scan3A_58 = arith.constant 1 : i32
        scf.for %scan3A_60 = %scan3A_55 to %scan3A_57 step %scan3A_58  : i32 {
          %mul3A_61 = arith.constant 16 : i32
          %mul3A_62 = arith.muli %scan3A_60, %mul3A_61 : i32
          %add3A_63 = arith.constant 0 : i32
          %add3A_64 = arith.addi %add3A_63, %mul3A_62 : i32
          %broadcast_in_dim3A = arith.constant 0.000000e+00 : f32
          %broadcast_in_dim3A_65 = vector.broadcast %broadcast_in_dim3A : f32 to vector<16xf32>
          %swap3A = arith.index_cast %add3A_54 : i32 to index
          %swap3A_66 = arith.index_cast %add3A_64 : i32 to index
          %swap3A_67 = tpu.vector_load %arg8[%swap3A, %swap3A_66] {strides = array<i32>} : memref<128x128xf32, #tpu.memory_space<vmem>>, vector<1x16xf32>,
          %swap3A_68 = vector.shape_cast %swap3A_67 : vector<1x16xf32> to vector<16xf32>
          %swap3A_69 = vector.shape_cast %broadcast_in_dim3A_65 : vector<16xf32> to vector<1x16xf32>
          tpu.vector_store %arg8[%swap3A, %swap3A_66], %swap3A_69 {strides = array<i32>} : memref<128x128xf32, #tpu.memory_space<vmem>>, vector<1x16xf32>,
        }
        %scan3A_59 = arith.constant 8 : i32
      }
      %scan3A_20 = arith.constant 128 : i32
      %mul3A = arith.constant 640 : i32
      %mul3A_21 = arith.muli %arg1, %mul3A : i32
      %add3A = arith.constant 0 : i32
      %add3A_22 = arith.addi %mul3A_21, %add3A : i32
      "tpu.region"() ({
        %run_scoped3A_50 = tpu.sem_alloc : memref<!tpu.dma_semaphore, #tpu.memory_space<semaphore_mem>>
        %dma_start3A = arith.constant 0 : i32
        %dma_start3A_51 = tpu.memref_slice %arg9[%add3A_22, %dma_start3A] : memref<10240x128xf32, #tpu.memory_space<vmem_shared>> -> memref<128x128xf32, #tpu.memory_space<vmem_shared>>
        %dma_start3A_52 = arith.constant 0 : i32
        %dma_start3A_53 = tpu.memref_slice %arg9[%add3A_22, %dma_start3A_52] : memref<10240x128xf32, #tpu.memory_space<vmem_shared>> -> memref<128x128xf32, #tpu.memory_space<vmem_shared>>
        tpu.enqueue_dma source(%arg8 : memref<128x128xf32, #tpu.memory_space<vmem>>) target(%dma_start3A_53 : memref<128x128xf32, #tpu.memory_space<vmem_shared>>) target_semaphore(%run_scoped3A_50 : memref<!tpu.dma_semaphore, #tpu.memory_space<semaphore_mem>>)
        %dma_wait3A = arith.constant 0 : i32
        %dma_wait3A_54 = tpu.memref_slice %arg9[%add3A_22, %dma_wait3A] : memref<10240x128xf32, #tpu.memory_space<vmem_shared>> -> memref<128x128xf32, #tpu.memory_space<vmem_shared>>
        %dma_wait3A_55 = arith.constant 0 : i32
        %dma_wait3A_56 = tpu.memref_slice %arg9[%add3A_22, %dma_wait3A_55] : memref<10240x128xf32, #tpu.memory_space<vmem_shared>> -> memref<128x128xf32, #tpu.memory_space<vmem_shared>>
        tpu.wait_dma2 semaphore(%run_scoped3A_50 : memref<!tpu.dma_semaphore, #tpu.memory_space<semaphore_mem>>) src(%arg8 : memref<128x128xf32, #tpu.memory_space<vmem>>) dst(%dma_wait3A_56 : memref<128x128xf32, #tpu.memory_space<vmem_shared>>)
        tpu.yield
      }) : () -> ()
      %mul3A_23 = arith.constant 640 : i32
      %mul3A_24 = arith.muli %arg1, %mul3A_23 : i32
      %add3A_25 = arith.constant 128 : i32
      %add3A_26 = arith.addi %mul3A_24, %add3A_25 : i32
      "tpu.region"() ({
        %run_scoped3A_50 = tpu.sem_alloc : memref<!tpu.dma_semaphore, #tpu.memory_space<semaphore_mem>>
        %dma_start3A = arith.constant 0 : i32
        %dma_start3A_51 = tpu.memref_slice %arg9[%add3A_26, %dma_start3A] : memref<10240x128xf32, #tpu.memory_space<vmem_shared>> -> memref<128x128xf32, #tpu.memory_space<vmem_shared>>
        %dma_start3A_52 = arith.constant 0 : i32
        %dma_start3A_53 = tpu.memref_slice %arg9[%add3A_26, %dma_start3A_52] : memref<10240x128xf32, #tpu.memory_space<vmem_shared>> -> memref<128x128xf32, #tpu.memory_space<vmem_shared>>
        tpu.enqueue_dma source(%arg8 : memref<128x128xf32, #tpu.memory_space<vmem>>) target(%dma_start3A_53 : memref<128x128xf32, #tpu.memory_space<vmem_shared>>) target_semaphore(%run_scoped3A_50 : memref<!tpu.dma_semaphore, #tpu.memory_space<semaphore_mem>>)
        %dma_wait3A = arith.constant 0 : i32
        %dma_wait3A_54 = tpu.memref_slice %arg9[%add3A_26, %dma_wait3A] : memref<10240x128xf32, #tpu.memory_space<vmem_shared>> -> memref<128x128xf32, #tpu.memory_space<vmem_shared>>
        %dma_wait3A_55 = arith.constant 0 : i32
        %dma_wait3A_56 = tpu.memref_slice %arg9[%add3A_26, %dma_wait3A_55] : memref<10240x128xf32, #tpu.memory_space<vmem_shared>> -> memref<128x128xf32, #tpu.memory_space<vmem_shared>>
        tpu.wait_dma2 semaphore(%run_scoped3A_50 : memref<!tpu.dma_semaphore, #tpu.memory_space<semaphore_mem>>) src(%arg8 : memref<128x128xf32, #tpu.memory_space<vmem>>) dst(%dma_wait3A_56 : memref<128x128xf32, #tpu.memory_space<vmem_shared>>)
        tpu.yield
      }) : () -> ()
      %mul3A_27 = arith.constant 640 : i32
      %mul3A_28 = arith.muli %arg1, %mul3A_27 : i32
      %add3A_29 = arith.constant 256 : i32
      %add3A_30 = arith.addi %mul3A_28, %add3A_29 : i32
      "tpu.region"() ({
        %run_scoped3A_50 = tpu.sem_alloc : memref<!tpu.dma_semaphore, #tpu.memory_space<semaphore_mem>>
        %dma_start3A = arith.constant 0 : i32
        %dma_start3A_51 = tpu.memref_slice %arg9[%add3A_30, %dma_start3A] : memref<10240x128xf32, #tpu.memory_space<vmem_shared>> -> memref<128x128xf32, #tpu.memory_space<vmem_shared>>
        %dma_start3A_52 = arith.constant 0 : i32
        %dma_start3A_53 = tpu.memref_slice %arg9[%add3A_30, %dma_start3A_52] : memref<10240x128xf32, #tpu.memory_space<vmem_shared>> -> memref<128x128xf32, #tpu.memory_space<vmem_shared>>
        tpu.enqueue_dma source(%arg8 : memref<128x128xf32, #tpu.memory_space<vmem>>) target(%dma_start3A_53 : memref<128x128xf32, #tpu.memory_space<vmem_shared>>) target_semaphore(%run_scoped3A_50 : memref<!tpu.dma_semaphore, #tpu.memory_space<semaphore_mem>>)
        %dma_wait3A = arith.constant 0 : i32
        %dma_wait3A_54 = tpu.memref_slice %arg9[%add3A_30, %dma_wait3A] : memref<10240x128xf32, #tpu.memory_space<vmem_shared>> -> memref<128x128xf32, #tpu.memory_space<vmem_shared>>
        %dma_wait3A_55 = arith.constant 0 : i32
        %dma_wait3A_56 = tpu.memref_slice %arg9[%add3A_30, %dma_wait3A_55] : memref<10240x128xf32, #tpu.memory_space<vmem_shared>> -> memref<128x128xf32, #tpu.memory_space<vmem_shared>>
        tpu.wait_dma2 semaphore(%run_scoped3A_50 : memref<!tpu.dma_semaphore, #tpu.memory_space<semaphore_mem>>) src(%arg8 : memref<128x128xf32, #tpu.memory_space<vmem>>) dst(%dma_wait3A_56 : memref<128x128xf32, #tpu.memory_space<vmem_shared>>)
        tpu.yield
      }) : () -> ()
      %mul3A_31 = arith.constant 640 : i32
      %mul3A_32 = arith.muli %arg1, %mul3A_31 : i32
      %add3A_33 = arith.constant 384 : i32
      %add3A_34 = arith.addi %mul3A_32, %add3A_33 : i32
      "tpu.region"() ({
        %run_scoped3A_50 = tpu.sem_alloc : memref<!tpu.dma_semaphore, #tpu.memory_space<semaphore_mem>>
        %dma_start3A = arith.constant 0 : i32
        %dma_start3A_51 = tpu.memref_slice %arg9[%add3A_34, %dma_start3A] : memref<10240x128xf32, #tpu.memory_space<vmem_shared>> -> memref<128x128xf32, #tpu.memory_space<vmem_shared>>
        %dma_start3A_52 = arith.constant 0 : i32
        %dma_start3A_53 = tpu.memref_slice %arg9[%add3A_34, %dma_start3A_52] : memref<10240x128xf32, #tpu.memory_space<vmem_shared>> -> memref<128x128xf32, #tpu.memory_space<vmem_shared>>
        tpu.enqueue_dma source(%arg8 : memref<128x128xf32, #tpu.memory_space<vmem>>) target(%dma_start3A_53 : memref<128x128xf32, #tpu.memory_space<vmem_shared>>) target_semaphore(%run_scoped3A_50 : memref<!tpu.dma_semaphore, #tpu.memory_space<semaphore_mem>>)
        %dma_wait3A = arith.constant 0 : i32
        %dma_wait3A_54 = tpu.memref_slice %arg9[%add3A_34, %dma_wait3A] : memref<10240x128xf32, #tpu.memory_space<vmem_shared>> -> memref<128x128xf32, #tpu.memory_space<vmem_shared>>
        %dma_wait3A_55 = arith.constant 0 : i32
        %dma_wait3A_56 = tpu.memref_slice %arg9[%add3A_34, %dma_wait3A_55] : memref<10240x128xf32, #tpu.memory_space<vmem_shared>> -> memref<128x128xf32, #tpu.memory_space<vmem_shared>>
        tpu.wait_dma2 semaphore(%run_scoped3A_50 : memref<!tpu.dma_semaphore, #tpu.memory_space<semaphore_mem>>) src(%arg8 : memref<128x128xf32, #tpu.memory_space<vmem>>) dst(%dma_wait3A_56 : memref<128x128xf32, #tpu.memory_space<vmem_shared>>)
        tpu.yield
      }) : () -> ()
      %mul3A_35 = arith.constant 640 : i32
      %mul3A_36 = arith.muli %arg1, %mul3A_35 : i32
      %add3A_37 = arith.constant 512 : i32
      %add3A_38 = arith.addi %mul3A_36, %add3A_37 : i32
      "tpu.region"() ({
        %run_scoped3A_50 = tpu.sem_alloc : memref<!tpu.dma_semaphore, #tpu.memory_space<semaphore_mem>>
        %dma_start3A = arith.constant 0 : i32
        %dma_start3A_51 = tpu.memref_slice %arg9[%add3A_38, %dma_start3A] : memref<10240x128xf32, #tpu.memory_space<vmem_shared>> -> memref<128x128xf32, #tpu.memory_space<vmem_shared>>
        %dma_start3A_52 = arith.constant 0 : i32
        %dma_start3A_53 = tpu.memref_slice %arg9[%add3A_38, %dma_start3A_52] : memref<10240x128xf32, #tpu.memory_space<vmem_shared>> -> memref<128x128xf32, #tpu.memory_space<vmem_shared>>
        tpu.enqueue_dma source(%arg8 : memref<128x128xf32, #tpu.memory_space<vmem>>) target(%dma_start3A_53 : memref<128x128xf32, #tpu.memory_space<vmem_shared>>) target_semaphore(%run_scoped3A_50 : memref<!tpu.dma_semaphore, #tpu.memory_space<semaphore_mem>>)
        %dma_wait3A = arith.constant 0 : i32
        %dma_wait3A_54 = tpu.memref_slice %arg9[%add3A_38, %dma_wait3A] : memref<10240x128xf32, #tpu.memory_space<vmem_shared>> -> memref<128x128xf32, #tpu.memory_space<vmem_shared>>
        %dma_wait3A_55 = arith.constant 0 : i32
        %dma_wait3A_56 = tpu.memref_slice %arg9[%add3A_38, %dma_wait3A_55] : memref<10240x128xf32, #tpu.memory_space<vmem_shared>> -> memref<128x128xf32, #tpu.memory_space<vmem_shared>>
        tpu.wait_dma2 semaphore(%run_scoped3A_50 : memref<!tpu.dma_semaphore, #tpu.memory_space<semaphore_mem>>) src(%arg8 : memref<128x128xf32, #tpu.memory_space<vmem>>) dst(%dma_wait3A_56 : memref<128x128xf32, #tpu.memory_space<vmem_shared>>)
        tpu.yield
      }) : () -> ()
      %barrier3A = arith.constant 0 : index
      tpu.barrier barrier_id(%barrier3A)
      %scan3A_39 = arith.constant 0 : i32
      %scan3A_40 = arith.constant 79 : i32
      %scan3A_41 = arith.addi %scan3A_39, %scan3A_40 : i32
      %scan3A_42 = arith.constant 1 : i32
      scf.for %scan3A_50 = %scan3A_39 to %scan3A_41 step %scan3A_42  : i32 {
        %mul3A_51 = arith.constant 1 : i32
        %mul3A_52 = arith.muli %scan3A_50, %mul3A_51 : i32
        %add3A_53 = arith.constant 0 : i32
        %add3A_54 = arith.addi %add3A_53, %mul3A_52 : i32
        %run_scoped3A_55 = arith.constant 0 : i32
        "tpu.region"() ({
          %run_scoped3A_56 = tpu.sem_alloc : memref<!tpu.dma_semaphore, #tpu.memory_space<semaphore_mem>>
          %dma_start3A = arith.constant 0 : i32
          %dma_start3A_57 = tpu.memref_slice %arg6[%add3A_54, %dma_start3A] : memref<79x128xi32, #tpu.memory_space<vmem>> -> memref<1x128xi32, #tpu.memory_space<vmem>>
          %dma_start3A_58 = tpu.memref_squeeze %dma_start3A_57 : memref<1x128xi32, #tpu.memory_space<vmem>> -> memref<128xi32, #tpu.memory_space<vmem>>
          %dma_start3A_59 = arith.constant 0 : i32
          %dma_start3A_60 = arith.constant 0 : i32
          %dma_start3A_61 = tpu.memref_slice %arg2[%run_scoped3A_55, %dma_start3A_59, %dma_start3A_60] : memref<4x10000x128xf32, #tpu.memory_space<hbm>> -> memref<1x10000x128xf32, #tpu.memory_space<hbm>>
          %dma_start3A_62 = tpu.memref_squeeze %dma_start3A_61 : memref<1x10000x128xf32, #tpu.memory_space<hbm>> -> memref<10000x128xf32, #tpu.memory_space<hbm>>
          %dma_start3A_63 = arith.constant 0 : i32
          %dma_start3A_64 = arith.constant 0 : i32
          %dma_start3A_65 = tpu.memref_slice %dma_start3A_62[%dma_start3A_63, %dma_start3A_64] : memref<10000x128xf32, #tpu.memory_space<hbm>> -> memref<10000x128xf32, #tpu.memory_space<hbm>>
          tpu.enqueue_indirect_dma source(%dma_start3A_65 : memref<10000x128xf32, #tpu.memory_space<hbm>>) target(%arg8 : memref<128x128xf32, #tpu.memory_space<vmem>>) offsets(%dma_start3A_58 : memref<128xi32, #tpu.memory_space<vmem>>) semaphore(%run_scoped3A_56 : memref<!tpu.dma_semaphore, #tpu.memory_space<semaphore_mem>>)
          %dma_wait3A = arith.constant 0 : i32
          %dma_wait3A_66 = tpu.memref_slice %arg6[%add3A_54, %dma_wait3A] : memref<79x128xi32, #tpu.memory_space<vmem>> -> memref<1x128xi32, #tpu.memory_space<vmem>>
          %dma_wait3A_67 = tpu.memref_squeeze %dma_wait3A_66 : memref<1x128xi32, #tpu.memory_space<vmem>> -> memref<128xi32, #tpu.memory_space<vmem>>
          %dma_wait3A_68 = arith.constant 0 : i32
          %dma_wait3A_69 = arith.constant 0 : i32
          %dma_wait3A_70 = tpu.memref_slice %arg2[%run_scoped3A_55, %dma_wait3A_68, %dma_wait3A_69] : memref<4x10000x128xf32, #tpu.memory_space<hbm>> -> memref<1x10000x128xf32, #tpu.memory_space<hbm>>
          %dma_wait3A_71 = tpu.memref_squeeze %dma_wait3A_70 : memref<1x10000x128xf32, #tpu.memory_space<hbm>> -> memref<10000x128xf32, #tpu.memory_space<hbm>>
          %dma_wait3A_72 = arith.constant 0 : i32
          %dma_wait3A_73 = arith.constant 0 : i32
          %dma_wait3A_74 = tpu.memref_slice %dma_wait3A_71[%dma_wait3A_72, %dma_wait3A_73] : memref<10000x128xf32, #tpu.memory_space<hbm>> -> memref<10000x128xf32, #tpu.memory_space<hbm>>
          tpu.wait_indirect_dma semaphore(%run_scoped3A_56 : memref<!tpu.dma_semaphore, #tpu.memory_space<semaphore_mem>>) src(%dma_wait3A_74 : memref<10000x128xf32, #tpu.memory_space<hbm>>) dst(%arg8 : memref<128x128xf32, #tpu.memory_space<vmem>>)
          tpu.yield
        }) : () -> ()
        "tpu.region"() ({
          %run_scoped3A_56 = tpu.sem_alloc : memref<!tpu.dma_semaphore, #tpu.memory_space<semaphore_mem>>
          %dma_start3A = arith.constant 0 : i32
          %dma_start3A_57 = tpu.memref_slice %arg7[%add3A_54, %dma_start3A] : memref<79x128xi32, #tpu.memory_space<vmem>> -> memref<1x128xi32, #tpu.memory_space<vmem>>
          %dma_start3A_58 = tpu.memref_squeeze %dma_start3A_57 : memref<1x128xi32, #tpu.memory_space<vmem>> -> memref<128xi32, #tpu.memory_space<vmem>>
          %dma_start3A_59 = arith.constant 0 : i32
          %dma_start3A_60 = arith.constant 0 : i32
          %dma_start3A_61 = tpu.memref_slice %arg9[%dma_start3A_59, %dma_start3A_60] : memref<10240x128xf32, #tpu.memory_space<vmem_shared>> -> memref<10240x128xf32, #tpu.memory_space<vmem_shared>>
          tpu.enqueue_indirect_dma source(%arg8 : memref<128x128xf32, #tpu.memory_space<vmem>>) target(%dma_start3A_61 : memref<10240x128xf32, #tpu.memory_space<vmem_shared>>) offsets(%dma_start3A_58 : memref<128xi32, #tpu.memory_space<vmem>>) semaphore(%run_scoped3A_56 : memref<!tpu.dma_semaphore, #tpu.memory_space<semaphore_mem>>) {add = true}
          %dma_wait3A = arith.constant 0 : i32
          %dma_wait3A_62 = tpu.memref_slice %arg7[%add3A_54, %dma_wait3A] : memref<79x128xi32, #tpu.memory_space<vmem>> -> memref<1x128xi32, #tpu.memory_space<vmem>>
          %dma_wait3A_63 = tpu.memref_squeeze %dma_wait3A_62 : memref<1x128xi32, #tpu.memory_space<vmem>> -> memref<128xi32, #tpu.memory_space<vmem>>
          %dma_wait3A_64 = arith.constant 0 : i32
          %dma_wait3A_65 = arith.constant 0 : i32
          %dma_wait3A_66 = tpu.memref_slice %arg9[%dma_wait3A_64, %dma_wait3A_65] : memref<10240x128xf32, #tpu.memory_space<vmem_shared>> -> memref<10240x128xf32, #tpu.memory_space<vmem_shared>>
          tpu.wait_indirect_dma semaphore(%run_scoped3A_56 : memref<!tpu.dma_semaphore, #tpu.memory_space<semaphore_mem>>) src(%arg8 : memref<128x128xf32, #tpu.memory_space<vmem>>) dst(%dma_wait3A_66 : memref<10240x128xf32, #tpu.memory_space<vmem_shared>>)
          tpu.yield
        }) : () -> ()
      }
      %scan3A_43 = arith.constant 79 : i32
      %barrier3A_44 = arith.constant 0 : index
      tpu.barrier barrier_id(%barrier3A_44)
      %mul3A_45 = arith.constant 640 : i32
      %mul3A_46 = arith.muli %arg1, %mul3A_45 : i32
      %mul3A_47 = arith.constant 640 : i32
      %mul3A_48 = arith.muli %arg1, %mul3A_47 : i32
      %run_scoped3A = arith.constant 0 : i32
      "tpu.region"() ({
        %run_scoped3A_50 = tpu.sem_alloc : memref<!tpu.dma_semaphore, #tpu.memory_space<semaphore_mem>>
        %dma_start3A = arith.constant 0 : i32
        %dma_start3A_51 = arith.constant 0 : i32
        %dma_start3A_52 = tpu.memref_slice %arg5[%run_scoped3A, %dma_start3A, %dma_start3A_51] : memref<4x10240x128xf32, #tpu.memory_space<hbm>> -> memref<1x10240x128xf32, #tpu.memory_space<hbm>>
        %dma_start3A_53 = tpu.memref_squeeze %dma_start3A_52 : memref<1x10240x128xf32, #tpu.memory_space<hbm>> -> memref<10240x128xf32, #tpu.memory_space<hbm>>
        %dma_start3A_54 = arith.constant 0 : i32
        %dma_start3A_55 = tpu.memref_slice %dma_start3A_53[%mul3A_48, %dma_start3A_54] : memref<10240x128xf32, #tpu.memory_space<hbm>> -> memref<640x128xf32, #tpu.memory_space<hbm>>
        %dma_start3A_56 = arith.constant 0 : i32
        %dma_start3A_57 = tpu.memref_slice %arg9[%mul3A_46, %dma_start3A_56] : memref<10240x128xf32, #tpu.memory_space<vmem_shared>> -> memref<640x128xf32, #tpu.memory_space<vmem_shared>>
        tpu.enqueue_dma source(%dma_start3A_57 : memref<640x128xf32, #tpu.memory_space<vmem_shared>>) target(%dma_start3A_55 : memref<640x128xf32, #tpu.memory_space<hbm>>) target_semaphore(%run_scoped3A_50 : memref<!tpu.dma_semaphore, #tpu.memory_space<semaphore_mem>>)
        %dma_wait3A = arith.constant 0 : i32
        %dma_wait3A_58 = arith.constant 0 : i32
        %dma_wait3A_59 = tpu.memref_slice %arg5[%run_scoped3A, %dma_wait3A, %dma_wait3A_58] : memref<4x10240x128xf32, #tpu.memory_space<hbm>> -> memref<1x10240x128xf32, #tpu.memory_space<hbm>>
        %dma_wait3A_60 = tpu.memref_squeeze %dma_wait3A_59 : memref<1x10240x128xf32, #tpu.memory_space<hbm>> -> memref<10240x128xf32, #tpu.memory_space<hbm>>
        %dma_wait3A_61 = arith.constant 0 : i32
        %dma_wait3A_62 = tpu.memref_slice %dma_wait3A_60[%mul3A_48, %dma_wait3A_61] : memref<10240x128xf32, #tpu.memory_space<hbm>> -> memref<640x128xf32, #tpu.memory_space<hbm>>
        %dma_wait3A_63 = arith.constant 0 : i32
        %dma_wait3A_64 = tpu.memref_slice %arg9[%mul3A_46, %dma_wait3A_63] : memref<10240x128xf32, #tpu.memory_space<vmem_shared>> -> memref<640x128xf32, #tpu.memory_space<vmem_shared>>
        tpu.wait_dma2 semaphore(%run_scoped3A_50 : memref<!tpu.dma_semaphore, #tpu.memory_space<semaphore_mem>>) src(%dma_wait3A_64 : memref<640x128xf32, #tpu.memory_space<vmem_shared>>) dst(%dma_wait3A_62 : memref<640x128xf32, #tpu.memory_space<hbm>>)
        tpu.yield
      }) : () -> ()
      %barrier3A_49 = arith.constant 0 : index
      tpu.barrier barrier_id(%barrier3A_49)
    } else {
    }
    %eq3A_2 = arith.constant 1 : i32
    %eq3A_3 = arith.cmpi eq, %arg0, %eq3A_2 : i32
    %convert_element_type3A_4 = arith.extui %eq3A_3 : i1 to i32
    %cond3A_5 = arith.constant 0 : i32
    %cond3A_6 = arith.cmpi ne, %convert_element_type3A_4, %cond3A_5 : i32
    scf.if %cond3A_6 {
      %scan3A = arith.constant 0 : i32
      %scan3A_17 = arith.constant 128 : i32
      %scan3A_18 = arith.addi %scan3A, %scan3A_17 : i32
      %scan3A_19 = arith.constant 1 : i32
      scf.for %scan3A_50 = %scan3A to %scan3A_18 step %scan3A_19  : i32 {
        %mul3A_51 = arith.constant 1 : i32
        %mul3A_52 = arith.muli %scan3A_50, %mul3A_51 : i32
        %add3A_53 = arith.constant 0 : i32
        %add3A_54 = arith.addi %add3A_53, %mul3A_52 : i32
        %scan3A_55 = arith.constant 0 : i32
        %scan3A_56 = arith.constant 8 : i32
        %scan3A_57 = arith.addi %scan3A_55, %scan3A_56 : i32
        %scan3A_58 = arith.constant 1 : i32
        scf.for %scan3A_60 = %scan3A_55 to %scan3A_57 step %scan3A_58  : i32 {
          %mul3A_61 = arith.constant 16 : i32
          %mul3A_62 = arith.muli %scan3A_60, %mul3A_61 : i32
          %add3A_63 = arith.constant 0 : i32
          %add3A_64 = arith.addi %add3A_63, %mul3A_62 : i32
          %broadcast_in_dim3A = arith.constant 0.000000e+00 : f32
          %broadcast_in_dim3A_65 = vector.broadcast %broadcast_in_dim3A : f32 to vector<16xf32>
          %swap3A = arith.index_cast %add3A_54 : i32 to index
          %swap3A_66 = arith.index_cast %add3A_64 : i32 to index
          %swap3A_67 = tpu.vector_load %arg8[%swap3A, %swap3A_66] {strides = array<i32>} : memref<128x128xf32, #tpu.memory_space<vmem>>, vector<1x16xf32>,
          %swap3A_68 = vector.shape_cast %swap3A_67 : vector<1x16xf32> to vector<16xf32>
          %swap3A_69 = vector.shape_cast %broadcast_in_dim3A_65 : vector<16xf32> to vector<1x16xf32>
          tpu.vector_store %arg8[%swap3A, %swap3A_66], %swap3A_69 {strides = array<i32>} : memref<128x128xf32, #tpu.memory_space<vmem>>, vector<1x16xf32>,
        }
        %scan3A_59 = arith.constant 8 : i32
      }
      %scan3A_20 = arith.constant 128 : i32
      %mul3A = arith.constant 640 : i32
      %mul3A_21 = arith.muli %arg1, %mul3A : i32
      %add3A = arith.constant 0 : i32
      %add3A_22 = arith.addi %mul3A_21, %add3A : i32
      "tpu.region"() ({
        %run_scoped3A_50 = tpu.sem_alloc : memref<!tpu.dma_semaphore, #tpu.memory_space<semaphore_mem>>
        %dma_start3A = arith.constant 0 : i32
        %dma_start3A_51 = tpu.memref_slice %arg9[%add3A_22, %dma_start3A] : memref<10240x128xf32, #tpu.memory_space<vmem_shared>> -> memref<128x128xf32, #tpu.memory_space<vmem_shared>>
        %dma_start3A_52 = arith.constant 0 : i32
        %dma_start3A_53 = tpu.memref_slice %arg9[%add3A_22, %dma_start3A_52] : memref<10240x128xf32, #tpu.memory_space<vmem_shared>> -> memref<128x128xf32, #tpu.memory_space<vmem_shared>>
        tpu.enqueue_dma source(%arg8 : memref<128x128xf32, #tpu.memory_space<vmem>>) target(%dma_start3A_53 : memref<128x128xf32, #tpu.memory_space<vmem_shared>>) target_semaphore(%run_scoped3A_50 : memref<!tpu.dma_semaphore, #tpu.memory_space<semaphore_mem>>)
        %dma_wait3A = arith.constant 0 : i32
        %dma_wait3A_54 = tpu.memref_slice %arg9[%add3A_22, %dma_wait3A] : memref<10240x128xf32, #tpu.memory_space<vmem_shared>> -> memref<128x128xf32, #tpu.memory_space<vmem_shared>>
        %dma_wait3A_55 = arith.constant 0 : i32
        %dma_wait3A_56 = tpu.memref_slice %arg9[%add3A_22, %dma_wait3A_55] : memref<10240x128xf32, #tpu.memory_space<vmem_shared>> -> memref<128x128xf32, #tpu.memory_space<vmem_shared>>
        tpu.wait_dma2 semaphore(%run_scoped3A_50 : memref<!tpu.dma_semaphore, #tpu.memory_space<semaphore_mem>>) src(%arg8 : memref<128x128xf32, #tpu.memory_space<vmem>>) dst(%dma_wait3A_56 : memref<128x128xf32, #tpu.memory_space<vmem_shared>>)
        tpu.yield
      }) : () -> ()
      %mul3A_23 = arith.constant 640 : i32
      %mul3A_24 = arith.muli %arg1, %mul3A_23 : i32
      %add3A_25 = arith.constant 128 : i32
      %add3A_26 = arith.addi %mul3A_24, %add3A_25 : i32
      "tpu.region"() ({
        %run_scoped3A_50 = tpu.sem_alloc : memref<!tpu.dma_semaphore, #tpu.memory_space<semaphore_mem>>
        %dma_start3A = arith.constant 0 : i32
        %dma_start3A_51 = tpu.memref_slice %arg9[%add3A_26, %dma_start3A] : memref<10240x128xf32, #tpu.memory_space<vmem_shared>> -> memref<128x128xf32, #tpu.memory_space<vmem_shared>>
        %dma_start3A_52 = arith.constant 0 : i32
        %dma_start3A_53 = tpu.memref_slice %arg9[%add3A_26, %dma_start3A_52] : memref<10240x128xf32, #tpu.memory_space<vmem_shared>> -> memref<128x128xf32, #tpu.memory_space<vmem_shared>>
        tpu.enqueue_dma source(%arg8 : memref<128x128xf32, #tpu.memory_space<vmem>>) target(%dma_start3A_53 : memref<128x128xf32, #tpu.memory_space<vmem_shared>>) target_semaphore(%run_scoped3A_50 : memref<!tpu.dma_semaphore, #tpu.memory_space<semaphore_mem>>)
        %dma_wait3A = arith.constant 0 : i32
        %dma_wait3A_54 = tpu.memref_slice %arg9[%add3A_26, %dma_wait3A] : memref<10240x128xf32, #tpu.memory_space<vmem_shared>> -> memref<128x128xf32, #tpu.memory_space<vmem_shared>>
        %dma_wait3A_55 = arith.constant 0 : i32
        %dma_wait3A_56 = tpu.memref_slice %arg9[%add3A_26, %dma_wait3A_55] : memref<10240x128xf32, #tpu.memory_space<vmem_shared>> -> memref<128x128xf32, #tpu.memory_space<vmem_shared>>
        tpu.wait_dma2 semaphore(%run_scoped3A_50 : memref<!tpu.dma_semaphore, #tpu.memory_space<semaphore_mem>>) src(%arg8 : memref<128x128xf32, #tpu.memory_space<vmem>>) dst(%dma_wait3A_56 : memref<128x128xf32, #tpu.memory_space<vmem_shared>>)
        tpu.yield
      }) : () -> ()
      %mul3A_27 = arith.constant 640 : i32
      %mul3A_28 = arith.muli %arg1, %mul3A_27 : i32
      %add3A_29 = arith.constant 256 : i32
      %add3A_30 = arith.addi %mul3A_28, %add3A_29 : i32
      "tpu.region"() ({
        %run_scoped3A_50 = tpu.sem_alloc : memref<!tpu.dma_semaphore, #tpu.memory_space<semaphore_mem>>
        %dma_start3A = arith.constant 0 : i32
        %dma_start3A_51 = tpu.memref_slice %arg9[%add3A_30, %dma_start3A] : memref<10240x128xf32, #tpu.memory_space<vmem_shared>> -> memref<128x128xf32, #tpu.memory_space<vmem_shared>>
        %dma_start3A_52 = arith.constant 0 : i32
        %dma_start3A_53 = tpu.memref_slice %arg9[%add3A_30, %dma_start3A_52] : memref<10240x128xf32, #tpu.memory_space<vmem_shared>> -> memref<128x128xf32, #tpu.memory_space<vmem_shared>>
        tpu.enqueue_dma source(%arg8 : memref<128x128xf32, #tpu.memory_space<vmem>>) target(%dma_start3A_53 : memref<128x128xf32, #tpu.memory_space<vmem_shared>>) target_semaphore(%run_scoped3A_50 : memref<!tpu.dma_semaphore, #tpu.memory_space<semaphore_mem>>)
        %dma_wait3A = arith.constant 0 : i32
        %dma_wait3A_54 = tpu.memref_slice %arg9[%add3A_30, %dma_wait3A] : memref<10240x128xf32, #tpu.memory_space<vmem_shared>> -> memref<128x128xf32, #tpu.memory_space<vmem_shared>>
        %dma_wait3A_55 = arith.constant 0 : i32
        %dma_wait3A_56 = tpu.memref_slice %arg9[%add3A_30, %dma_wait3A_55] : memref<10240x128xf32, #tpu.memory_space<vmem_shared>> -> memref<128x128xf32, #tpu.memory_space<vmem_shared>>
        tpu.wait_dma2 semaphore(%run_scoped3A_50 : memref<!tpu.dma_semaphore, #tpu.memory_space<semaphore_mem>>) src(%arg8 : memref<128x128xf32, #tpu.memory_space<vmem>>) dst(%dma_wait3A_56 : memref<128x128xf32, #tpu.memory_space<vmem_shared>>)
        tpu.yield
      }) : () -> ()
      %mul3A_31 = arith.constant 640 : i32
      %mul3A_32 = arith.muli %arg1, %mul3A_31 : i32
      %add3A_33 = arith.constant 384 : i32
      %add3A_34 = arith.addi %mul3A_32, %add3A_33 : i32
      "tpu.region"() ({
        %run_scoped3A_50 = tpu.sem_alloc : memref<!tpu.dma_semaphore, #tpu.memory_space<semaphore_mem>>
        %dma_start3A = arith.constant 0 : i32
        %dma_start3A_51 = tpu.memref_slice %arg9[%add3A_34, %dma_start3A] : memref<10240x128xf32, #tpu.memory_space<vmem_shared>> -> memref<128x128xf32, #tpu.memory_space<vmem_shared>>
        %dma_start3A_52 = arith.constant 0 : i32
        %dma_start3A_53 = tpu.memref_slice %arg9[%add3A_34, %dma_start3A_52] : memref<10240x128xf32, #tpu.memory_space<vmem_shared>> -> memref<128x128xf32, #tpu.memory_space<vmem_shared>>
        tpu.enqueue_dma source(%arg8 : memref<128x128xf32, #tpu.memory_space<vmem>>) target(%dma_start3A_53 : memref<128x128xf32, #tpu.memory_space<vmem_shared>>) target_semaphore(%run_scoped3A_50 : memref<!tpu.dma_semaphore, #tpu.memory_space<semaphore_mem>>)
        %dma_wait3A = arith.constant 0 : i32
        %dma_wait3A_54 = tpu.memref_slice %arg9[%add3A_34, %dma_wait3A] : memref<10240x128xf32, #tpu.memory_space<vmem_shared>> -> memref<128x128xf32, #tpu.memory_space<vmem_shared>>
        %dma_wait3A_55 = arith.constant 0 : i32
        %dma_wait3A_56 = tpu.memref_slice %arg9[%add3A_34, %dma_wait3A_55] : memref<10240x128xf32, #tpu.memory_space<vmem_shared>> -> memref<128x128xf32, #tpu.memory_space<vmem_shared>>
        tpu.wait_dma2 semaphore(%run_scoped3A_50 : memref<!tpu.dma_semaphore, #tpu.memory_space<semaphore_mem>>) src(%arg8 : memref<128x128xf32, #tpu.memory_space<vmem>>) dst(%dma_wait3A_56 : memref<128x128xf32, #tpu.memory_space<vmem_shared>>)
        tpu.yield
      }) : () -> ()
      %mul3A_35 = arith.constant 640 : i32
      %mul3A_36 = arith.muli %arg1, %mul3A_35 : i32
      %add3A_37 = arith.constant 512 : i32
      %add3A_38 = arith.addi %mul3A_36, %add3A_37 : i32
      "tpu.region"() ({
        %run_scoped3A_50 = tpu.sem_alloc : memref<!tpu.dma_semaphore, #tpu.memory_space<semaphore_mem>>
        %dma_start3A = arith.constant 0 : i32
        %dma_start3A_51 = tpu.memref_slice %arg9[%add3A_38, %dma_start3A] : memref<10240x128xf32, #tpu.memory_space<vmem_shared>> -> memref<128x128xf32, #tpu.memory_space<vmem_shared>>
        %dma_start3A_52 = arith.constant 0 : i32
        %dma_start3A_53 = tpu.memref_slice %arg9[%add3A_38, %dma_start3A_52] : memref<10240x128xf32, #tpu.memory_space<vmem_shared>> -> memref<128x128xf32, #tpu.memory_space<vmem_shared>>
        tpu.enqueue_dma source(%arg8 : memref<128x128xf32, #tpu.memory_space<vmem>>) target(%dma_start3A_53 : memref<128x128xf32, #tpu.memory_space<vmem_shared>>) target_semaphore(%run_scoped3A_50 : memref<!tpu.dma_semaphore, #tpu.memory_space<semaphore_mem>>)
        %dma_wait3A = arith.constant 0 : i32
        %dma_wait3A_54 = tpu.memref_slice %arg9[%add3A_38, %dma_wait3A] : memref<10240x128xf32, #tpu.memory_space<vmem_shared>> -> memref<128x128xf32, #tpu.memory_space<vmem_shared>>
        %dma_wait3A_55 = arith.constant 0 : i32
        %dma_wait3A_56 = tpu.memref_slice %arg9[%add3A_38, %dma_wait3A_55] : memref<10240x128xf32, #tpu.memory_space<vmem_shared>> -> memref<128x128xf32, #tpu.memory_space<vmem_shared>>
        tpu.wait_dma2 semaphore(%run_scoped3A_50 : memref<!tpu.dma_semaphore, #tpu.memory_space<semaphore_mem>>) src(%arg8 : memref<128x128xf32, #tpu.memory_space<vmem>>) dst(%dma_wait3A_56 : memref<128x128xf32, #tpu.memory_space<vmem_shared>>)
        tpu.yield
      }) : () -> ()
      %barrier3A = arith.constant 0 : index
      tpu.barrier barrier_id(%barrier3A)
      %scan3A_39 = arith.constant 0 : i32
      %scan3A_40 = arith.constant 79 : i32
      %scan3A_41 = arith.addi %scan3A_39, %scan3A_40 : i32
      %scan3A_42 = arith.constant 1 : i32
      scf.for %scan3A_50 = %scan3A_39 to %scan3A_41 step %scan3A_42  : i32 {
        %mul3A_51 = arith.constant 1 : i32
        %mul3A_52 = arith.muli %scan3A_50, %mul3A_51 : i32
        %add3A_53 = arith.constant 0 : i32
        %add3A_54 = arith.addi %add3A_53, %mul3A_52 : i32
        %run_scoped3A_55 = arith.constant 1 : i32
        "tpu.region"() ({
          %run_scoped3A_56 = tpu.sem_alloc : memref<!tpu.dma_semaphore, #tpu.memory_space<semaphore_mem>>
          %dma_start3A = arith.constant 0 : i32
          %dma_start3A_57 = tpu.memref_slice %arg6[%add3A_54, %dma_start3A] : memref<79x128xi32, #tpu.memory_space<vmem>> -> memref<1x128xi32, #tpu.memory_space<vmem>>
          %dma_start3A_58 = tpu.memref_squeeze %dma_start3A_57 : memref<1x128xi32, #tpu.memory_space<vmem>> -> memref<128xi32, #tpu.memory_space<vmem>>
          %dma_start3A_59 = arith.constant 0 : i32
          %dma_start3A_60 = arith.constant 0 : i32
          %dma_start3A_61 = tpu.memref_slice %arg2[%run_scoped3A_55, %dma_start3A_59, %dma_start3A_60] : memref<4x10000x128xf32, #tpu.memory_space<hbm>> -> memref<1x10000x128xf32, #tpu.memory_space<hbm>>
          %dma_start3A_62 = tpu.memref_squeeze %dma_start3A_61 : memref<1x10000x128xf32, #tpu.memory_space<hbm>> -> memref<10000x128xf32, #tpu.memory_space<hbm>>
          %dma_start3A_63 = arith.constant 0 : i32
          %dma_start3A_64 = arith.constant 0 : i32
          %dma_start3A_65 = tpu.memref_slice %dma_start3A_62[%dma_start3A_63, %dma_start3A_64] : memref<10000x128xf32, #tpu.memory_space<hbm>> -> memref<10000x128xf32, #tpu.memory_space<hbm>>
          tpu.enqueue_indirect_dma source(%dma_start3A_65 : memref<10000x128xf32, #tpu.memory_space<hbm>>) target(%arg8 : memref<128x128xf32, #tpu.memory_space<vmem>>) offsets(%dma_start3A_58 : memref<128xi32, #tpu.memory_space<vmem>>) semaphore(%run_scoped3A_56 : memref<!tpu.dma_semaphore, #tpu.memory_space<semaphore_mem>>)
          %dma_wait3A = arith.constant 0 : i32
          %dma_wait3A_66 = tpu.memref_slice %arg6[%add3A_54, %dma_wait3A] : memref<79x128xi32, #tpu.memory_space<vmem>> -> memref<1x128xi32, #tpu.memory_space<vmem>>
          %dma_wait3A_67 = tpu.memref_squeeze %dma_wait3A_66 : memref<1x128xi32, #tpu.memory_space<vmem>> -> memref<128xi32, #tpu.memory_space<vmem>>
          %dma_wait3A_68 = arith.constant 0 : i32
          %dma_wait3A_69 = arith.constant 0 : i32
          %dma_wait3A_70 = tpu.memref_slice %arg2[%run_scoped3A_55, %dma_wait3A_68, %dma_wait3A_69] : memref<4x10000x128xf32, #tpu.memory_space<hbm>> -> memref<1x10000x128xf32, #tpu.memory_space<hbm>>
          %dma_wait3A_71 = tpu.memref_squeeze %dma_wait3A_70 : memref<1x10000x128xf32, #tpu.memory_space<hbm>> -> memref<10000x128xf32, #tpu.memory_space<hbm>>
          %dma_wait3A_72 = arith.constant 0 : i32
          %dma_wait3A_73 = arith.constant 0 : i32
          %dma_wait3A_74 = tpu.memref_slice %dma_wait3A_71[%dma_wait3A_72, %dma_wait3A_73] : memref<10000x128xf32, #tpu.memory_space<hbm>> -> memref<10000x128xf32, #tpu.memory_space<hbm>>
          tpu.wait_indirect_dma semaphore(%run_scoped3A_56 : memref<!tpu.dma_semaphore, #tpu.memory_space<semaphore_mem>>) src(%dma_wait3A_74 : memref<10000x128xf32, #tpu.memory_space<hbm>>) dst(%arg8 : memref<128x128xf32, #tpu.memory_space<vmem>>)
          tpu.yield
        }) : () -> ()
        "tpu.region"() ({
          %run_scoped3A_56 = tpu.sem_alloc : memref<!tpu.dma_semaphore, #tpu.memory_space<semaphore_mem>>
          %dma_start3A = arith.constant 0 : i32
          %dma_start3A_57 = tpu.memref_slice %arg7[%add3A_54, %dma_start3A] : memref<79x128xi32, #tpu.memory_space<vmem>> -> memref<1x128xi32, #tpu.memory_space<vmem>>
          %dma_start3A_58 = tpu.memref_squeeze %dma_start3A_57 : memref<1x128xi32, #tpu.memory_space<vmem>> -> memref<128xi32, #tpu.memory_space<vmem>>
          %dma_start3A_59 = arith.constant 0 : i32
          %dma_start3A_60 = arith.constant 0 : i32
          %dma_start3A_61 = tpu.memref_slice %arg9[%dma_start3A_59, %dma_start3A_60] : memref<10240x128xf32, #tpu.memory_space<vmem_shared>> -> memref<10240x128xf32, #tpu.memory_space<vmem_shared>>
          tpu.enqueue_indirect_dma source(%arg8 : memref<128x128xf32, #tpu.memory_space<vmem>>) target(%dma_start3A_61 : memref<10240x128xf32, #tpu.memory_space<vmem_shared>>) offsets(%dma_start3A_58 : memref<128xi32, #tpu.memory_space<vmem>>) semaphore(%run_scoped3A_56 : memref<!tpu.dma_semaphore, #tpu.memory_space<semaphore_mem>>) {add = true}
          %dma_wait3A = arith.constant 0 : i32
          %dma_wait3A_62 = tpu.memref_slice %arg7[%add3A_54, %dma_wait3A] : memref<79x128xi32, #tpu.memory_space<vmem>> -> memref<1x128xi32, #tpu.memory_space<vmem>>
          %dma_wait3A_63 = tpu.memref_squeeze %dma_wait3A_62 : memref<1x128xi32, #tpu.memory_space<vmem>> -> memref<128xi32, #tpu.memory_space<vmem>>
          %dma_wait3A_64 = arith.constant 0 : i32
          %dma_wait3A_65 = arith.constant 0 : i32
          %dma_wait3A_66 = tpu.memref_slice %arg9[%dma_wait3A_64, %dma_wait3A_65] : memref<10240x128xf32, #tpu.memory_space<vmem_shared>> -> memref<10240x128xf32, #tpu.memory_space<vmem_shared>>
          tpu.wait_indirect_dma semaphore(%run_scoped3A_56 : memref<!tpu.dma_semaphore, #tpu.memory_space<semaphore_mem>>) src(%arg8 : memref<128x128xf32, #tpu.memory_space<vmem>>) dst(%dma_wait3A_66 : memref<10240x128xf32, #tpu.memory_space<vmem_shared>>)
          tpu.yield
        }) : () -> ()
      }
      %scan3A_43 = arith.constant 79 : i32
      %barrier3A_44 = arith.constant 0 : index
      tpu.barrier barrier_id(%barrier3A_44)
      %mul3A_45 = arith.constant 640 : i32
      %mul3A_46 = arith.muli %arg1, %mul3A_45 : i32
      %mul3A_47 = arith.constant 640 : i32
      %mul3A_48 = arith.muli %arg1, %mul3A_47 : i32
      %run_scoped3A = arith.constant 1 : i32
      "tpu.region"() ({
        %run_scoped3A_50 = tpu.sem_alloc : memref<!tpu.dma_semaphore, #tpu.memory_space<semaphore_mem>>
        %dma_start3A = arith.constant 0 : i32
        %dma_start3A_51 = arith.constant 0 : i32
        %dma_start3A_52 = tpu.memref_slice %arg5[%run_scoped3A, %dma_start3A, %dma_start3A_51] : memref<4x10240x128xf32, #tpu.memory_space<hbm>> -> memref<1x10240x128xf32, #tpu.memory_space<hbm>>
        %dma_start3A_53 = tpu.memref_squeeze %dma_start3A_52 : memref<1x10240x128xf32, #tpu.memory_space<hbm>> -> memref<10240x128xf32, #tpu.memory_space<hbm>>
        %dma_start3A_54 = arith.constant 0 : i32
        %dma_start3A_55 = tpu.memref_slice %dma_start3A_53[%mul3A_48, %dma_start3A_54] : memref<10240x128xf32, #tpu.memory_space<hbm>> -> memref<640x128xf32, #tpu.memory_space<hbm>>
        %dma_start3A_56 = arith.constant 0 : i32
        %dma_start3A_57 = tpu.memref_slice %arg9[%mul3A_46, %dma_start3A_56] : memref<10240x128xf32, #tpu.memory_space<vmem_shared>> -> memref<640x128xf32, #tpu.memory_space<vmem_shared>>
        tpu.enqueue_dma source(%dma_start3A_57 : memref<640x128xf32, #tpu.memory_space<vmem_shared>>) target(%dma_start3A_55 : memref<640x128xf32, #tpu.memory_space<hbm>>) target_semaphore(%run_scoped3A_50 : memref<!tpu.dma_semaphore, #tpu.memory_space<semaphore_mem>>)
        %dma_wait3A = arith.constant 0 : i32
        %dma_wait3A_58 = arith.constant 0 : i32
        %dma_wait3A_59 = tpu.memref_slice %arg5[%run_scoped3A, %dma_wait3A, %dma_wait3A_58] : memref<4x10240x128xf32, #tpu.memory_space<hbm>> -> memref<1x10240x128xf32, #tpu.memory_space<hbm>>
        %dma_wait3A_60 = tpu.memref_squeeze %dma_wait3A_59 : memref<1x10240x128xf32, #tpu.memory_space<hbm>> -> memref<10240x128xf32, #tpu.memory_space<hbm>>
        %dma_wait3A_61 = arith.constant 0 : i32
        %dma_wait3A_62 = tpu.memref_slice %dma_wait3A_60[%mul3A_48, %dma_wait3A_61] : memref<10240x128xf32, #tpu.memory_space<hbm>> -> memref<640x128xf32, #tpu.memory_space<hbm>>
        %dma_wait3A_63 = arith.constant 0 : i32
        %dma_wait3A_64 = tpu.memref_slice %arg9[%mul3A_46, %dma_wait3A_63] : memref<10240x128xf32, #tpu.memory_space<vmem_shared>> -> memref<640x128xf32, #tpu.memory_space<vmem_shared>>
        tpu.wait_dma2 semaphore(%run_scoped3A_50 : memref<!tpu.dma_semaphore, #tpu.memory_space<semaphore_mem>>) src(%dma_wait3A_64 : memref<640x128xf32, #tpu.memory_space<vmem_shared>>) dst(%dma_wait3A_62 : memref<640x128xf32, #tpu.memory_space<hbm>>)
        tpu.yield
      }) : () -> ()
      %barrier3A_49 = arith.constant 0 : index
      tpu.barrier barrier_id(%barrier3A_49)
    } else {
    }
    %eq3A_7 = arith.constant 0 : i32
    %eq3A_8 = arith.cmpi eq, %arg0, %eq3A_7 : i32
    %convert_element_type3A_9 = arith.extui %eq3A_8 : i1 to i32
    %cond3A_10 = arith.constant 0 : i32
    %cond3A_11 = arith.cmpi ne, %convert_element_type3A_9, %cond3A_10 : i32
    scf.if %cond3A_11 {
      %scan3A = arith.constant 0 : i32
      %scan3A_17 = arith.constant 128 : i32
      %scan3A_18 = arith.addi %scan3A, %scan3A_17 : i32
      %scan3A_19 = arith.constant 1 : i32
      scf.for %scan3A_50 = %scan3A to %scan3A_18 step %scan3A_19  : i32 {
        %mul3A_51 = arith.constant 1 : i32
        %mul3A_52 = arith.muli %scan3A_50, %mul3A_51 : i32
        %add3A_53 = arith.constant 0 : i32
        %add3A_54 = arith.addi %add3A_53, %mul3A_52 : i32
        %scan3A_55 = arith.constant 0 : i32
        %scan3A_56 = arith.constant 8 : i32
        %scan3A_57 = arith.addi %scan3A_55, %scan3A_56 : i32
        %scan3A_58 = arith.constant 1 : i32
        scf.for %scan3A_60 = %scan3A_55 to %scan3A_57 step %scan3A_58  : i32 {
          %mul3A_61 = arith.constant 16 : i32
          %mul3A_62 = arith.muli %scan3A_60, %mul3A_61 : i32
          %add3A_63 = arith.constant 0 : i32
          %add3A_64 = arith.addi %add3A_63, %mul3A_62 : i32
          %broadcast_in_dim3A = arith.constant 0.000000e+00 : f32
          %broadcast_in_dim3A_65 = vector.broadcast %broadcast_in_dim3A : f32 to vector<16xf32>
          %swap3A = arith.index_cast %add3A_54 : i32 to index
          %swap3A_66 = arith.index_cast %add3A_64 : i32 to index
          %swap3A_67 = tpu.vector_load %arg8[%swap3A, %swap3A_66] {strides = array<i32>} : memref<128x128xf32, #tpu.memory_space<vmem>>, vector<1x16xf32>,
          %swap3A_68 = vector.shape_cast %swap3A_67 : vector<1x16xf32> to vector<16xf32>
          %swap3A_69 = vector.shape_cast %broadcast_in_dim3A_65 : vector<16xf32> to vector<1x16xf32>
          tpu.vector_store %arg8[%swap3A, %swap3A_66], %swap3A_69 {strides = array<i32>} : memref<128x128xf32, #tpu.memory_space<vmem>>, vector<1x16xf32>,
        }
        %scan3A_59 = arith.constant 8 : i32
      }
      %scan3A_20 = arith.constant 128 : i32
      %mul3A = arith.constant 640 : i32
      %mul3A_21 = arith.muli %arg1, %mul3A : i32
      %add3A = arith.constant 0 : i32
      %add3A_22 = arith.addi %mul3A_21, %add3A : i32
      "tpu.region"() ({
        %run_scoped3A_50 = tpu.sem_alloc : memref<!tpu.dma_semaphore, #tpu.memory_space<semaphore_mem>>
        %dma_start3A = arith.constant 0 : i32
        %dma_start3A_51 = tpu.memref_slice %arg9[%add3A_22, %dma_start3A] : memref<10240x128xf32, #tpu.memory_space<vmem_shared>> -> memref<128x128xf32, #tpu.memory_space<vmem_shared>>
        %dma_start3A_52 = arith.constant 0 : i32
        %dma_start3A_53 = tpu.memref_slice %arg9[%add3A_22, %dma_start3A_52] : memref<10240x128xf32, #tpu.memory_space<vmem_shared>> -> memref<128x128xf32, #tpu.memory_space<vmem_shared>>
        tpu.enqueue_dma source(%arg8 : memref<128x128xf32, #tpu.memory_space<vmem>>) target(%dma_start3A_53 : memref<128x128xf32, #tpu.memory_space<vmem_shared>>) target_semaphore(%run_scoped3A_50 : memref<!tpu.dma_semaphore, #tpu.memory_space<semaphore_mem>>)
        %dma_wait3A = arith.constant 0 : i32
        %dma_wait3A_54 = tpu.memref_slice %arg9[%add3A_22, %dma_wait3A] : memref<10240x128xf32, #tpu.memory_space<vmem_shared>> -> memref<128x128xf32, #tpu.memory_space<vmem_shared>>
        %dma_wait3A_55 = arith.constant 0 : i32
        %dma_wait3A_56 = tpu.memref_slice %arg9[%add3A_22, %dma_wait3A_55] : memref<10240x128xf32, #tpu.memory_space<vmem_shared>> -> memref<128x128xf32, #tpu.memory_space<vmem_shared>>
        tpu.wait_dma2 semaphore(%run_scoped3A_50 : memref<!tpu.dma_semaphore, #tpu.memory_space<semaphore_mem>>) src(%arg8 : memref<128x128xf32, #tpu.memory_space<vmem>>) dst(%dma_wait3A_56 : memref<128x128xf32, #tpu.memory_space<vmem_shared>>)
        tpu.yield
      }) : () -> ()
      %mul3A_23 = arith.constant 640 : i32
      %mul3A_24 = arith.muli %arg1, %mul3A_23 : i32
      %add3A_25 = arith.constant 128 : i32
      %add3A_26 = arith.addi %mul3A_24, %add3A_25 : i32
      "tpu.region"() ({
        %run_scoped3A_50 = tpu.sem_alloc : memref<!tpu.dma_semaphore, #tpu.memory_space<semaphore_mem>>
        %dma_start3A = arith.constant 0 : i32
        %dma_start3A_51 = tpu.memref_slice %arg9[%add3A_26, %dma_start3A] : memref<10240x128xf32, #tpu.memory_space<vmem_shared>> -> memref<128x128xf32, #tpu.memory_space<vmem_shared>>
        %dma_start3A_52 = arith.constant 0 : i32
        %dma_start3A_53 = tpu.memref_slice %arg9[%add3A_26, %dma_start3A_52] : memref<10240x128xf32, #tpu.memory_space<vmem_shared>> -> memref<128x128xf32, #tpu.memory_space<vmem_shared>>
        tpu.enqueue_dma source(%arg8 : memref<128x128xf32, #tpu.memory_space<vmem>>) target(%dma_start3A_53 : memref<128x128xf32, #tpu.memory_space<vmem_shared>>) target_semaphore(%run_scoped3A_50 : memref<!tpu.dma_semaphore, #tpu.memory_space<semaphore_mem>>)
        %dma_wait3A = arith.constant 0 : i32
        %dma_wait3A_54 = tpu.memref_slice %arg9[%add3A_26, %dma_wait3A] : memref<10240x128xf32, #tpu.memory_space<vmem_shared>> -> memref<128x128xf32, #tpu.memory_space<vmem_shared>>
        %dma_wait3A_55 = arith.constant 0 : i32
        %dma_wait3A_56 = tpu.memref_slice %arg9[%add3A_26, %dma_wait3A_55] : memref<10240x128xf32, #tpu.memory_space<vmem_shared>> -> memref<128x128xf32, #tpu.memory_space<vmem_shared>>
        tpu.wait_dma2 semaphore(%run_scoped3A_50 : memref<!tpu.dma_semaphore, #tpu.memory_space<semaphore_mem>>) src(%arg8 : memref<128x128xf32, #tpu.memory_space<vmem>>) dst(%dma_wait3A_56 : memref<128x128xf32, #tpu.memory_space<vmem_shared>>)
        tpu.yield
      }) : () -> ()
      %mul3A_27 = arith.constant 640 : i32
      %mul3A_28 = arith.muli %arg1, %mul3A_27 : i32
      %add3A_29 = arith.constant 256 : i32
      %add3A_30 = arith.addi %mul3A_28, %add3A_29 : i32
      "tpu.region"() ({
        %run_scoped3A_50 = tpu.sem_alloc : memref<!tpu.dma_semaphore, #tpu.memory_space<semaphore_mem>>
        %dma_start3A = arith.constant 0 : i32
        %dma_start3A_51 = tpu.memref_slice %arg9[%add3A_30, %dma_start3A] : memref<10240x128xf32, #tpu.memory_space<vmem_shared>> -> memref<128x128xf32, #tpu.memory_space<vmem_shared>>
        %dma_start3A_52 = arith.constant 0 : i32
        %dma_start3A_53 = tpu.memref_slice %arg9[%add3A_30, %dma_start3A_52] : memref<10240x128xf32, #tpu.memory_space<vmem_shared>> -> memref<128x128xf32, #tpu.memory_space<vmem_shared>>
        tpu.enqueue_dma source(%arg8 : memref<128x128xf32, #tpu.memory_space<vmem>>) target(%dma_start3A_53 : memref<128x128xf32, #tpu.memory_space<vmem_shared>>) target_semaphore(%run_scoped3A_50 : memref<!tpu.dma_semaphore, #tpu.memory_space<semaphore_mem>>)
        %dma_wait3A = arith.constant 0 : i32
        %dma_wait3A_54 = tpu.memref_slice %arg9[%add3A_30, %dma_wait3A] : memref<10240x128xf32, #tpu.memory_space<vmem_shared>> -> memref<128x128xf32, #tpu.memory_space<vmem_shared>>
        %dma_wait3A_55 = arith.constant 0 : i32
        %dma_wait3A_56 = tpu.memref_slice %arg9[%add3A_30, %dma_wait3A_55] : memref<10240x128xf32, #tpu.memory_space<vmem_shared>> -> memref<128x128xf32, #tpu.memory_space<vmem_shared>>
        tpu.wait_dma2 semaphore(%run_scoped3A_50 : memref<!tpu.dma_semaphore, #tpu.memory_space<semaphore_mem>>) src(%arg8 : memref<128x128xf32, #tpu.memory_space<vmem>>) dst(%dma_wait3A_56 : memref<128x128xf32, #tpu.memory_space<vmem_shared>>)
        tpu.yield
      }) : () -> ()
      %mul3A_31 = arith.constant 640 : i32
      %mul3A_32 = arith.muli %arg1, %mul3A_31 : i32
      %add3A_33 = arith.constant 384 : i32
      %add3A_34 = arith.addi %mul3A_32, %add3A_33 : i32
      "tpu.region"() ({
        %run_scoped3A_50 = tpu.sem_alloc : memref<!tpu.dma_semaphore, #tpu.memory_space<semaphore_mem>>
        %dma_start3A = arith.constant 0 : i32
        %dma_start3A_51 = tpu.memref_slice %arg9[%add3A_34, %dma_start3A] : memref<10240x128xf32, #tpu.memory_space<vmem_shared>> -> memref<128x128xf32, #tpu.memory_space<vmem_shared>>
        %dma_start3A_52 = arith.constant 0 : i32
        %dma_start3A_53 = tpu.memref_slice %arg9[%add3A_34, %dma_start3A_52] : memref<10240x128xf32, #tpu.memory_space<vmem_shared>> -> memref<128x128xf32, #tpu.memory_space<vmem_shared>>
        tpu.enqueue_dma source(%arg8 : memref<128x128xf32, #tpu.memory_space<vmem>>) target(%dma_start3A_53 : memref<128x128xf32, #tpu.memory_space<vmem_shared>>) target_semaphore(%run_scoped3A_50 : memref<!tpu.dma_semaphore, #tpu.memory_space<semaphore_mem>>)
        %dma_wait3A = arith.constant 0 : i32
        %dma_wait3A_54 = tpu.memref_slice %arg9[%add3A_34, %dma_wait3A] : memref<10240x128xf32, #tpu.memory_space<vmem_shared>> -> memref<128x128xf32, #tpu.memory_space<vmem_shared>>
        %dma_wait3A_55 = arith.constant 0 : i32
        %dma_wait3A_56 = tpu.memref_slice %arg9[%add3A_34, %dma_wait3A_55] : memref<10240x128xf32, #tpu.memory_space<vmem_shared>> -> memref<128x128xf32, #tpu.memory_space<vmem_shared>>
        tpu.wait_dma2 semaphore(%run_scoped3A_50 : memref<!tpu.dma_semaphore, #tpu.memory_space<semaphore_mem>>) src(%arg8 : memref<128x128xf32, #tpu.memory_space<vmem>>) dst(%dma_wait3A_56 : memref<128x128xf32, #tpu.memory_space<vmem_shared>>)
        tpu.yield
      }) : () -> ()
      %mul3A_35 = arith.constant 640 : i32
      %mul3A_36 = arith.muli %arg1, %mul3A_35 : i32
      %add3A_37 = arith.constant 512 : i32
      %add3A_38 = arith.addi %mul3A_36, %add3A_37 : i32
      "tpu.region"() ({
        %run_scoped3A_50 = tpu.sem_alloc : memref<!tpu.dma_semaphore, #tpu.memory_space<semaphore_mem>>
        %dma_start3A = arith.constant 0 : i32
        %dma_start3A_51 = tpu.memref_slice %arg9[%add3A_38, %dma_start3A] : memref<10240x128xf32, #tpu.memory_space<vmem_shared>> -> memref<128x128xf32, #tpu.memory_space<vmem_shared>>
        %dma_start3A_52 = arith.constant 0 : i32
        %dma_start3A_53 = tpu.memref_slice %arg9[%add3A_38, %dma_start3A_52] : memref<10240x128xf32, #tpu.memory_space<vmem_shared>> -> memref<128x128xf32, #tpu.memory_space<vmem_shared>>
        tpu.enqueue_dma source(%arg8 : memref<128x128xf32, #tpu.memory_space<vmem>>) target(%dma_start3A_53 : memref<128x128xf32, #tpu.memory_space<vmem_shared>>) target_semaphore(%run_scoped3A_50 : memref<!tpu.dma_semaphore, #tpu.memory_space<semaphore_mem>>)
        %dma_wait3A = arith.constant 0 : i32
        %dma_wait3A_54 = tpu.memref_slice %arg9[%add3A_38, %dma_wait3A] : memref<10240x128xf32, #tpu.memory_space<vmem_shared>> -> memref<128x128xf32, #tpu.memory_space<vmem_shared>>
        %dma_wait3A_55 = arith.constant 0 : i32
        %dma_wait3A_56 = tpu.memref_slice %arg9[%add3A_38, %dma_wait3A_55] : memref<10240x128xf32, #tpu.memory_space<vmem_shared>> -> memref<128x128xf32, #tpu.memory_space<vmem_shared>>
        tpu.wait_dma2 semaphore(%run_scoped3A_50 : memref<!tpu.dma_semaphore, #tpu.memory_space<semaphore_mem>>) src(%arg8 : memref<128x128xf32, #tpu.memory_space<vmem>>) dst(%dma_wait3A_56 : memref<128x128xf32, #tpu.memory_space<vmem_shared>>)
        tpu.yield
      }) : () -> ()
      %barrier3A = arith.constant 0 : index
      tpu.barrier barrier_id(%barrier3A)
      %scan3A_39 = arith.constant 0 : i32
      %scan3A_40 = arith.constant 79 : i32
      %scan3A_41 = arith.addi %scan3A_39, %scan3A_40 : i32
      %scan3A_42 = arith.constant 1 : i32
      scf.for %scan3A_50 = %scan3A_39 to %scan3A_41 step %scan3A_42  : i32 {
        %mul3A_51 = arith.constant 1 : i32
        %mul3A_52 = arith.muli %scan3A_50, %mul3A_51 : i32
        %add3A_53 = arith.constant 0 : i32
        %add3A_54 = arith.addi %add3A_53, %mul3A_52 : i32
        %run_scoped3A_55 = arith.constant 2 : i32
        "tpu.region"() ({
          %run_scoped3A_56 = tpu.sem_alloc : memref<!tpu.dma_semaphore, #tpu.memory_space<semaphore_mem>>
          %dma_start3A = arith.constant 0 : i32
          %dma_start3A_57 = tpu.memref_slice %arg6[%add3A_54, %dma_start3A] : memref<79x128xi32, #tpu.memory_space<vmem>> -> memref<1x128xi32, #tpu.memory_space<vmem>>
          %dma_start3A_58 = tpu.memref_squeeze %dma_start3A_57 : memref<1x128xi32, #tpu.memory_space<vmem>> -> memref<128xi32, #tpu.memory_space<vmem>>
          %dma_start3A_59 = arith.constant 0 : i32
          %dma_start3A_60 = arith.constant 0 : i32
          %dma_start3A_61 = tpu.memref_slice %arg2[%run_scoped3A_55, %dma_start3A_59, %dma_start3A_60] : memref<4x10000x128xf32, #tpu.memory_space<hbm>> -> memref<1x10000x128xf32, #tpu.memory_space<hbm>>
          %dma_start3A_62 = tpu.memref_squeeze %dma_start3A_61 : memref<1x10000x128xf32, #tpu.memory_space<hbm>> -> memref<10000x128xf32, #tpu.memory_space<hbm>>
          %dma_start3A_63 = arith.constant 0 : i32
          %dma_start3A_64 = arith.constant 0 : i32
          %dma_start3A_65 = tpu.memref_slice %dma_start3A_62[%dma_start3A_63, %dma_start3A_64] : memref<10000x128xf32, #tpu.memory_space<hbm>> -> memref<10000x128xf32, #tpu.memory_space<hbm>>
          tpu.enqueue_indirect_dma source(%dma_start3A_65 : memref<10000x128xf32, #tpu.memory_space<hbm>>) target(%arg8 : memref<128x128xf32, #tpu.memory_space<vmem>>) offsets(%dma_start3A_58 : memref<128xi32, #tpu.memory_space<vmem>>) semaphore(%run_scoped3A_56 : memref<!tpu.dma_semaphore, #tpu.memory_space<semaphore_mem>>)
          %dma_wait3A = arith.constant 0 : i32
          %dma_wait3A_66 = tpu.memref_slice %arg6[%add3A_54, %dma_wait3A] : memref<79x128xi32, #tpu.memory_space<vmem>> -> memref<1x128xi32, #tpu.memory_space<vmem>>
          %dma_wait3A_67 = tpu.memref_squeeze %dma_wait3A_66 : memref<1x128xi32, #tpu.memory_space<vmem>> -> memref<128xi32, #tpu.memory_space<vmem>>
          %dma_wait3A_68 = arith.constant 0 : i32
          %dma_wait3A_69 = arith.constant 0 : i32
          %dma_wait3A_70 = tpu.memref_slice %arg2[%run_scoped3A_55, %dma_wait3A_68, %dma_wait3A_69] : memref<4x10000x128xf32, #tpu.memory_space<hbm>> -> memref<1x10000x128xf32, #tpu.memory_space<hbm>>
          %dma_wait3A_71 = tpu.memref_squeeze %dma_wait3A_70 : memref<1x10000x128xf32, #tpu.memory_space<hbm>> -> memref<10000x128xf32, #tpu.memory_space<hbm>>
          %dma_wait3A_72 = arith.constant 0 : i32
          %dma_wait3A_73 = arith.constant 0 : i32
          %dma_wait3A_74 = tpu.memref_slice %dma_wait3A_71[%dma_wait3A_72, %dma_wait3A_73] : memref<10000x128xf32, #tpu.memory_space<hbm>> -> memref<10000x128xf32, #tpu.memory_space<hbm>>
          tpu.wait_indirect_dma semaphore(%run_scoped3A_56 : memref<!tpu.dma_semaphore, #tpu.memory_space<semaphore_mem>>) src(%dma_wait3A_74 : memref<10000x128xf32, #tpu.memory_space<hbm>>) dst(%arg8 : memref<128x128xf32, #tpu.memory_space<vmem>>)
          tpu.yield
        }) : () -> ()
        "tpu.region"() ({
          %run_scoped3A_56 = tpu.sem_alloc : memref<!tpu.dma_semaphore, #tpu.memory_space<semaphore_mem>>
          %dma_start3A = arith.constant 0 : i32
          %dma_start3A_57 = tpu.memref_slice %arg7[%add3A_54, %dma_start3A] : memref<79x128xi32, #tpu.memory_space<vmem>> -> memref<1x128xi32, #tpu.memory_space<vmem>>
          %dma_start3A_58 = tpu.memref_squeeze %dma_start3A_57 : memref<1x128xi32, #tpu.memory_space<vmem>> -> memref<128xi32, #tpu.memory_space<vmem>>
          %dma_start3A_59 = arith.constant 0 : i32
          %dma_start3A_60 = arith.constant 0 : i32
          %dma_start3A_61 = tpu.memref_slice %arg9[%dma_start3A_59, %dma_start3A_60] : memref<10240x128xf32, #tpu.memory_space<vmem_shared>> -> memref<10240x128xf32, #tpu.memory_space<vmem_shared>>
          tpu.enqueue_indirect_dma source(%arg8 : memref<128x128xf32, #tpu.memory_space<vmem>>) target(%dma_start3A_61 : memref<10240x128xf32, #tpu.memory_space<vmem_shared>>) offsets(%dma_start3A_58 : memref<128xi32, #tpu.memory_space<vmem>>) semaphore(%run_scoped3A_56 : memref<!tpu.dma_semaphore, #tpu.memory_space<semaphore_mem>>) {add = true}
          %dma_wait3A = arith.constant 0 : i32
          %dma_wait3A_62 = tpu.memref_slice %arg7[%add3A_54, %dma_wait3A] : memref<79x128xi32, #tpu.memory_space<vmem>> -> memref<1x128xi32, #tpu.memory_space<vmem>>
          %dma_wait3A_63 = tpu.memref_squeeze %dma_wait3A_62 : memref<1x128xi32, #tpu.memory_space<vmem>> -> memref<128xi32, #tpu.memory_space<vmem>>
          %dma_wait3A_64 = arith.constant 0 : i32
          %dma_wait3A_65 = arith.constant 0 : i32
          %dma_wait3A_66 = tpu.memref_slice %arg9[%dma_wait3A_64, %dma_wait3A_65] : memref<10240x128xf32, #tpu.memory_space<vmem_shared>> -> memref<10240x128xf32, #tpu.memory_space<vmem_shared>>
          tpu.wait_indirect_dma semaphore(%run_scoped3A_56 : memref<!tpu.dma_semaphore, #tpu.memory_space<semaphore_mem>>) src(%arg8 : memref<128x128xf32, #tpu.memory_space<vmem>>) dst(%dma_wait3A_66 : memref<10240x128xf32, #tpu.memory_space<vmem_shared>>)
          tpu.yield
        }) : () -> ()
      }
      %scan3A_43 = arith.constant 79 : i32
      %barrier3A_44 = arith.constant 0 : index
      tpu.barrier barrier_id(%barrier3A_44)
      %mul3A_45 = arith.constant 640 : i32
      %mul3A_46 = arith.muli %arg1, %mul3A_45 : i32
      %mul3A_47 = arith.constant 640 : i32
      %mul3A_48 = arith.muli %arg1, %mul3A_47 : i32
      %run_scoped3A = arith.constant 2 : i32
      "tpu.region"() ({
        %run_scoped3A_50 = tpu.sem_alloc : memref<!tpu.dma_semaphore, #tpu.memory_space<semaphore_mem>>
        %dma_start3A = arith.constant 0 : i32
        %dma_start3A_51 = arith.constant 0 : i32
        %dma_start3A_52 = tpu.memref_slice %arg5[%run_scoped3A, %dma_start3A, %dma_start3A_51] : memref<4x10240x128xf32, #tpu.memory_space<hbm>> -> memref<1x10240x128xf32, #tpu.memory_space<hbm>>
        %dma_start3A_53 = tpu.memref_squeeze %dma_start3A_52 : memref<1x10240x128xf32, #tpu.memory_space<hbm>> -> memref<10240x128xf32, #tpu.memory_space<hbm>>
        %dma_start3A_54 = arith.constant 0 : i32
        %dma_start3A_55 = tpu.memref_slice %dma_start3A_53[%mul3A_48, %dma_start3A_54] : memref<10240x128xf32, #tpu.memory_space<hbm>> -> memref<640x128xf32, #tpu.memory_space<hbm>>
        %dma_start3A_56 = arith.constant 0 : i32
        %dma_start3A_57 = tpu.memref_slice %arg9[%mul3A_46, %dma_start3A_56] : memref<10240x128xf32, #tpu.memory_space<vmem_shared>> -> memref<640x128xf32, #tpu.memory_space<vmem_shared>>
        tpu.enqueue_dma source(%dma_start3A_57 : memref<640x128xf32, #tpu.memory_space<vmem_shared>>) target(%dma_start3A_55 : memref<640x128xf32, #tpu.memory_space<hbm>>) target_semaphore(%run_scoped3A_50 : memref<!tpu.dma_semaphore, #tpu.memory_space<semaphore_mem>>)
        %dma_wait3A = arith.constant 0 : i32
        %dma_wait3A_58 = arith.constant 0 : i32
        %dma_wait3A_59 = tpu.memref_slice %arg5[%run_scoped3A, %dma_wait3A, %dma_wait3A_58] : memref<4x10240x128xf32, #tpu.memory_space<hbm>> -> memref<1x10240x128xf32, #tpu.memory_space<hbm>>
        %dma_wait3A_60 = tpu.memref_squeeze %dma_wait3A_59 : memref<1x10240x128xf32, #tpu.memory_space<hbm>> -> memref<10240x128xf32, #tpu.memory_space<hbm>>
        %dma_wait3A_61 = arith.constant 0 : i32
        %dma_wait3A_62 = tpu.memref_slice %dma_wait3A_60[%mul3A_48, %dma_wait3A_61] : memref<10240x128xf32, #tpu.memory_space<hbm>> -> memref<640x128xf32, #tpu.memory_space<hbm>>
        %dma_wait3A_63 = arith.constant 0 : i32
        %dma_wait3A_64 = tpu.memref_slice %arg9[%mul3A_46, %dma_wait3A_63] : memref<10240x128xf32, #tpu.memory_space<vmem_shared>> -> memref<640x128xf32, #tpu.memory_space<vmem_shared>>
        tpu.wait_dma2 semaphore(%run_scoped3A_50 : memref<!tpu.dma_semaphore, #tpu.memory_space<semaphore_mem>>) src(%dma_wait3A_64 : memref<640x128xf32, #tpu.memory_space<vmem_shared>>) dst(%dma_wait3A_62 : memref<640x128xf32, #tpu.memory_space<hbm>>)
        tpu.yield
      }) : () -> ()
      %barrier3A_49 = arith.constant 0 : index
      tpu.barrier barrier_id(%barrier3A_49)
    } else {
    }
    %eq3A_12 = arith.constant 1 : i32
    %eq3A_13 = arith.cmpi eq, %arg0, %eq3A_12 : i32
    %convert_element_type3A_14 = arith.extui %eq3A_13 : i1 to i32
    %cond3A_15 = arith.constant 0 : i32
    %cond3A_16 = arith.cmpi ne, %convert_element_type3A_14, %cond3A_15 : i32
    scf.if %cond3A_16 {
      %scan3A = arith.constant 0 : i32
      %scan3A_17 = arith.constant 128 : i32
      %scan3A_18 = arith.addi %scan3A, %scan3A_17 : i32
      %scan3A_19 = arith.constant 1 : i32
      scf.for %scan3A_50 = %scan3A to %scan3A_18 step %scan3A_19  : i32 {
        %mul3A_51 = arith.constant 1 : i32
        %mul3A_52 = arith.muli %scan3A_50, %mul3A_51 : i32
        %add3A_53 = arith.constant 0 : i32
        %add3A_54 = arith.addi %add3A_53, %mul3A_52 : i32
        %scan3A_55 = arith.constant 0 : i32
        %scan3A_56 = arith.constant 8 : i32
        %scan3A_57 = arith.addi %scan3A_55, %scan3A_56 : i32
        %scan3A_58 = arith.constant 1 : i32
        scf.for %scan3A_60 = %scan3A_55 to %scan3A_57 step %scan3A_58  : i32 {
          %mul3A_61 = arith.constant 16 : i32
          %mul3A_62 = arith.muli %scan3A_60, %mul3A_61 : i32
          %add3A_63 = arith.constant 0 : i32
          %add3A_64 = arith.addi %add3A_63, %mul3A_62 : i32
          %broadcast_in_dim3A = arith.constant 0.000000e+00 : f32
          %broadcast_in_dim3A_65 = vector.broadcast %broadcast_in_dim3A : f32 to vector<16xf32>
          %swap3A = arith.index_cast %add3A_54 : i32 to index
          %swap3A_66 = arith.index_cast %add3A_64 : i32 to index
          %swap3A_67 = tpu.vector_load %arg8[%swap3A, %swap3A_66] {strides = array<i32>} : memref<128x128xf32, #tpu.memory_space<vmem>>, vector<1x16xf32>,
          %swap3A_68 = vector.shape_cast %swap3A_67 : vector<1x16xf32> to vector<16xf32>
          %swap3A_69 = vector.shape_cast %broadcast_in_dim3A_65 : vector<16xf32> to vector<1x16xf32>
          tpu.vector_store %arg8[%swap3A, %swap3A_66], %swap3A_69 {strides = array<i32>} : memref<128x128xf32, #tpu.memory_space<vmem>>, vector<1x16xf32>,
        }
        %scan3A_59 = arith.constant 8 : i32
      }
      %scan3A_20 = arith.constant 128 : i32
      %mul3A = arith.constant 640 : i32
      %mul3A_21 = arith.muli %arg1, %mul3A : i32
      %add3A = arith.constant 0 : i32
      %add3A_22 = arith.addi %mul3A_21, %add3A : i32
      "tpu.region"() ({
        %run_scoped3A_50 = tpu.sem_alloc : memref<!tpu.dma_semaphore, #tpu.memory_space<semaphore_mem>>
        %dma_start3A = arith.constant 0 : i32
        %dma_start3A_51 = tpu.memref_slice %arg9[%add3A_22, %dma_start3A] : memref<10240x128xf32, #tpu.memory_space<vmem_shared>> -> memref<128x128xf32, #tpu.memory_space<vmem_shared>>
        %dma_start3A_52 = arith.constant 0 : i32
        %dma_start3A_53 = tpu.memref_slice %arg9[%add3A_22, %dma_start3A_52] : memref<10240x128xf32, #tpu.memory_space<vmem_shared>> -> memref<128x128xf32, #tpu.memory_space<vmem_shared>>
        tpu.enqueue_dma source(%arg8 : memref<128x128xf32, #tpu.memory_space<vmem>>) target(%dma_start3A_53 : memref<128x128xf32, #tpu.memory_space<vmem_shared>>) target_semaphore(%run_scoped3A_50 : memref<!tpu.dma_semaphore, #tpu.memory_space<semaphore_mem>>)
        %dma_wait3A = arith.constant 0 : i32
        %dma_wait3A_54 = tpu.memref_slice %arg9[%add3A_22, %dma_wait3A] : memref<10240x128xf32, #tpu.memory_space<vmem_shared>> -> memref<128x128xf32, #tpu.memory_space<vmem_shared>>
        %dma_wait3A_55 = arith.constant 0 : i32
        %dma_wait3A_56 = tpu.memref_slice %arg9[%add3A_22, %dma_wait3A_55] : memref<10240x128xf32, #tpu.memory_space<vmem_shared>> -> memref<128x128xf32, #tpu.memory_space<vmem_shared>>
        tpu.wait_dma2 semaphore(%run_scoped3A_50 : memref<!tpu.dma_semaphore, #tpu.memory_space<semaphore_mem>>) src(%arg8 : memref<128x128xf32, #tpu.memory_space<vmem>>) dst(%dma_wait3A_56 : memref<128x128xf32, #tpu.memory_space<vmem_shared>>)
        tpu.yield
      }) : () -> ()
      %mul3A_23 = arith.constant 640 : i32
      %mul3A_24 = arith.muli %arg1, %mul3A_23 : i32
      %add3A_25 = arith.constant 128 : i32
      %add3A_26 = arith.addi %mul3A_24, %add3A_25 : i32
      "tpu.region"() ({
        %run_scoped3A_50 = tpu.sem_alloc : memref<!tpu.dma_semaphore, #tpu.memory_space<semaphore_mem>>
        %dma_start3A = arith.constant 0 : i32
        %dma_start3A_51 = tpu.memref_slice %arg9[%add3A_26, %dma_start3A] : memref<10240x128xf32, #tpu.memory_space<vmem_shared>> -> memref<128x128xf32, #tpu.memory_space<vmem_shared>>
        %dma_start3A_52 = arith.constant 0 : i32
        %dma_start3A_53 = tpu.memref_slice %arg9[%add3A_26, %dma_start3A_52] : memref<10240x128xf32, #tpu.memory_space<vmem_shared>> -> memref<128x128xf32, #tpu.memory_space<vmem_shared>>
        tpu.enqueue_dma source(%arg8 : memref<128x128xf32, #tpu.memory_space<vmem>>) target(%dma_start3A_53 : memref<128x128xf32, #tpu.memory_space<vmem_shared>>) target_semaphore(%run_scoped3A_50 : memref<!tpu.dma_semaphore, #tpu.memory_space<semaphore_mem>>)
        %dma_wait3A = arith.constant 0 : i32
        %dma_wait3A_54 = tpu.memref_slice %arg9[%add3A_26, %dma_wait3A] : memref<10240x128xf32, #tpu.memory_space<vmem_shared>> -> memref<128x128xf32, #tpu.memory_space<vmem_shared>>
        %dma_wait3A_55 = arith.constant 0 : i32
        %dma_wait3A_56 = tpu.memref_slice %arg9[%add3A_26, %dma_wait3A_55] : memref<10240x128xf32, #tpu.memory_space<vmem_shared>> -> memref<128x128xf32, #tpu.memory_space<vmem_shared>>
        tpu.wait_dma2 semaphore(%run_scoped3A_50 : memref<!tpu.dma_semaphore, #tpu.memory_space<semaphore_mem>>) src(%arg8 : memref<128x128xf32, #tpu.memory_space<vmem>>) dst(%dma_wait3A_56 : memref<128x128xf32, #tpu.memory_space<vmem_shared>>)
        tpu.yield
      }) : () -> ()
      %mul3A_27 = arith.constant 640 : i32
      %mul3A_28 = arith.muli %arg1, %mul3A_27 : i32
      %add3A_29 = arith.constant 256 : i32
      %add3A_30 = arith.addi %mul3A_28, %add3A_29 : i32
      "tpu.region"() ({
        %run_scoped3A_50 = tpu.sem_alloc : memref<!tpu.dma_semaphore, #tpu.memory_space<semaphore_mem>>
        %dma_start3A = arith.constant 0 : i32
        %dma_start3A_51 = tpu.memref_slice %arg9[%add3A_30, %dma_start3A] : memref<10240x128xf32, #tpu.memory_space<vmem_shared>> -> memref<128x128xf32, #tpu.memory_space<vmem_shared>>
        %dma_start3A_52 = arith.constant 0 : i32
        %dma_start3A_53 = tpu.memref_slice %arg9[%add3A_30, %dma_start3A_52] : memref<10240x128xf32, #tpu.memory_space<vmem_shared>> -> memref<128x128xf32, #tpu.memory_space<vmem_shared>>
        tpu.enqueue_dma source(%arg8 : memref<128x128xf32, #tpu.memory_space<vmem>>) target(%dma_start3A_53 : memref<128x128xf32, #tpu.memory_space<vmem_shared>>) target_semaphore(%run_scoped3A_50 : memref<!tpu.dma_semaphore, #tpu.memory_space<semaphore_mem>>)
        %dma_wait3A = arith.constant 0 : i32
        %dma_wait3A_54 = tpu.memref_slice %arg9[%add3A_30, %dma_wait3A] : memref<10240x128xf32, #tpu.memory_space<vmem_shared>> -> memref<128x128xf32, #tpu.memory_space<vmem_shared>>
        %dma_wait3A_55 = arith.constant 0 : i32
        %dma_wait3A_56 = tpu.memref_slice %arg9[%add3A_30, %dma_wait3A_55] : memref<10240x128xf32, #tpu.memory_space<vmem_shared>> -> memref<128x128xf32, #tpu.memory_space<vmem_shared>>
        tpu.wait_dma2 semaphore(%run_scoped3A_50 : memref<!tpu.dma_semaphore, #tpu.memory_space<semaphore_mem>>) src(%arg8 : memref<128x128xf32, #tpu.memory_space<vmem>>) dst(%dma_wait3A_56 : memref<128x128xf32, #tpu.memory_space<vmem_shared>>)
        tpu.yield
      }) : () -> ()
      %mul3A_31 = arith.constant 640 : i32
      %mul3A_32 = arith.muli %arg1, %mul3A_31 : i32
      %add3A_33 = arith.constant 384 : i32
      %add3A_34 = arith.addi %mul3A_32, %add3A_33 : i32
      "tpu.region"() ({
        %run_scoped3A_50 = tpu.sem_alloc : memref<!tpu.dma_semaphore, #tpu.memory_space<semaphore_mem>>
        %dma_start3A = arith.constant 0 : i32
        %dma_start3A_51 = tpu.memref_slice %arg9[%add3A_34, %dma_start3A] : memref<10240x128xf32, #tpu.memory_space<vmem_shared>> -> memref<128x128xf32, #tpu.memory_space<vmem_shared>>
        %dma_start3A_52 = arith.constant 0 : i32
        %dma_start3A_53 = tpu.memref_slice %arg9[%add3A_34, %dma_start3A_52] : memref<10240x128xf32, #tpu.memory_space<vmem_shared>> -> memref<128x128xf32, #tpu.memory_space<vmem_shared>>
        tpu.enqueue_dma source(%arg8 : memref<128x128xf32, #tpu.memory_space<vmem>>) target(%dma_start3A_53 : memref<128x128xf32, #tpu.memory_space<vmem_shared>>) target_semaphore(%run_scoped3A_50 : memref<!tpu.dma_semaphore, #tpu.memory_space<semaphore_mem>>)
        %dma_wait3A = arith.constant 0 : i32
        %dma_wait3A_54 = tpu.memref_slice %arg9[%add3A_34, %dma_wait3A] : memref<10240x128xf32, #tpu.memory_space<vmem_shared>> -> memref<128x128xf32, #tpu.memory_space<vmem_shared>>
        %dma_wait3A_55 = arith.constant 0 : i32
        %dma_wait3A_56 = tpu.memref_slice %arg9[%add3A_34, %dma_wait3A_55] : memref<10240x128xf32, #tpu.memory_space<vmem_shared>> -> memref<128x128xf32, #tpu.memory_space<vmem_shared>>
        tpu.wait_dma2 semaphore(%run_scoped3A_50 : memref<!tpu.dma_semaphore, #tpu.memory_space<semaphore_mem>>) src(%arg8 : memref<128x128xf32, #tpu.memory_space<vmem>>) dst(%dma_wait3A_56 : memref<128x128xf32, #tpu.memory_space<vmem_shared>>)
        tpu.yield
      }) : () -> ()
      %mul3A_35 = arith.constant 640 : i32
      %mul3A_36 = arith.muli %arg1, %mul3A_35 : i32
      %add3A_37 = arith.constant 512 : i32
      %add3A_38 = arith.addi %mul3A_36, %add3A_37 : i32
      "tpu.region"() ({
        %run_scoped3A_50 = tpu.sem_alloc : memref<!tpu.dma_semaphore, #tpu.memory_space<semaphore_mem>>
        %dma_start3A = arith.constant 0 : i32
        %dma_start3A_51 = tpu.memref_slice %arg9[%add3A_38, %dma_start3A] : memref<10240x128xf32, #tpu.memory_space<vmem_shared>> -> memref<128x128xf32, #tpu.memory_space<vmem_shared>>
        %dma_start3A_52 = arith.constant 0 : i32
        %dma_start3A_53 = tpu.memref_slice %arg9[%add3A_38, %dma_start3A_52] : memref<10240x128xf32, #tpu.memory_space<vmem_shared>> -> memref<128x128xf32, #tpu.memory_space<vmem_shared>>
        tpu.enqueue_dma source(%arg8 : memref<128x128xf32, #tpu.memory_space<vmem>>) target(%dma_start3A_53 : memref<128x128xf32, #tpu.memory_space<vmem_shared>>) target_semaphore(%run_scoped3A_50 : memref<!tpu.dma_semaphore, #tpu.memory_space<semaphore_mem>>)
        %dma_wait3A = arith.constant 0 : i32
        %dma_wait3A_54 = tpu.memref_slice %arg9[%add3A_38, %dma_wait3A] : memref<10240x128xf32, #tpu.memory_space<vmem_shared>> -> memref<128x128xf32, #tpu.memory_space<vmem_shared>>
        %dma_wait3A_55 = arith.constant 0 : i32
        %dma_wait3A_56 = tpu.memref_slice %arg9[%add3A_38, %dma_wait3A_55] : memref<10240x128xf32, #tpu.memory_space<vmem_shared>> -> memref<128x128xf32, #tpu.memory_space<vmem_shared>>
        tpu.wait_dma2 semaphore(%run_scoped3A_50 : memref<!tpu.dma_semaphore, #tpu.memory_space<semaphore_mem>>) src(%arg8 : memref<128x128xf32, #tpu.memory_space<vmem>>) dst(%dma_wait3A_56 : memref<128x128xf32, #tpu.memory_space<vmem_shared>>)
        tpu.yield
      }) : () -> ()
      %barrier3A = arith.constant 0 : index
      tpu.barrier barrier_id(%barrier3A)
      %scan3A_39 = arith.constant 0 : i32
      %scan3A_40 = arith.constant 79 : i32
      %scan3A_41 = arith.addi %scan3A_39, %scan3A_40 : i32
      %scan3A_42 = arith.constant 1 : i32
      scf.for %scan3A_50 = %scan3A_39 to %scan3A_41 step %scan3A_42  : i32 {
        %mul3A_51 = arith.constant 1 : i32
        %mul3A_52 = arith.muli %scan3A_50, %mul3A_51 : i32
        %add3A_53 = arith.constant 0 : i32
        %add3A_54 = arith.addi %add3A_53, %mul3A_52 : i32
        %run_scoped3A_55 = arith.constant 3 : i32
        "tpu.region"() ({
          %run_scoped3A_56 = tpu.sem_alloc : memref<!tpu.dma_semaphore, #tpu.memory_space<semaphore_mem>>
          %dma_start3A = arith.constant 0 : i32
          %dma_start3A_57 = tpu.memref_slice %arg6[%add3A_54, %dma_start3A] : memref<79x128xi32, #tpu.memory_space<vmem>> -> memref<1x128xi32, #tpu.memory_space<vmem>>
          %dma_start3A_58 = tpu.memref_squeeze %dma_start3A_57 : memref<1x128xi32, #tpu.memory_space<vmem>> -> memref<128xi32, #tpu.memory_space<vmem>>
          %dma_start3A_59 = arith.constant 0 : i32
          %dma_start3A_60 = arith.constant 0 : i32
          %dma_start3A_61 = tpu.memref_slice %arg2[%run_scoped3A_55, %dma_start3A_59, %dma_start3A_60] : memref<4x10000x128xf32, #tpu.memory_space<hbm>> -> memref<1x10000x128xf32, #tpu.memory_space<hbm>>
          %dma_start3A_62 = tpu.memref_squeeze %dma_start3A_61 : memref<1x10000x128xf32, #tpu.memory_space<hbm>> -> memref<10000x128xf32, #tpu.memory_space<hbm>>
          %dma_start3A_63 = arith.constant 0 : i32
          %dma_start3A_64 = arith.constant 0 : i32
          %dma_start3A_65 = tpu.memref_slice %dma_start3A_62[%dma_start3A_63, %dma_start3A_64] : memref<10000x128xf32, #tpu.memory_space<hbm>> -> memref<10000x128xf32, #tpu.memory_space<hbm>>
          tpu.enqueue_indirect_dma source(%dma_start3A_65 : memref<10000x128xf32, #tpu.memory_space<hbm>>) target(%arg8 : memref<128x128xf32, #tpu.memory_space<vmem>>) offsets(%dma_start3A_58 : memref<128xi32, #tpu.memory_space<vmem>>) semaphore(%run_scoped3A_56 : memref<!tpu.dma_semaphore, #tpu.memory_space<semaphore_mem>>)
          %dma_wait3A = arith.constant 0 : i32
          %dma_wait3A_66 = tpu.memref_slice %arg6[%add3A_54, %dma_wait3A] : memref<79x128xi32, #tpu.memory_space<vmem>> -> memref<1x128xi32, #tpu.memory_space<vmem>>
          %dma_wait3A_67 = tpu.memref_squeeze %dma_wait3A_66 : memref<1x128xi32, #tpu.memory_space<vmem>> -> memref<128xi32, #tpu.memory_space<vmem>>
          %dma_wait3A_68 = arith.constant 0 : i32
          %dma_wait3A_69 = arith.constant 0 : i32
          %dma_wait3A_70 = tpu.memref_slice %arg2[%run_scoped3A_55, %dma_wait3A_68, %dma_wait3A_69] : memref<4x10000x128xf32, #tpu.memory_space<hbm>> -> memref<1x10000x128xf32, #tpu.memory_space<hbm>>
          %dma_wait3A_71 = tpu.memref_squeeze %dma_wait3A_70 : memref<1x10000x128xf32, #tpu.memory_space<hbm>> -> memref<10000x128xf32, #tpu.memory_space<hbm>>
          %dma_wait3A_72 = arith.constant 0 : i32
          %dma_wait3A_73 = arith.constant 0 : i32
          %dma_wait3A_74 = tpu.memref_slice %dma_wait3A_71[%dma_wait3A_72, %dma_wait3A_73] : memref<10000x128xf32, #tpu.memory_space<hbm>> -> memref<10000x128xf32, #tpu.memory_space<hbm>>
          tpu.wait_indirect_dma semaphore(%run_scoped3A_56 : memref<!tpu.dma_semaphore, #tpu.memory_space<semaphore_mem>>) src(%dma_wait3A_74 : memref<10000x128xf32, #tpu.memory_space<hbm>>) dst(%arg8 : memref<128x128xf32, #tpu.memory_space<vmem>>)
          tpu.yield
        }) : () -> ()
        "tpu.region"() ({
          %run_scoped3A_56 = tpu.sem_alloc : memref<!tpu.dma_semaphore, #tpu.memory_space<semaphore_mem>>
          %dma_start3A = arith.constant 0 : i32
          %dma_start3A_57 = tpu.memref_slice %arg7[%add3A_54, %dma_start3A] : memref<79x128xi32, #tpu.memory_space<vmem>> -> memref<1x128xi32, #tpu.memory_space<vmem>>
          %dma_start3A_58 = tpu.memref_squeeze %dma_start3A_57 : memref<1x128xi32, #tpu.memory_space<vmem>> -> memref<128xi32, #tpu.memory_space<vmem>>
          %dma_start3A_59 = arith.constant 0 : i32
          %dma_start3A_60 = arith.constant 0 : i32
          %dma_start3A_61 = tpu.memref_slice %arg9[%dma_start3A_59, %dma_start3A_60] : memref<10240x128xf32, #tpu.memory_space<vmem_shared>> -> memref<10240x128xf32, #tpu.memory_space<vmem_shared>>
          tpu.enqueue_indirect_dma source(%arg8 : memref<128x128xf32, #tpu.memory_space<vmem>>) target(%dma_start3A_61 : memref<10240x128xf32, #tpu.memory_space<vmem_shared>>) offsets(%dma_start3A_58 : memref<128xi32, #tpu.memory_space<vmem>>) semaphore(%run_scoped3A_56 : memref<!tpu.dma_semaphore, #tpu.memory_space<semaphore_mem>>) {add = true}
          %dma_wait3A = arith.constant 0 : i32
          %dma_wait3A_62 = tpu.memref_slice %arg7[%add3A_54, %dma_wait3A] : memref<79x128xi32, #tpu.memory_space<vmem>> -> memref<1x128xi32, #tpu.memory_space<vmem>>
          %dma_wait3A_63 = tpu.memref_squeeze %dma_wait3A_62 : memref<1x128xi32, #tpu.memory_space<vmem>> -> memref<128xi32, #tpu.memory_space<vmem>>
          %dma_wait3A_64 = arith.constant 0 : i32
          %dma_wait3A_65 = arith.constant 0 : i32
          %dma_wait3A_66 = tpu.memref_slice %arg9[%dma_wait3A_64, %dma_wait3A_65] : memref<10240x128xf32, #tpu.memory_space<vmem_shared>> -> memref<10240x128xf32, #tpu.memory_space<vmem_shared>>
          tpu.wait_indirect_dma semaphore(%run_scoped3A_56 : memref<!tpu.dma_semaphore, #tpu.memory_space<semaphore_mem>>) src(%arg8 : memref<128x128xf32, #tpu.memory_space<vmem>>) dst(%dma_wait3A_66 : memref<10240x128xf32, #tpu.memory_space<vmem_shared>>)
          tpu.yield
        }) : () -> ()
      }
      %scan3A_43 = arith.constant 79 : i32
      %barrier3A_44 = arith.constant 0 : index
      tpu.barrier barrier_id(%barrier3A_44)
      %mul3A_45 = arith.constant 640 : i32
      %mul3A_46 = arith.muli %arg1, %mul3A_45 : i32
      %mul3A_47 = arith.constant 640 : i32
      %mul3A_48 = arith.muli %arg1, %mul3A_47 : i32
      %run_scoped3A = arith.constant 3 : i32
      "tpu.region"() ({
        %run_scoped3A_50 = tpu.sem_alloc : memref<!tpu.dma_semaphore, #tpu.memory_space<semaphore_mem>>
        %dma_start3A = arith.constant 0 : i32
        %dma_start3A_51 = arith.constant 0 : i32
        %dma_start3A_52 = tpu.memref_slice %arg5[%run_scoped3A, %dma_start3A, %dma_start3A_51] : memref<4x10240x128xf32, #tpu.memory_space<hbm>> -> memref<1x10240x128xf32, #tpu.memory_space<hbm>>
        %dma_start3A_53 = tpu.memref_squeeze %dma_start3A_52 : memref<1x10240x128xf32, #tpu.memory_space<hbm>> -> memref<10240x128xf32, #tpu.memory_space<hbm>>
        %dma_start3A_54 = arith.constant 0 : i32
        %dma_start3A_55 = tpu.memref_slice %dma_start3A_53[%mul3A_48, %dma_start3A_54] : memref<10240x128xf32, #tpu.memory_space<hbm>> -> memref<640x128xf32, #tpu.memory_space<hbm>>
        %dma_start3A_56 = arith.constant 0 : i32
        %dma_start3A_57 = tpu.memref_slice %arg9[%mul3A_46, %dma_start3A_56] : memref<10240x128xf32, #tpu.memory_space<vmem_shared>> -> memref<640x128xf32, #tpu.memory_space<vmem_shared>>
        tpu.enqueue_dma source(%dma_start3A_57 : memref<640x128xf32, #tpu.memory_space<vmem_shared>>) target(%dma_start3A_55 : memref<640x128xf32, #tpu.memory_space<hbm>>) target_semaphore(%run_scoped3A_50 : memref<!tpu.dma_semaphore, #tpu.memory_space<semaphore_mem>>)
        %dma_wait3A = arith.constant 0 : i32
        %dma_wait3A_58 = arith.constant 0 : i32
        %dma_wait3A_59 = tpu.memref_slice %arg5[%run_scoped3A, %dma_wait3A, %dma_wait3A_58] : memref<4x10240x128xf32, #tpu.memory_space<hbm>> -> memref<1x10240x128xf32, #tpu.memory_space<hbm>>
        %dma_wait3A_60 = tpu.memref_squeeze %dma_wait3A_59 : memref<1x10240x128xf32, #tpu.memory_space<hbm>> -> memref<10240x128xf32, #tpu.memory_space<hbm>>
        %dma_wait3A_61 = arith.constant 0 : i32
        %dma_wait3A_62 = tpu.memref_slice %dma_wait3A_60[%mul3A_48, %dma_wait3A_61] : memref<10240x128xf32, #tpu.memory_space<hbm>> -> memref<640x128xf32, #tpu.memory_space<hbm>>
        %dma_wait3A_63 = arith.constant 0 : i32
        %dma_wait3A_64 = tpu.memref_slice %arg9[%mul3A_46, %dma_wait3A_63] : memref<10240x128xf32, #tpu.memory_space<vmem_shared>> -> memref<640x128xf32, #tpu.memory_space<vmem_shared>>
        tpu.wait_dma2 semaphore(%run_scoped3A_50 : memref<!tpu.dma_semaphore, #tpu.memory_space<semaphore_mem>>) src(%dma_wait3A_64 : memref<640x128xf32, #tpu.memory_space<vmem_shared>>) dst(%dma_wait3A_62 : memref<640x128xf32, #tpu.memory_space<hbm>>)
        tpu.yield
      }) : () -> ()
      %barrier3A_49 = arith.constant 0 : index
      tpu.barrier barrier_id(%barrier3A_49)
    } else {
    }
    return
  }
}

module attributes {stable_mosaic.version = 14 : i64} {
  func.func @_combine0_body(%arg0: i32, %arg1: memref<1000x256xf32, #tpu.memory_space<vmem>>, %arg2: memref<3x1000x128xf32, #tpu.memory_space<vmem>>, %arg3: memref<256x512xf32, #tpu.memory_space<vmem>>, %arg4: memref<256x512xf32, #tpu.memory_space<vmem>>, %arg5: memref<1x512xf32, #tpu.memory_space<vmem>>, %arg6: memref<1000x512xf32, #tpu.memory_space<vmem>>, %arg7: memref<4x1000x128xf32, #tpu.memory_space<vmem>>) attributes {dimension_semantics = [#tpu.dimension_semantics<arbitrary>], iteration_bounds = array<i64: 10>, scalar_prefetch = 0 : i64, scratch_operands = 0 : i64, tpu.core_type = #tpu.core_type<tc>, window_params = [{transform_indices = @transform_0, window_bounds = array<i64: 1000, 256>}, {transform_indices = @transform_1, window_bounds = array<i64: 3, 1000, 128>}, {pipeline_mode = #tpu.pipeline_mode<synchronous>, transform_indices = @transform_2, window_bounds = array<i64: 256, 512>}, {pipeline_mode = #tpu.pipeline_mode<synchronous>, transform_indices = @transform_3, window_bounds = array<i64: 256, 512>}, {pipeline_mode = #tpu.pipeline_mode<synchronous>, transform_indices = @transform_4, window_bounds = array<i64: 1, 512>}, {transform_indices = @transform_5, window_bounds = array<i64: 1000, 512>}, {transform_indices = @transform_6, window_bounds = array<i64: 4, 1000, 128>}]} {
    %get3A = arith.constant 2 : index
    %get3A_0 = arith.constant 0 : index
    %get3A_1 = arith.constant 0 : index
    %get3A_2 = vector.load %arg2[%get3A, %get3A_0, %get3A_1] : memref<3x1000x128xf32, #tpu.memory_space<vmem>>, vector<1x1000x1xf32>
    %get3A_3 = vector.shape_cast %get3A_2 : vector<1x1000x1xf32> to vector<1000x1xf32>
    %max3A = arith.constant 1.000000e+00 : f32
    %max3A_4 = vector.broadcast %max3A : f32 to vector<1000x1xf32>
    %max3A_5 = arith.maximumf %get3A_3, %max3A_4 : vector<1000x1xf32>
    %div3A = arith.constant 1.000000e+00 : f32
    %div3A_6 = vector.broadcast %div3A : f32 to vector<1000x1xf32>
    %div3A_7 = arith.divf %div3A_6, %max3A_5 : vector<1000x1xf32>
    %get3A_8 = arith.constant 0 : index
    %get3A_9 = arith.constant 0 : index
    %get3A_10 = arith.constant 0 : index
    %get3A_11 = vector.load %arg2[%get3A_8, %get3A_9, %get3A_10] : memref<3x1000x128xf32, #tpu.memory_space<vmem>>, vector<1x1000x128xf32>
    %get3A_12 = vector.shape_cast %get3A_11 : vector<1x1000x128xf32> to vector<1000x128xf32>
    %get3A_13 = arith.constant 1 : index
    %get3A_14 = arith.constant 0 : index
    %get3A_15 = arith.constant 0 : index
    %get3A_16 = vector.load %arg2[%get3A_13, %get3A_14, %get3A_15] : memref<3x1000x128xf32, #tpu.memory_space<vmem>>, vector<1x1000x128xf32>
    %get3A_17 = vector.shape_cast %get3A_16 : vector<1x1000x128xf32> to vector<1000x128xf32>
    %concatenate3A = tpu.concatenate %get3A_12, %get3A_17 in 1 : vector<1000x128xf32>, vector<1000x128xf32> -> vector<1000x256xf32>
    %mul3A = vector.broadcast %div3A_7 : vector<1000x1xf32> to vector<1000x256xf32>
    %mul3A_18 = arith.mulf %concatenate3A, %mul3A : vector<1000x256xf32>
    %get3A_19 = arith.constant 0 : index
    %get3A_20 = arith.constant 0 : index
    %get3A_21 = vector.load %arg1[%get3A_19, %get3A_20] : memref<1000x256xf32, #tpu.memory_space<vmem>>, vector<1000x256xf32>
    %get3A_22 = arith.constant 0 : index
    %get3A_23 = arith.constant 0 : index
    %get3A_24 = vector.load %arg3[%get3A_22, %get3A_23] : memref<256x512xf32, #tpu.memory_space<vmem>>, vector<256x512xf32>
    %dot_general3A = arith.constant dense<0.000000e+00> : vector<1000x512xf32>
    %dot_general3A_25 = tpu.matmul %get3A_21, %get3A_24, %dot_general3A {dimension_numbers = #tpu.dot_dimension_numbers<[1], [0], [0], [1], [0, 0, 1, 1], [], []>, transpose_lhs_hint = false} : vector<1000x256xf32>, vector<256x512xf32>, vector<1000x512xf32> -> vector<1000x512xf32>
    %get3A_26 = arith.constant 0 : index
    %get3A_27 = arith.constant 0 : index
    %get3A_28 = vector.load %arg4[%get3A_26, %get3A_27] : memref<256x512xf32, #tpu.memory_space<vmem>>, vector<256x512xf32>
    %dot_general3A_29 = arith.constant dense<0.000000e+00> : vector<1000x512xf32>
    %dot_general3A_30 = tpu.matmul %mul3A_18, %get3A_28, %dot_general3A_29 {dimension_numbers = #tpu.dot_dimension_numbers<[1], [0], [0], [1], [0, 0, 1, 1], [], []>, transpose_lhs_hint = false} : vector<1000x256xf32>, vector<256x512xf32>, vector<1000x512xf32> -> vector<1000x512xf32>
    %add3A = arith.addf %dot_general3A_25, %dot_general3A_30 : vector<1000x512xf32>
    %get3A_31 = arith.constant 0 : index
    %get3A_32 = arith.constant 0 : index
    %get3A_33 = vector.load %arg5[%get3A_31, %get3A_32] : memref<1x512xf32, #tpu.memory_space<vmem>>, vector<1x512xf32>
    %add3A_34 = vector.broadcast %get3A_33 : vector<1x512xf32> to vector<1000x512xf32>
    %add3A_35 = arith.addf %add3A, %add3A_34 : vector<1000x512xf32>
    %max3A_36 = arith.constant 0.000000e+00 : f32
    %max3A_37 = vector.broadcast %max3A_36 : f32 to vector<1000x512xf32>
    %max3A_38 = arith.maximumf %add3A_35, %max3A_37 : vector<1000x512xf32>
    %swap3A = arith.constant 0 : index
    %swap3A_39 = arith.constant 0 : index
    %swap3A_40 = vector.load %arg6[%swap3A, %swap3A_39] : memref<1000x512xf32, #tpu.memory_space<vmem>>, vector<1000x512xf32>
    tpu.vector_store %arg6[%swap3A, %swap3A_39], %max3A_38 {strides = array<i32>} : memref<1000x512xf32, #tpu.memory_space<vmem>>, vector<1000x512xf32>,
    %slice3A = vector.extract_strided_slice %max3A_38 {offsets = [0, 0], sizes = [1000, 128], strides = [1, 1]} : vector<1000x512xf32> to vector<1000x128xf32>
    %swap3A_41 = arith.constant 0 : index
    %swap3A_42 = arith.constant 0 : index
    %swap3A_43 = arith.constant 0 : index
    %swap3A_44 = vector.load %arg7[%swap3A_41, %swap3A_42, %swap3A_43] : memref<4x1000x128xf32, #tpu.memory_space<vmem>>, vector<1x1000x128xf32>
    %swap3A_45 = vector.shape_cast %swap3A_44 : vector<1x1000x128xf32> to vector<1000x128xf32>
    %swap3A_46 = vector.shape_cast %slice3A : vector<1000x128xf32> to vector<1x1000x128xf32>
    tpu.vector_store %arg7[%swap3A_41, %swap3A_42, %swap3A_43], %swap3A_46 {strides = array<i32>} : memref<4x1000x128xf32, #tpu.memory_space<vmem>>, vector<1x1000x128xf32>,
    %slice3A_47 = vector.extract_strided_slice %max3A_38 {offsets = [0, 128], sizes = [1000, 128], strides = [1, 1]} : vector<1000x512xf32> to vector<1000x128xf32>
    %swap3A_48 = arith.constant 1 : index
    %swap3A_49 = arith.constant 0 : index
    %swap3A_50 = arith.constant 0 : index
    %swap3A_51 = vector.load %arg7[%swap3A_48, %swap3A_49, %swap3A_50] : memref<4x1000x128xf32, #tpu.memory_space<vmem>>, vector<1x1000x128xf32>
    %swap3A_52 = vector.shape_cast %swap3A_51 : vector<1x1000x128xf32> to vector<1000x128xf32>
    %swap3A_53 = vector.shape_cast %slice3A_47 : vector<1000x128xf32> to vector<1x1000x128xf32>
    tpu.vector_store %arg7[%swap3A_48, %swap3A_49, %swap3A_50], %swap3A_53 {strides = array<i32>} : memref<4x1000x128xf32, #tpu.memory_space<vmem>>, vector<1x1000x128xf32>,
    %slice3A_54 = vector.extract_strided_slice %max3A_38 {offsets = [0, 256], sizes = [1000, 128], strides = [1, 1]} : vector<1000x512xf32> to vector<1000x128xf32>
    %swap3A_55 = arith.constant 2 : index
    %swap3A_56 = arith.constant 0 : index
    %swap3A_57 = arith.constant 0 : index
    %swap3A_58 = vector.load %arg7[%swap3A_55, %swap3A_56, %swap3A_57] : memref<4x1000x128xf32, #tpu.memory_space<vmem>>, vector<1x1000x128xf32>
    %swap3A_59 = vector.shape_cast %swap3A_58 : vector<1x1000x128xf32> to vector<1000x128xf32>
    %swap3A_60 = vector.shape_cast %slice3A_54 : vector<1000x128xf32> to vector<1x1000x128xf32>
    tpu.vector_store %arg7[%swap3A_55, %swap3A_56, %swap3A_57], %swap3A_60 {strides = array<i32>} : memref<4x1000x128xf32, #tpu.memory_space<vmem>>, vector<1x1000x128xf32>,
    %slice3A_61 = vector.extract_strided_slice %max3A_38 {offsets = [0, 384], sizes = [1000, 128], strides = [1, 1]} : vector<1000x512xf32> to vector<1000x128xf32>
    %swap3A_62 = arith.constant 3 : index
    %swap3A_63 = arith.constant 0 : index
    %swap3A_64 = arith.constant 0 : index
    %swap3A_65 = vector.load %arg7[%swap3A_62, %swap3A_63, %swap3A_64] : memref<4x1000x128xf32, #tpu.memory_space<vmem>>, vector<1x1000x128xf32>
    %swap3A_66 = vector.shape_cast %swap3A_65 : vector<1x1000x128xf32> to vector<1000x128xf32>
    %swap3A_67 = vector.shape_cast %slice3A_61 : vector<1000x128xf32> to vector<1x1000x128xf32>
    tpu.vector_store %arg7[%swap3A_62, %swap3A_63, %swap3A_64], %swap3A_67 {strides = array<i32>} : memref<4x1000x128xf32, #tpu.memory_space<vmem>>, vector<1x1000x128xf32>,
    return
  }
  func.func @transform_0(%arg0: i32) -> (i32, i32) {
    %c0_i32 = arith.constant 0 : i32
    %c0_i32_0 = arith.constant 0 : i32
    return %arg0, %c0_i32 : i32, i32
  }
  func.func @transform_1(%arg0: i32) -> (i32, i32, i32) {
    %c0_i32 = arith.constant 0 : i32
    %c0_i32_0 = arith.constant 0 : i32
    %c0_i32_1 = arith.constant 0 : i32
    return %c0_i32, %arg0, %c0_i32_0 : i32, i32, i32
  }
  func.func @transform_2(%arg0: i32) -> (i32, i32) {
    %c0_i32 = arith.constant 0 : i32
    %c0_i32_0 = arith.constant 0 : i32
    %c0_i32_1 = arith.constant 0 : i32
    return %c0_i32, %c0_i32_0 : i32, i32
  }
  func.func @transform_3(%arg0: i32) -> (i32, i32) {
    %c0_i32 = arith.constant 0 : i32
    %c0_i32_0 = arith.constant 0 : i32
    %c0_i32_1 = arith.constant 0 : i32
    return %c0_i32, %c0_i32_0 : i32, i32
  }
  func.func @transform_4(%arg0: i32) -> (i32, i32) {
    %c0_i32 = arith.constant 0 : i32
    %c0_i32_0 = arith.constant 0 : i32
    %c0_i32_1 = arith.constant 0 : i32
    return %c0_i32, %c0_i32_0 : i32, i32
  }
  func.func @transform_5(%arg0: i32) -> (i32, i32) {
    %c0_i32 = arith.constant 0 : i32
    %c0_i32_0 = arith.constant 0 : i32
    return %arg0, %c0_i32 : i32, i32
  }
  func.func @transform_6(%arg0: i32) -> (i32, i32, i32) {
    %c0_i32 = arith.constant 0 : i32
    %c0_i32_0 = arith.constant 0 : i32
    %c0_i32_1 = arith.constant 0 : i32
    return %c0_i32, %arg0, %c0_i32_0 : i32, i32, i32
  }
}

module attributes {stable_mosaic.version = 14 : i64} {
  func.func @_combine1_body(%arg0: i32, %arg1: memref<1000x512xf32, #tpu.memory_space<vmem>>, %arg2: memref<4x1000x128xf32, #tpu.memory_space<vmem>>, %arg3: memref<1x1000x128xf32, #tpu.memory_space<vmem>>, %arg4: memref<512x512xf32, #tpu.memory_space<vmem>>, %arg5: memref<512x512xf32, #tpu.memory_space<vmem>>, %arg6: memref<1x512xf32, #tpu.memory_space<vmem>>, %arg7: memref<512x256xf32, #tpu.memory_space<vmem>>, %arg8: memref<1000x512xf32, #tpu.memory_space<vmem>>, %arg9: memref<2x1000x128xf32, #tpu.memory_space<vmem>>) attributes {dimension_semantics = [#tpu.dimension_semantics<arbitrary>], iteration_bounds = array<i64: 10>, scalar_prefetch = 0 : i64, scratch_operands = 0 : i64, tpu.core_type = #tpu.core_type<tc>, window_params = [{transform_indices = @transform_0, window_bounds = array<i64: 1000, 512>}, {transform_indices = @transform_1, window_bounds = array<i64: 4, 1000, 128>}, {transform_indices = @transform_2, window_bounds = array<i64: 1, 1000, 128>}, {pipeline_mode = #tpu.pipeline_mode<synchronous>, transform_indices = @transform_3, window_bounds = array<i64: 512, 512>}, {pipeline_mode = #tpu.pipeline_mode<synchronous>, transform_indices = @transform_4, window_bounds = array<i64: 512, 512>}, {pipeline_mode = #tpu.pipeline_mode<synchronous>, transform_indices = @transform_5, window_bounds = array<i64: 1, 512>}, {pipeline_mode = #tpu.pipeline_mode<synchronous>, transform_indices = @transform_6, window_bounds = array<i64: 512, 256>}, {transform_indices = @transform_7, window_bounds = array<i64: 1000, 512>}, {transform_indices = @transform_8, window_bounds = array<i64: 2, 1000, 128>}]} {
    %get3A = arith.constant 0 : index
    %get3A_0 = arith.constant 0 : index
    %get3A_1 = arith.constant 0 : index
    %get3A_2 = vector.load %arg3[%get3A, %get3A_0, %get3A_1] : memref<1x1000x128xf32, #tpu.memory_space<vmem>>, vector<1x1000x128xf32>
    %slice3A = vector.extract_strided_slice %get3A_2 {offsets = [0, 0, 0], sizes = [1, 1000, 1], strides = [1, 1, 1]} : vector<1x1000x128xf32> to vector<1x1000x1xf32>
    %squeeze3A = vector.shape_cast %slice3A : vector<1x1000x1xf32> to vector<1000x1xf32>
    %max3A = arith.constant 1.000000e+00 : f32
    %max3A_3 = vector.broadcast %max3A : f32 to vector<1000x1xf32>
    %max3A_4 = arith.maximumf %squeeze3A, %max3A_3 : vector<1000x1xf32>
    %div3A = arith.constant 1.000000e+00 : f32
    %div3A_5 = vector.broadcast %div3A : f32 to vector<1000x1xf32>
    %div3A_6 = arith.divf %div3A_5, %max3A_4 : vector<1000x1xf32>
    %get3A_7 = arith.constant 0 : index
    %get3A_8 = arith.constant 0 : index
    %get3A_9 = arith.constant 0 : index
    %get3A_10 = vector.load %arg2[%get3A_7, %get3A_8, %get3A_9] : memref<4x1000x128xf32, #tpu.memory_space<vmem>>, vector<1x1000x128xf32>
    %get3A_11 = vector.shape_cast %get3A_10 : vector<1x1000x128xf32> to vector<1000x128xf32>
    %get3A_12 = arith.constant 1 : index
    %get3A_13 = arith.constant 0 : index
    %get3A_14 = arith.constant 0 : index
    %get3A_15 = vector.load %arg2[%get3A_12, %get3A_13, %get3A_14] : memref<4x1000x128xf32, #tpu.memory_space<vmem>>, vector<1x1000x128xf32>
    %get3A_16 = vector.shape_cast %get3A_15 : vector<1x1000x128xf32> to vector<1000x128xf32>
    %get3A_17 = arith.constant 2 : index
    %get3A_18 = arith.constant 0 : index
    %get3A_19 = arith.constant 0 : index
    %get3A_20 = vector.load %arg2[%get3A_17, %get3A_18, %get3A_19] : memref<4x1000x128xf32, #tpu.memory_space<vmem>>, vector<1x1000x128xf32>
    %get3A_21 = vector.shape_cast %get3A_20 : vector<1x1000x128xf32> to vector<1000x128xf32>
    %get3A_22 = arith.constant 3 : index
    %get3A_23 = arith.constant 0 : index
    %get3A_24 = arith.constant 0 : index
    %get3A_25 = vector.load %arg2[%get3A_22, %get3A_23, %get3A_24] : memref<4x1000x128xf32, #tpu.memory_space<vmem>>, vector<1x1000x128xf32>
    %get3A_26 = vector.shape_cast %get3A_25 : vector<1x1000x128xf32> to vector<1000x128xf32>
    %concatenate3A = tpu.concatenate %get3A_11, %get3A_16, %get3A_21, %get3A_26 in 1 : vector<1000x128xf32>, vector<1000x128xf32>, vector<1000x128xf32>, vector<1000x128xf32> -> vector<1000x512xf32>
    %mul3A = vector.broadcast %div3A_6 : vector<1000x1xf32> to vector<1000x512xf32>
    %mul3A_27 = arith.mulf %concatenate3A, %mul3A : vector<1000x512xf32>
    %get3A_28 = arith.constant 0 : index
    %get3A_29 = arith.constant 0 : index
    %get3A_30 = vector.load %arg1[%get3A_28, %get3A_29] : memref<1000x512xf32, #tpu.memory_space<vmem>>, vector<1000x512xf32>
    %get3A_31 = arith.constant 0 : index
    %get3A_32 = arith.constant 0 : index
    %get3A_33 = vector.load %arg4[%get3A_31, %get3A_32] : memref<512x512xf32, #tpu.memory_space<vmem>>, vector<512x512xf32>
    %dot_general3A = arith.constant dense<0.000000e+00> : vector<1000x512xf32>
    %dot_general3A_34 = tpu.matmul %get3A_30, %get3A_33, %dot_general3A {dimension_numbers = #tpu.dot_dimension_numbers<[1], [0], [0], [1], [0, 0, 1, 1], [], []>, transpose_lhs_hint = false} : vector<1000x512xf32>, vector<512x512xf32>, vector<1000x512xf32> -> vector<1000x512xf32>
    %get3A_35 = arith.constant 0 : index
    %get3A_36 = arith.constant 0 : index
    %get3A_37 = vector.load %arg5[%get3A_35, %get3A_36] : memref<512x512xf32, #tpu.memory_space<vmem>>, vector<512x512xf32>
    %dot_general3A_38 = arith.constant dense<0.000000e+00> : vector<1000x512xf32>
    %dot_general3A_39 = tpu.matmul %mul3A_27, %get3A_37, %dot_general3A_38 {dimension_numbers = #tpu.dot_dimension_numbers<[1], [0], [0], [1], [0, 0, 1, 1], [], []>, transpose_lhs_hint = false} : vector<1000x512xf32>, vector<512x512xf32>, vector<1000x512xf32> -> vector<1000x512xf32>
    %add3A = arith.addf %dot_general3A_34, %dot_general3A_39 : vector<1000x512xf32>
    %get3A_40 = arith.constant 0 : index
    %get3A_41 = arith.constant 0 : index
    %get3A_42 = vector.load %arg6[%get3A_40, %get3A_41] : memref<1x512xf32, #tpu.memory_space<vmem>>, vector<1x512xf32>
    %add3A_43 = vector.broadcast %get3A_42 : vector<1x512xf32> to vector<1000x512xf32>
    %add3A_44 = arith.addf %add3A, %add3A_43 : vector<1000x512xf32>
    %max3A_45 = arith.constant 0.000000e+00 : f32
    %max3A_46 = vector.broadcast %max3A_45 : f32 to vector<1000x512xf32>
    %max3A_47 = arith.maximumf %add3A_44, %max3A_46 : vector<1000x512xf32>
    %swap3A = arith.constant 0 : index
    %swap3A_48 = arith.constant 0 : index
    %swap3A_49 = vector.load %arg8[%swap3A, %swap3A_48] : memref<1000x512xf32, #tpu.memory_space<vmem>>, vector<1000x512xf32>
    tpu.vector_store %arg8[%swap3A, %swap3A_48], %max3A_47 {strides = array<i32>} : memref<1000x512xf32, #tpu.memory_space<vmem>>, vector<1000x512xf32>,
    %get3A_50 = arith.constant 0 : index
    %get3A_51 = arith.constant 0 : index
    %get3A_52 = vector.load %arg7[%get3A_50, %get3A_51] : memref<512x256xf32, #tpu.memory_space<vmem>>, vector<512x256xf32>
    %dot_general3A_53 = arith.constant dense<0.000000e+00> : vector<1000x256xf32>
    %dot_general3A_54 = tpu.matmul %max3A_47, %get3A_52, %dot_general3A_53 {dimension_numbers = #tpu.dot_dimension_numbers<[1], [0], [0], [1], [0, 0, 1, 1], [], []>, transpose_lhs_hint = false} : vector<1000x512xf32>, vector<512x256xf32>, vector<1000x256xf32> -> vector<1000x256xf32>
    %slice3A_55 = vector.extract_strided_slice %dot_general3A_54 {offsets = [0, 0], sizes = [1000, 128], strides = [1, 1]} : vector<1000x256xf32> to vector<1000x128xf32>
    %swap3A_56 = arith.constant 0 : index
    %swap3A_57 = arith.constant 0 : index
    %swap3A_58 = arith.constant 0 : index
    %swap3A_59 = vector.load %arg9[%swap3A_56, %swap3A_57, %swap3A_58] : memref<2x1000x128xf32, #tpu.memory_space<vmem>>, vector<1x1000x128xf32>
    %swap3A_60 = vector.shape_cast %swap3A_59 : vector<1x1000x128xf32> to vector<1000x128xf32>
    %swap3A_61 = vector.shape_cast %slice3A_55 : vector<1000x128xf32> to vector<1x1000x128xf32>
    tpu.vector_store %arg9[%swap3A_56, %swap3A_57, %swap3A_58], %swap3A_61 {strides = array<i32>} : memref<2x1000x128xf32, #tpu.memory_space<vmem>>, vector<1x1000x128xf32>,
    %slice3A_62 = vector.extract_strided_slice %dot_general3A_54 {offsets = [0, 128], sizes = [1000, 128], strides = [1, 1]} : vector<1000x256xf32> to vector<1000x128xf32>
    %swap3A_63 = arith.constant 1 : index
    %swap3A_64 = arith.constant 0 : index
    %swap3A_65 = arith.constant 0 : index
    %swap3A_66 = vector.load %arg9[%swap3A_63, %swap3A_64, %swap3A_65] : memref<2x1000x128xf32, #tpu.memory_space<vmem>>, vector<1x1000x128xf32>
    %swap3A_67 = vector.shape_cast %swap3A_66 : vector<1x1000x128xf32> to vector<1000x128xf32>
    %swap3A_68 = vector.shape_cast %slice3A_62 : vector<1000x128xf32> to vector<1x1000x128xf32>
    tpu.vector_store %arg9[%swap3A_63, %swap3A_64, %swap3A_65], %swap3A_68 {strides = array<i32>} : memref<2x1000x128xf32, #tpu.memory_space<vmem>>, vector<1x1000x128xf32>,
    return
  }
  func.func @transform_0(%arg0: i32) -> (i32, i32) {
    %c0_i32 = arith.constant 0 : i32
    %c0_i32_0 = arith.constant 0 : i32
    return %arg0, %c0_i32 : i32, i32
  }
  func.func @transform_1(%arg0: i32) -> (i32, i32, i32) {
    %c0_i32 = arith.constant 0 : i32
    %c0_i32_0 = arith.constant 0 : i32
    %c0_i32_1 = arith.constant 0 : i32
    return %c0_i32, %arg0, %c0_i32_0 : i32, i32, i32
  }
  func.func @transform_2(%arg0: i32) -> (i32, i32, i32) {
    %c2_i32 = arith.constant 2 : i32
    %c0_i32 = arith.constant 0 : i32
    %c0_i32_0 = arith.constant 0 : i32
    return %c2_i32, %arg0, %c0_i32 : i32, i32, i32
  }
  func.func @transform_3(%arg0: i32) -> (i32, i32) {
    %c0_i32 = arith.constant 0 : i32
    %c0_i32_0 = arith.constant 0 : i32
    %c0_i32_1 = arith.constant 0 : i32
    return %c0_i32, %c0_i32_0 : i32, i32
  }
  func.func @transform_4(%arg0: i32) -> (i32, i32) {
    %c0_i32 = arith.constant 0 : i32
    %c0_i32_0 = arith.constant 0 : i32
    %c0_i32_1 = arith.constant 0 : i32
    return %c0_i32, %c0_i32_0 : i32, i32
  }
  func.func @transform_5(%arg0: i32) -> (i32, i32) {
    %c0_i32 = arith.constant 0 : i32
    %c0_i32_0 = arith.constant 0 : i32
    %c0_i32_1 = arith.constant 0 : i32
    return %c0_i32, %c0_i32_0 : i32, i32
  }
  func.func @transform_6(%arg0: i32) -> (i32, i32) {
    %c0_i32 = arith.constant 0 : i32
    %c0_i32_0 = arith.constant 0 : i32
    %c0_i32_1 = arith.constant 0 : i32
    return %c0_i32, %c0_i32_0 : i32, i32
  }
  func.func @transform_7(%arg0: i32) -> (i32, i32) {
    %c0_i32 = arith.constant 0 : i32
    %c0_i32_0 = arith.constant 0 : i32
    return %arg0, %c0_i32 : i32, i32
  }
  func.func @transform_8(%arg0: i32) -> (i32, i32, i32) {
    %c0_i32 = arith.constant 0 : i32
    %c0_i32_0 = arith.constant 0 : i32
    %c0_i32_1 = arith.constant 0 : i32
    return %c0_i32, %arg0, %c0_i32_0 : i32, i32, i32
  }
}

module attributes {stable_mosaic.version = 14 : i64} {
  func.func @_combine2_body(%arg0: i32, %arg1: memref<1000x512xf32, #tpu.memory_space<vmem>>, %arg2: memref<2x1000x128xf32, #tpu.memory_space<vmem>>, %arg3: memref<1x1000x128xf32, #tpu.memory_space<vmem>>, %arg4: memref<512x256xf32, #tpu.memory_space<vmem>>, %arg5: memref<1x256xf32, #tpu.memory_space<vmem>>, %arg6: memref<1000x256xf32, #tpu.memory_space<vmem>>) attributes {dimension_semantics = [#tpu.dimension_semantics<arbitrary>], iteration_bounds = array<i64: 10>, scalar_prefetch = 0 : i64, scratch_operands = 0 : i64, tpu.core_type = #tpu.core_type<tc>, window_params = [{transform_indices = @transform_0, window_bounds = array<i64: 1000, 512>}, {transform_indices = @transform_1, window_bounds = array<i64: 2, 1000, 128>}, {transform_indices = @transform_2, window_bounds = array<i64: 1, 1000, 128>}, {pipeline_mode = #tpu.pipeline_mode<synchronous>, transform_indices = @transform_3, window_bounds = array<i64: 512, 256>}, {pipeline_mode = #tpu.pipeline_mode<synchronous>, transform_indices = @transform_4, window_bounds = array<i64: 1, 256>}, {transform_indices = @transform_5, window_bounds = array<i64: 1000, 256>}]} {
    %get3A = arith.constant 0 : index
    %get3A_0 = arith.constant 0 : index
    %get3A_1 = arith.constant 0 : index
    %get3A_2 = vector.load %arg3[%get3A, %get3A_0, %get3A_1] : memref<1x1000x128xf32, #tpu.memory_space<vmem>>, vector<1x1000x128xf32>
    %slice3A = vector.extract_strided_slice %get3A_2 {offsets = [0, 0, 0], sizes = [1, 1000, 1], strides = [1, 1, 1]} : vector<1x1000x128xf32> to vector<1x1000x1xf32>
    %squeeze3A = vector.shape_cast %slice3A : vector<1x1000x1xf32> to vector<1000x1xf32>
    %max3A = arith.constant 1.000000e+00 : f32
    %max3A_3 = vector.broadcast %max3A : f32 to vector<1000x1xf32>
    %max3A_4 = arith.maximumf %squeeze3A, %max3A_3 : vector<1000x1xf32>
    %div3A = arith.constant 1.000000e+00 : f32
    %div3A_5 = vector.broadcast %div3A : f32 to vector<1000x1xf32>
    %div3A_6 = arith.divf %div3A_5, %max3A_4 : vector<1000x1xf32>
    %get3A_7 = arith.constant 0 : index
    %get3A_8 = arith.constant 0 : index
    %get3A_9 = arith.constant 0 : index
    %get3A_10 = vector.load %arg2[%get3A_7, %get3A_8, %get3A_9] : memref<2x1000x128xf32, #tpu.memory_space<vmem>>, vector<1x1000x128xf32>
    %get3A_11 = vector.shape_cast %get3A_10 : vector<1x1000x128xf32> to vector<1000x128xf32>
    %get3A_12 = arith.constant 1 : index
    %get3A_13 = arith.constant 0 : index
    %get3A_14 = arith.constant 0 : index
    %get3A_15 = vector.load %arg2[%get3A_12, %get3A_13, %get3A_14] : memref<2x1000x128xf32, #tpu.memory_space<vmem>>, vector<1x1000x128xf32>
    %get3A_16 = vector.shape_cast %get3A_15 : vector<1x1000x128xf32> to vector<1000x128xf32>
    %concatenate3A = tpu.concatenate %get3A_11, %get3A_16 in 1 : vector<1000x128xf32>, vector<1000x128xf32> -> vector<1000x256xf32>
    %mul3A = vector.broadcast %div3A_6 : vector<1000x1xf32> to vector<1000x256xf32>
    %mul3A_17 = arith.mulf %concatenate3A, %mul3A : vector<1000x256xf32>
    %get3A_18 = arith.constant 0 : index
    %get3A_19 = arith.constant 0 : index
    %get3A_20 = vector.load %arg1[%get3A_18, %get3A_19] : memref<1000x512xf32, #tpu.memory_space<vmem>>, vector<1000x512xf32>
    %get3A_21 = arith.constant 0 : index
    %get3A_22 = arith.constant 0 : index
    %get3A_23 = vector.load %arg4[%get3A_21, %get3A_22] : memref<512x256xf32, #tpu.memory_space<vmem>>, vector<512x256xf32>
    %dot_general3A = arith.constant dense<0.000000e+00> : vector<1000x256xf32>
    %dot_general3A_24 = tpu.matmul %get3A_20, %get3A_23, %dot_general3A {dimension_numbers = #tpu.dot_dimension_numbers<[1], [0], [0], [1], [0, 0, 1, 1], [], []>, transpose_lhs_hint = false} : vector<1000x512xf32>, vector<512x256xf32>, vector<1000x256xf32> -> vector<1000x256xf32>
    %add3A = arith.addf %dot_general3A_24, %mul3A_17 : vector<1000x256xf32>
    %get3A_25 = arith.constant 0 : index
    %get3A_26 = arith.constant 0 : index
    %get3A_27 = vector.load %arg5[%get3A_25, %get3A_26] : memref<1x256xf32, #tpu.memory_space<vmem>>, vector<1x256xf32>
    %add3A_28 = vector.broadcast %get3A_27 : vector<1x256xf32> to vector<1000x256xf32>
    %add3A_29 = arith.addf %add3A, %add3A_28 : vector<1000x256xf32>
    %swap3A = arith.constant 0 : index
    %swap3A_30 = arith.constant 0 : index
    %swap3A_31 = vector.load %arg6[%swap3A, %swap3A_30] : memref<1000x256xf32, #tpu.memory_space<vmem>>, vector<1000x256xf32>
    tpu.vector_store %arg6[%swap3A, %swap3A_30], %add3A_29 {strides = array<i32>} : memref<1000x256xf32, #tpu.memory_space<vmem>>, vector<1000x256xf32>,
    return
  }
  func.func @transform_0(%arg0: i32) -> (i32, i32) {
    %c0_i32 = arith.constant 0 : i32
    %c0_i32_0 = arith.constant 0 : i32
    return %arg0, %c0_i32 : i32, i32
  }
  func.func @transform_1(%arg0: i32) -> (i32, i32, i32) {
    %c0_i32 = arith.constant 0 : i32
    %c0_i32_0 = arith.constant 0 : i32
    %c0_i32_1 = arith.constant 0 : i32
    return %c0_i32, %arg0, %c0_i32_0 : i32, i32, i32
  }
  func.func @transform_2(%arg0: i32) -> (i32, i32, i32) {
    %c2_i32 = arith.constant 2 : i32
    %c0_i32 = arith.constant 0 : i32
    %c0_i32_0 = arith.constant 0 : i32
    return %c2_i32, %arg0, %c0_i32 : i32, i32, i32
  }
  func.func @transform_3(%arg0: i32) -> (i32, i32) {
    %c0_i32 = arith.constant 0 : i32
    %c0_i32_0 = arith.constant 0 : i32
    %c0_i32_1 = arith.constant 0 : i32
    return %c0_i32, %c0_i32_0 : i32, i32
  }
  func.func @transform_4(%arg0: i32) -> (i32, i32) {
    %c0_i32 = arith.constant 0 : i32
    %c0_i32_0 = arith.constant 0 : i32
    %c0_i32_1 = arith.constant 0 : i32
    return %c0_i32, %c0_i32_0 : i32, i32
  }
  func.func @transform_5(%arg0: i32) -> (i32, i32) {
    %c0_i32 = arith.constant 0 : i32
    %c0_i32_0 = arith.constant 0 : i32
    return %arg0, %c0_i32 : i32, i32
  }
}

</mosaic_0001>

<sc_bundles>
// kernel: kernel.11.cloned.1.call-start
scs
__scs_entry_jumppad:
0x0: {  	(pc) =	sbr.rel $0x88, $3  }
0x1: {  	(tag) =	ssettag $0x0;
	lr =	simm.s32 $0x1  }
0x2: {  	[smem:$0x3F96] =	sst lr;
	_ =	strace $0xD0000000  }
0x3: {  	_ = 	snop  }
0x4: {  	_ = 	snop  }
0x5: {  	_ = 	snop  }
0x6: {  	_ = 	snop  }
0x7: {  	_ = 	snop  }
__scs_overlays_trampoline_lowered:
0x8: {  	[smem:$0x3FA5] =	sst s0  }
0x9: {  	[smem:$0x3FA6] =	sst s1  }
0xa: {  	[smem:$0x3FA7] =	sst s2  }
0xb: {  	[smem:$0x3FA8] =	sst s3  }
0xc: {  	[smem:$0x3FA9] =	sst s4  }
0xd: {  	[smem:$0x3FAA] =	sst s5  }
0xe: {  	[smem:$0x3FAB] =	sst s6  }
0xf: {  	[smem:$0x3FAC] =	sst s7  }
0x10: {  	[smem:$0x3FAD] =	sst s8  }
0x11: {  	[smem:$0x3FAE] =	sst s9;
	s0 =	simm.s32 @!p0 $0x0  }
0x12: {  	s1 =	sld [smem:$0x3F94];
	s0 =	simm.s32 @p0 $0x1  }
0x13: {  	[smem:$0x3FAF] =	sst s0;
	s0 =	simm.s32 @!p1 $0x0  }
0x14: {  	s2 =	sld [smem:$0x3F93];
	s0 =	simm.s32 @p1 $0x1  }
0x15: {  	[smem:$0x3FB0] =	sst s0;
	s0 =	simm.s32 @!p2 $0x0  }
0x16: {  	s3 =	sld [smem:$0x3FDB];
	s0 =	simm.s32 @p2 $0x1  }
0x17: {  	s4 =	simm.s32 $0x1BF5;
	[smem:$0x3FB2] =	sst s0  }
0x18: {  	s0 =	sld [smem:$0x3F95];
	_ =	swait.ge [sflag:s4], $0x0  }
0x19: {  	s7 =	sld [smem:$0x3F96]  }
0x1a: {  	s8 =	sadd.s32 $0xFFFFE003, lr  }
0x1b: {  	s9 =	sadd.s32 $0xFFFFFEF7, lr;
	s5 =	simm.s32 $0xFFFFFFFF;
	p2 =	slt.u32 s8, $0xFFFFF086  }
0x1c: {  	p1 =	slt.u32 s9, $0xF7A;
	s5 =	simm.s32 @!p2 $0x0  }
0x1d: {  	s5 =	simm.s32 @p1 $0x1;
	p0 =	seq.s32 s7, s2  }
0x1e: {  	s7 =	smul.u32 @!p0 $0xF7A, s2;
	p2 =	seq.s32 @!p0 s5, $0x0  }
0x1f: {  	s9 =	smul.u32 $0xF7A, s1;
	s8 =	simm.s32 @!p0 $0x1BF5;
	p2 =	por !p2, p0  }
0x20: {  	[sflag:s8] =	ssyncset.s32 @!p0 $0xFFFFF086;
	s6 =	sadd.s32 @!p0 s3, s7;
	s7 =	simm.s32 @!p0 $0x108  }
0x21: {  	s3 =	sadd.s32 s3, s9;
	s6 =	sadd.s32 @!p0 $0x88, s6;
	s7 =	simm.s32 @p2 $0x1082  }
0x22: {  	[simem:s7], [sflag:s8] =	dma.local @!p0 [hbm:s6], $0xF7A  }
0x23: {  	s9 =	sor.u32 $0xD0000000, s2;
	s6 =	simm.s32 $0x108;
	_ =	swait.ge @!p0 [sflag:s8], $0x0  }
0x24: {  	s3 =	sadd.s32 $0x88, s3;
	s6 =	simm.s32 @!p1 $0x1082;
	[sflag:s4] =	ssyncset.s32 $0xFFFFF086  }
0x25: {  	[simem:s6], [sflag:s4] =	dma.local [hbm:s3], $0xF7A  }
0x26: {  	[smem:$0x3F96] =	sst s1;
	(tag) =	ssettag s2;
	_ =	strace s9  }
0x27: {  	s1 =	sld [smem:$0x3FA6]  }
0x28: {  	s2 =	sld [smem:$0x3FA7]  }
0x29: {  	s4 =	sld [smem:$0x3FA9]  }
0x2a: {  	p0 =	seq.s32 s5, $0x0;
	s5 =	sld [smem:$0x3FAA]  }
0x2b: {  	s6 =	sld [smem:$0x3FAB]  }
0x2c: {  	s7 =	sld [smem:$0x3FAC]  }
0x2d: {  	s3 =	simm.s32 $0x108;
	s8 =	sld [smem:$0x3FAD]  }
0x2e: {  	s3 =	simm.s32 @!p0 $0x1082;
	s9 =	sld [smem:$0x3FAE]  }
0x2f: {  	lr =	sadd.s32 s0, s3;
	s0 =	sld [smem:$0x3FA5]  }
0x30: {  	s3 =	sld [smem:$0x3FA8]  }
0x31: {  	[smem:$0x3FB1] =	sst s10  }
0x32: {  	s10 =	sld [smem:$0x3FAF];
	_ =	sdelay $0x3  }
0x33: {  	p0 =	seq.s32 s10, $0x1;
	s10 =	sld [smem:$0x3FB1];
	_ =	sdelay $0x3  }
0x34: {  	[smem:$0x3FB1] =	sst s10  }
0x35: {  	s10 =	sld [smem:$0x3FB0];
	_ =	sdelay $0x3  }
0x36: {  	p1 =	seq.s32 s10, $0x1;
	s10 =	sld [smem:$0x3FB1];
	_ =	sdelay $0x3  }
0x37: {  	[smem:$0x3FB1] =	sst s10  }
0x38: {  	s10 =	sld [smem:$0x3FB2]  }
0x39: {  	_ = 	snop;
	(pc) =	sbr.ind lr, $3  }
0x3a: {  	_ = 	snop  }
0x3b: {  	_ = 	snop  }
0x3c: {  	p2 =	seq.s32 s10, $0x1;
	s10 =	sld [smem:$0x3FB1]  }
0x3d: {  	_ =	shalt  }
0x3e: {  	_ =	shalt  }
0x3f: {  	_ =	shalt  }
0x40: {  	_ =	shalt  }
0x41: {  	_ =	shalt  }
0x42: {  	_ =	shalt  }
0x43: {  	_ =	shalt  }
0x44: {  	_ =	shalt  }
0x45: {  	_ =	shalt  }
0x46: {  	_ =	shalt  }
0x47: {  	_ =	shalt  }
0x48: {  	_ =	shalt  }
0x49: {  	_ =	shalt  }
0x4a: {  	_ =	shalt  }
0x4b: {  	_ =	shalt  }
0x4c: {  	_ =	shalt  }
0x4d: {  	_ =	shalt  }
0x4e: {  	_ =	shalt  }
0x4f: {  	_ =	shalt  }
0x50: {  	_ =	shalt  }
0x51: {  	_ =	shalt  }
0x52: {  	_ =	shalt  }
0x53: {  	_ =	shalt  }
0x54: {  	_ =	shalt  }
0x55: {  	_ =	shalt  }
0x56: {  	_ =	shalt  }
0x57: {  	_ =	shalt  }
0x58: {  	_ =	shalt  }
0x59: {  	_ =	shalt  }
0x5a: {  	_ =	shalt  }
0x5b: {  	_ =	shalt  }
0x5c: {  	_ =	shalt  }
0x5d: {  	_ =	shalt  }
0x5e: {  	_ =	shalt  }
0x5f: {  	_ =	shalt  }
0x60: {  	_ =	shalt  }
0x61: {  	_ =	shalt  }
0x62: {  	_ =	shalt  }
0x63: {  	_ =	shalt  }
0x64: {  	_ =	shalt  }
0x65: {  	_ =	shalt  }
0x66: {  	_ =	shalt  }
0x67: {  	_ =	shalt  }
0x68: {  	_ =	shalt  }
0x69: {  	_ =	shalt  }
0x6a: {  	_ =	shalt  }
0x6b: {  	_ =	shalt  }
0x6c: {  	_ =	shalt  }
0x6d: {  	_ =	shalt  }
0x6e: {  	_ =	shalt  }
0x6f: {  	_ =	shalt  }
0x70: {  	_ =	shalt  }
0x71: {  	_ =	shalt  }
0x72: {  	_ =	shalt  }
0x73: {  	_ =	shalt  }
0x74: {  	_ =	shalt  }
0x75: {  	_ =	shalt  }
0x76: {  	_ =	shalt  }
0x77: {  	_ =	shalt  }
0x78: {  	_ =	shalt  }
0x79: {  	_ =	shalt  }
0x7a: {  	_ =	shalt  }
0x7b: {  	_ =	shalt  }
0x7c: {  	_ =	shalt  }
0x7d: {  	_ =	shalt  }
0x7e: {  	_ =	shalt  }
0x7f: {  	_ =	shalt  }
0x80: {  	_ =	shalt  }
0x81: {  	_ =	shalt  }
0x82: {  	_ =	shalt  }
0x83: {  	_ =	shalt  }
0x84: {  	_ =	shalt  }
0x85: {  	_ =	shalt  }
0x86: {  	_ =	shalt  }
0x87: {  	_ =	shalt  }
.Lfunc_end0:
.L_simem_size_0:
called_computation.1_lowered:
.L_overlay_start_0:
0x88: {  	s2 =	sld [smem:$0x3FD9]  }
0x89: {  	s3 =	sld [smem:$0x3FFE];
	_ =	sdelay $0x1  }
0x8a: {  	s1 =	srdreg.scid  }
0x8b: {  	s0 =	sand.u32 $0x1, s1  }
0x8c: {  	s16 =	sshll.u32 s0, $0xA;
	s2 =	sadd.s32 s3, s2  }
0x8d: {  	s2 =	sadd.s32 s2, s16  }
0x8e: {  	[smem:$0x3FBD] =	sst s2  }
0x8f: {  	_ = 	snop  }
0x90: {  	(tm) =	ssettm $0x1  }
0x91: {  	s17 =	sld [smem:$0x3FFB];
	_ =	sdelay $0x3  }
0x92: {  	_ =	strace s17  }
0x93: {  	s2 =	sld [smem:$0x3FFC];
	_ =	sdelay $0x3  }
0x94: {  	_ =	strace s2  }
0x95: {  	s2 =	sld [smem:$0x3FFD];
	_ =	sdelay $0x3  }
0x96: {  	_ =	strace s2  }
0x97: {  	_ =	strace $0x8FFFFFFF  }
0x98: {  	s18 =	sld [smem:$0x3FDB];
	_ =	sdelay $0x1  }
0x99: {  	s19 =	simm.s32 $_scs_section_size  }
0x9a: {  	s4 =	simm.s32 $_size__tile_overlayer_lowered;
	s5 =	simm.s32 $_tile_overlayer_lowered  }
0x9b: {  	s22 =	simm.s32 $0x1BFF;
	s21 =	sshll.u32 s5, $0x1;
	s2 =	sadd.s32 s19, s18  }
0x9c: {  	s6 =	simm.s32 $0x0;
	s20 =	sshll.u32 s4, $0x1;
	s4 =	sadd.s32 s21, s2  }
0x9d: {  	[timem:s6], [sflag:s22] =	dma.local [hbm:s4], s20  }
0x9e: {  	_ =	swait.ge [sflag:s22], s20  }
0x9f: {  	s3 =	ssub.s32 $0x0, s20;
	[sflag:s22] =	ssyncset.done $0x0  }
0xa0: {  	[sflag:s22] =	ssyncadd.s32 s3;
	_ =	sdelay $0x1  }
0xa1: {  	s23 =	simm.s32 $0x1B8B  }
0xa2: {  	_ =	swait.ge [sflag:s23], $0x1  }
0xa3: {  	[sflag:s23] =	ssyncset.done $0x0  }
0xa4: {  	s25 =	simm.s32 $0x1B8E;
	s24 =	sld [smem:$0x3FFE];
	[sflag:s23] =	ssyncadd.s32 $0xFFFFFFFF  }
0xa5: {  	s26 =	simm.s32 $execute0_lowered;
	[smem:$0x3FD2] =	sst s25  }
0xa6: {  	s4 =	sshll.u32 s26, $0x1;
	_ =	strace $0x80000049;
	[dreg:$0x1] =	wrdreg $0xFFFFFFFF  }
0xa7: {  	s28 =	simm.s32 $_size_execute0_lowered;
	s2 =	sadd.s32 s2, s4;
	[dreg:$0x0] =	wrdreg $0x0  }
0xa8: {  	s4 =	sshll.u32 s28, $0x1;
	[dreg:$0x2] =	wrdreg s2  }
0xa9: {  	[dreg:$0x3] =	wrdreg s4  }
0xaa: {  	[dreg:$0x4] =	wrdreg $0xC0  }
0xab: {  	_ =	task [dreg:s6], $0x5FFFF  }
0xac: {  	[dreg:$0x1] =	wrdreg $0xFFFFFFFF  }
0xad: {  	[dreg:$0x0] =	wrdreg $0x60  }
0xae: {  	[dreg:$0x2] =	wrdreg s24  }
0xaf: {  	[dreg:$0x3] =	wrdreg $0x90000  }
0xb0: {  	[dreg:$0x4] =	wrdreg $0x9  }
0xb1: {  	_ =	task.clear_ibuf [dreg:s6], $0x5FFFF;
	_ =	strace $0x90000049  }
0xb2: {  	s29 =	simm.s32 $0x9;
	_ =	strace $0x8000004B  }
0xb3: {  	_ =	swait.ge [sflag:s29], $0x1  }
0xb4: {  	[sflag:s29] =	ssyncadd.s32 $0xFFFFFFFF  }
0xb5: {  	_ =	strace $0x9000004B  }
0xb6: {  	_ =	sfence  }
0xb7: {  	s30 =	sld [smem:$0x0];
	_ =	sdelay $0x2  }
0xb8: {  	s31 =	sshll.u32 s1, $0xD;
	s1 =	sshrl.u32 s1, $0x2  }
0xb9: {  	s3 =	sand.u32 $0x4000, s31;
	s1 =	sadd.s32 s1, s30  }
0xba: {  	s0 =	sor.u32 s3, s0;
	s1 =	sshll.u32 s1, $0x11  }
0xbb: {  	s0 =	sor.u32 s1, s0  }
0xbc: {  	s0 =	sadd.s32 $0x8F2B, s0  }
0xbd: {  	[sflag:s0] =	ssyncadd.remote.s32 $0x1  }
0xbe: {  	_ =	sfence.sel $0xFFFF  }
0xbf: {  	[dreg:$0x0] =	wrdreg $0xFFFFFFFF;
	(pc) =	sbr.abs _section_cstart, $3  }
0xc0: {  	[dreg:$0x1] =	wrdreg $0xFFFFFFFF  }
0xc1: {  	_ =	task.clear_ibuf [dreg:s6], $0x2FFFF;
	_ =	strace $0x9FFFFFFF  }
0xc2: {  	(tm) =	ssettm $0x7FFFFFFF  }
0xc3: {  	_ =	shalt  }
tec
execute0_lowered:
.L_overlay_start_1:
0x0: {  	(tag) =	ssettag $0x1  }
0x1: {  	s16 =	rddreg [dreg:$0x0]  }
0x2: {  	s2 =	rddreg [dreg:$0x1]  }
0x3: {  	s0 =	rddreg [dreg:$0x2];
	s3 =	simm.s32 $0x0;
	s1 =	stileid.u32  }
0x4: {  	s6 =	srdreg.scid;
	s19 =	simm.s32 $0x5000;
	s5 =	smul.u32 $0x500, s1  }
0x5: {  	s20 =	simm.s32 $0x80;
	[smem:$0x7FF] =	sst s3;
	s7 =	smul.u32 $0x50000, s1  }
0x6: {  	s4 =	sadd.s32 $0x84A00, s16;
	s23 =	smul.u32 $0x2800, s1;
	s22 =	sadd.s32 $0x1E5200, s16  }
0x7: {  	s17 =	sand.u32 $0x1, s6;
	s21 =	sadd.s32 $0x20D200, s16;
	s15 =	sadd.s32 $0xF9D00, s16  }
0x8: {  	s24 =	sadd.s32 $0x235200, s16;
	_ =	strace $0x8000004A;
	s12 =	ssub.s32 $0x2, s17  }
0x9: {  	p0 =	sne.s32 s17, $0x0;
	s17 =	simm.s32 $0x1;
	s8 =	sadd.s32 s5, s16  }
0xa: {  	s31 =	sshrl.u32 s7, $0x2;
	s13 =	sadd.s32 s23, s16;
	s14 =	sshrl.u32 s12, $0x1  }
0xb: {  	s21 =	sadd.s32 s23, s21;
	s22 =	sadd.s32 s23, s22;
	s23 =	sadd.s32 s23, s24  }
.Ltmp0:
0xc: {  	s24 =	simm.s32 $0x0;
	s5 =	sadd.s32 s31, s2;
	(pc) =	sbr.rel .LBB2_1-.Ltmp0, $4  }
0xd: {  	s6 =	sadd.s32 $0x7A00, s8;
	s7 =	sadd.s32 $0x2A00, s8;
	s18 =	ssub.s32 s12, s14  }
0xe: {  	s12 =	sadd.s32 $0x1BD200, s13;
	s13 =	sadd.s32 $0xABB00, s16;
	s14 =	sadd.s32 $0xD2C00, s16  }
0xf: {  	s8 =	sadd.s32 $0x4000, s5;
	s9 =	sadd.s32 $0x8000, s5;
	s10 =	sadd.s32 $0xC000, s5  }
0x10: {  	v0 =	vimm.f32 $0.0e+00;
	s11 =	sadd.s32 $0x10000, s5;
	s16 =	smax.u32 s18, $0x1;
	s18 =	simm.s32 $0x2800  }
.LBB2_17:
0x11: {  	s28 =	sshra.s32 s28, $0x2;
	[sflag:s17] =	ssyncadd.s32 $0xFFFFC000  }
0x12: {  	[tilespmem:s19], [sflag:$0x1] =	stream.indirect.gather [hbm4b:s15+s20], $0x80, s28, s20, $0xb8;
	[tilespmem:$0x1D000] =	vst v63  }
0x13: {  	_ =	swait.ge [sflag:s17], $0x4000  }
0x14: {  	[sflag:s17] =	ssyncset.done $0x0  }
0x15: {  	s28 =	sadd.s32 $0x2800, s28;
	[sflag:s17] =	ssyncadd.s32 $0xFFFFC000  }
0x16: {  	[spmem:s2] =	stream.indirect.scatter.add.f32 [tilespmem:s19], [sflag:$0x1], $0x80, s28, s20, $0xb8;
	[tilespmem:$0x1D000] =	vst v63  }
0x17: {  	_ =	swait.ge [sflag:s17], $0x4000  }
0x18: {  	[sflag:s17] =	ssyncset.done $0x0  }
0x19: {  	[sflag:s17] =	ssyncadd.s32 $0xFFFFC000  }
0x1a: {  	[bflag:$0x0] =	sbarrier.arrive $0xFFFF  }
0x1b: {  	[hbm:s23], [sflag:s25] =	dma.local [spmem:s26], $0x2800  }
.LBB2_18:
0x1c: {  	s24 =	sadd.s32 $0x1, s24  }
0x1d: {  	p1 =	sne.s32 s24, s16  }
.Ltmp1:
0x1e: {  	_ =	swait.ge [sflag:s17], $0x2800;
	(pc) =	sbr.rel @!p1 .LBB2_19-.Ltmp1, $3  }
0x1f: {  	[sflag:s17] =	ssyncset.done $0x0  }
0x20: {  	[sflag:s17] =	ssyncadd.s32 $0xFFFFD800  }
0x21: {  	[bflag:$0x0] =	sbarrier.arrive $0xFFFF;
	_ =	sdelay $0x1  }
.LBB2_1:
0x22: {  	[tilespmem:s3], [sflag:$0x1] =	stream.linear.gather [hbm4b:s6+s3], $0x2780, $0x38;
	[tilespmem:$0x1D000] =	vst v63  }
0x23: {  	_ =	swait.ge [sflag:s17], $0x2780  }
0x24: {  	[sflag:s17] =	ssyncset.done $0x0  }
.Ltmp2:
0x25: {  	[sflag:s17] =	ssyncadd.s32 $0xFFFFD880;
	(pc) =	sbr.rel @p0 .LBB2_10-.Ltmp2, $4  }
0x26: {  	[tilespmem:s18], [sflag:$0x1] =	stream.linear.gather [hbm4b:s7+s3], $0x2780, $0x38;
	[tilespmem:$0x1D000] =	vst v63  }
0x27: {  	_ =	swait.ge [sflag:s17], $0x2780  }
0x28: {  	[sflag:s17] =	ssyncset.done $0x0  }
0x29: {  	s25 =	sshra.s32 s3, $0x2;
	s26 =	sadd.s32 $0x200, s3;
	[sflag:s17] =	ssyncadd.s32 $0xFFFFD880  }
.LBB2_2:
0x2a: {  	p1 =	sne.s32 s26, $0xFE00;
	[tilespmem:s25+$0x5070] =	vst v0  }
0x2b: {  	[tilespmem:s25+$0x5000] =	vst v0  }
0x2c: {  	[tilespmem:s25+$0x5010] =	vst v0  }
.Ltmp3:
0x2d: {  	[tilespmem:s25+$0x5020] =	vst v0;
	(pc) =	sbr.rel @p1 .LBB2_2-.Ltmp3, $4  }
0x2e: {  	[tilespmem:s25+$0x5030] =	vst v0  }
0x2f: {  	[tilespmem:s25+$0x5040] =	vst v0  }
0x30: {  	[tilespmem:s25+$0x5050] =	vst v0  }
0x31: {  	[tilespmem:s25+$0x5060] =	vst v0;
	s25 =	sshra.s32 s26, $0x2;
	s26 =	sadd.s32 $0x200, s26  }
0x32: {  	[tilespmem:s25+$0x5070] =	vst v0  }
0x33: {  	[tilespmem:s25+$0x5000] =	vst v0  }
0x34: {  	[tilespmem:s25+$0x5010] =	vst v0  }
0x35: {  	[tilespmem:s25+$0x5020] =	vst v0  }
0x36: {  	[tilespmem:s25+$0x5030] =	vst v0  }
0x37: {  	[tilespmem:s25+$0x5040] =	vst v0  }
0x38: {  	[tilespmem:s25+$0x5050] =	vst v0  }
0x39: {  	[tilespmem:s25+$0x5060] =	vst v0  }
0x3a: {  	[spmem:s5] =	stream.linear.scatter [tilespmem:s19], [sflag:$0x1], $0x4000, $0x38;
	[tilespmem:$0x1D000] =	vst v63  }
0x3b: {  	_ =	swait.ge [sflag:s17], $0x4000  }
0x3c: {  	[sflag:s17] =	ssyncset.done $0x0  }
0x3d: {  	[sflag:s17] =	ssyncadd.s32 $0xFFFFC000  }
0x3e: {  	[spmem:s8] =	stream.linear.scatter [tilespmem:s19], [sflag:$0x1], $0x4000, $0x38;
	[tilespmem:$0x1D000] =	vst v63  }
0x3f: {  	_ =	swait.ge [sflag:s17], $0x4000  }
0x40: {  	[sflag:s17] =	ssyncset.done $0x0  }
0x41: {  	[sflag:s17] =	ssyncadd.s32 $0xFFFFC000  }
0x42: {  	[spmem:s9] =	stream.linear.scatter [tilespmem:s19], [sflag:$0x1], $0x4000, $0x38;
	[tilespmem:$0x1D000] =	vst v63  }
0x43: {  	_ =	swait.ge [sflag:s17], $0x4000  }
0x44: {  	[sflag:s17] =	ssyncset.done $0x0  }
0x45: {  	[sflag:s17] =	ssyncadd.s32 $0xFFFFC000  }
0x46: {  	[spmem:s10] =	stream.linear.scatter [tilespmem:s19], [sflag:$0x1], $0x4000, $0x38;
	[tilespmem:$0x1D000] =	vst v63  }
0x47: {  	_ =	swait.ge [sflag:s17], $0x4000  }
0x48: {  	[sflag:s17] =	ssyncset.done $0x0  }
0x49: {  	[sflag:s17] =	ssyncadd.s32 $0xFFFFC000  }
0x4a: {  	[spmem:s11] =	stream.linear.scatter [tilespmem:s19], [sflag:$0x1], $0x4000, $0x38;
	[tilespmem:$0x1D000] =	vst v63  }
0x4b: {  	_ =	swait.ge [sflag:s17], $0x4000  }
0x4c: {  	[sflag:s17] =	ssyncset.done $0x0  }
0x4d: {  	[sflag:s17] =	ssyncadd.s32 $0xFFFFC000  }
0x4e: {  	s30 =	simm.s32 $0x0;
	[bflag:$0x0] =	sbarrier.arrive $0xFFFF  }
0x4f: {  	[tilespmem:s19], [sflag:$0x1] =	stream.indirect.gather [hbm4b:s4+s20], $0x80, s30, s20, $0xb8;
	[tilespmem:$0x1D000] =	vst v63  }
0x50: {  	_ =	swait.ge [sflag:s17], $0x4000  }
0x51: {  	[sflag:s17] =	ssyncset.done $0x0  }
0x52: {  	s31 =	simm.s32 $0x2800;
	[sflag:s17] =	ssyncadd.s32 $0xFFFFC000  }
0x53: {  	[spmem:s2] =	stream.indirect.scatter.add.f32 [tilespmem:s19], [sflag:$0x1], $0x80, s31, s20, $0xb8;
	[tilespmem:$0x1D000] =	vst v63  }
0x54: {  	_ =	swait.ge [sflag:s17], $0x4000  }
0x55: {  	s25 =	simm.s32 $0x200;
	s26 =	simm.s32 $0x400;
	[sflag:s17] =	ssyncset.done $0x0  }
.LBB2_4:
0x56: {  	s28 =	sshra.s32 s25, $0x2  }
0x57: {  	[sflag:s17] =	ssyncadd.s32 $0xFFFFC000;
	s25 =	smov.u32 s26;
	s29 =	sadd.s32 $0x200, s26  }
0x58: {  	[tilespmem:s19], [sflag:$0x1] =	stream.indirect.gather [hbm4b:s4+s20], $0x80, s28, s20, $0xb8;
	[tilespmem:$0x1D000] =	vst v63  }
0x59: {  	p1 =	sne.s32 s26, $0x9C00;
	_ =	swait.ge [sflag:s17], $0x4000  }
.Ltmp4:
0x5a: {  	[sflag:s17] =	ssyncset.done $0x0;
	(pc) =	sbr.rel @p1 .LBB2_4-.Ltmp4, $4  }
0x5b: {  	s26 =	sadd.s32 $0x2800, s28;
	[sflag:s17] =	ssyncadd.s32 $0xFFFFC000  }
0x5c: {  	[spmem:s2] =	stream.indirect.scatter.add.f32 [tilespmem:s19], [sflag:$0x1], $0x80, s26, s20, $0xb8;
	[tilespmem:$0x1D000] =	vst v63  }
0x5d: {  	_ =	swait.ge [sflag:s17], $0x4000  }
0x5e: {  	s26 =	smov.u32 s29;
	[sflag:s17] =	ssyncset.done $0x0  }
0x5f: {  	s25 =	sshra.s32 s25, $0x2;
	[sflag:s17] =	ssyncadd.s32 $0xFFFFC000  }
0x60: {  	[tilespmem:s19], [sflag:$0x1] =	stream.indirect.gather [hbm4b:s4+s20], $0x80, s25, s20, $0xb8;
	[tilespmem:$0x1D000] =	vst v63  }
0x61: {  	_ =	swait.ge [sflag:s17], $0x4000  }
0x62: {  	[sflag:s17] =	ssyncset.done $0x0  }
0x63: {  	s25 =	sadd.s32 $0x2800, s25;
	[sflag:s17] =	ssyncadd.s32 $0xFFFFC000  }
0x64: {  	[spmem:s2] =	stream.indirect.scatter.add.f32 [tilespmem:s19], [sflag:$0x1], $0x80, s25, s20, $0xb8;
	[tilespmem:$0x1D000] =	vst v63  }
0x65: {  	_ =	swait.ge [sflag:s17], $0x4000  }
0x66: {  	[sflag:s17] =	ssyncset.done $0x0  }
0x67: {  	s31 =	sshll.u32 s1, $0x6;
	[sflag:s17] =	ssyncadd.s32 $0xFFFFC000  }
0x68: {  	s26 =	sshrl.u32 s5, $0x3;
	s25 =	sor.u32 $0x1C01, s31;
	[bflag:$0x0] =	sbarrier.arrive $0xFFFF  }
0x69: {  	[hbm:s12], [sflag:s25] =	dma.local [spmem:s26], $0x2800  }
0x6a: {  	_ =	swait.ge [sflag:s17], $0x2800  }
0x6b: {  	[sflag:s17] =	ssyncset.done $0x0  }
0x6c: {  	[sflag:s17] =	ssyncadd.s32 $0xFFFFD800  }
0x6d: {  	s28 =	simm.s32 $0x0;
	s29 =	simm.s32 $0x200;
	[bflag:$0x0] =	sbarrier.arrive $0xFFFF  }
.LBB2_6:
0x6e: {  	p1 =	sne.s32 s29, $0xFE00;
	[tilespmem:s28+$0x5070] =	vst v0  }
0x6f: {  	[tilespmem:s28+$0x5000] =	vst v0  }
0x70: {  	[tilespmem:s28+$0x5010] =	vst v0  }
.Ltmp5:
0x71: {  	[tilespmem:s28+$0x5020] =	vst v0;
	(pc) =	sbr.rel @p1 .LBB2_6-.Ltmp5, $4  }
0x72: {  	[tilespmem:s28+$0x5030] =	vst v0  }
0x73: {  	[tilespmem:s28+$0x5040] =	vst v0  }
0x74: {  	[tilespmem:s28+$0x5050] =	vst v0  }
0x75: {  	[tilespmem:s28+$0x5060] =	vst v0;
	s28 =	sshra.s32 s29, $0x2;
	s29 =	sadd.s32 $0x200, s29  }
0x76: {  	[tilespmem:s28+$0x5070] =	vst v0  }
0x77: {  	[tilespmem:s28+$0x5000] =	vst v0  }
0x78: {  	[tilespmem:s28+$0x5010] =	vst v0  }
0x79: {  	[tilespmem:s28+$0x5020] =	vst v0  }
0x7a: {  	[tilespmem:s28+$0x5030] =	vst v0  }
0x7b: {  	[tilespmem:s28+$0x5040] =	vst v0  }
0x7c: {  	[tilespmem:s28+$0x5050] =	vst v0  }
0x7d: {  	[tilespmem:s28+$0x5060] =	vst v0  }
0x7e: {  	[spmem:s5] =	stream.linear.scatter [tilespmem:s19], [sflag:$0x1], $0x4000, $0x38;
	[tilespmem:$0x1D000] =	vst v63  }
0x7f: {  	_ =	swait.ge [sflag:s17], $0x4000  }
0x80: {  	[sflag:s17] =	ssyncset.done $0x0  }
0x81: {  	[sflag:s17] =	ssyncadd.s32 $0xFFFFC000  }
0x82: {  	[spmem:s8] =	stream.linear.scatter [tilespmem:s19], [sflag:$0x1], $0x4000, $0x38;
	[tilespmem:$0x1D000] =	vst v63  }
0x83: {  	_ =	swait.ge [sflag:s17], $0x4000  }
0x84: {  	[sflag:s17] =	ssyncset.done $0x0  }
0x85: {  	[sflag:s17] =	ssyncadd.s32 $0xFFFFC000  }
0x86: {  	[spmem:s9] =	stream.linear.scatter [tilespmem:s19], [sflag:$0x1], $0x4000, $0x38;
	[tilespmem:$0x1D000] =	vst v63  }
0x87: {  	_ =	swait.ge [sflag:s17], $0x4000  }
0x88: {  	[sflag:s17] =	ssyncset.done $0x0  }
0x89: {  	[sflag:s17] =	ssyncadd.s32 $0xFFFFC000  }
0x8a: {  	[spmem:s10] =	stream.linear.scatter [tilespmem:s19], [sflag:$0x1], $0x4000, $0x38;
	[tilespmem:$0x1D000] =	vst v63  }
0x8b: {  	_ =	swait.ge [sflag:s17], $0x4000  }
0x8c: {  	[sflag:s17] =	ssyncset.done $0x0  }
0x8d: {  	[sflag:s17] =	ssyncadd.s32 $0xFFFFC000  }
0x8e: {  	[spmem:s11] =	stream.linear.scatter [tilespmem:s19], [sflag:$0x1], $0x4000, $0x38;
	[tilespmem:$0x1D000] =	vst v63  }
0x8f: {  	_ =	swait.ge [sflag:s17], $0x4000  }
0x90: {  	[sflag:s17] =	ssyncset.done $0x0  }
0x91: {  	[sflag:s17] =	ssyncadd.s32 $0xFFFFC000  }
0x92: {  	s28 =	simm.s32 $0x0;
	[bflag:$0x0] =	sbarrier.arrive $0xFFFF  }
0x93: {  	[tilespmem:s19], [sflag:$0x1] =	stream.indirect.gather [hbm4b:s14+s20], $0x80, s28, s20, $0xb8;
	[tilespmem:$0x1D000] =	vst v63  }
0x94: {  	_ =	swait.ge [sflag:s17], $0x4000  }
0x95: {  	[sflag:s17] =	ssyncset.done $0x0  }
0x96: {  	s28 =	simm.s32 $0x2800;
	[sflag:s17] =	ssyncadd.s32 $0xFFFFC000  }
0x97: {  	[spmem:s2] =	stream.indirect.scatter.add.f32 [tilespmem:s19], [sflag:$0x1], $0x80, s28, s20, $0xb8;
	[tilespmem:$0x1D000] =	vst v63  }
0x98: {  	_ =	swait.ge [sflag:s17], $0x4000  }
0x99: {  	s29 =	simm.s32 $0x400;
	s28 =	simm.s32 $0x200;
	[sflag:s17] =	ssyncset.done $0x0  }
.LBB2_8:
0x9a: {  	s30 =	sshra.s32 s28, $0x2  }
0x9b: {  	[sflag:s17] =	ssyncadd.s32 $0xFFFFC000;
	s28 =	smov.u32 s29;
	s31 =	sadd.s32 $0x200, s29  }
0x9c: {  	[tilespmem:s19], [sflag:$0x1] =	stream.indirect.gather [hbm4b:s14+s20], $0x80, s30, s20, $0xb8;
	[tilespmem:$0x1D000] =	vst v63  }
0x9d: {  	p1 =	sne.s32 s29, $0x9C00;
	_ =	swait.ge [sflag:s17], $0x4000  }
.Ltmp6:
0x9e: {  	[sflag:s17] =	ssyncset.done $0x0;
	(pc) =	sbr.rel @p1 .LBB2_8-.Ltmp6, $4  }
0x9f: {  	s29 =	sadd.s32 $0x2800, s30;
	[sflag:s17] =	ssyncadd.s32 $0xFFFFC000  }
0xa0: {  	[spmem:s2] =	stream.indirect.scatter.add.f32 [tilespmem:s19], [sflag:$0x1], $0x80, s29, s20, $0xb8;
	[tilespmem:$0x1D000] =	vst v63  }
0xa1: {  	_ =	swait.ge [sflag:s17], $0x4000  }
0xa2: {  	s29 =	smov.u32 s31;
	[sflag:s17] =	ssyncset.done $0x0  }
0xa3: {  	s28 =	sshra.s32 s28, $0x2;
	[sflag:s17] =	ssyncadd.s32 $0xFFFFC000  }
0xa4: {  	[tilespmem:s19], [sflag:$0x1] =	stream.indirect.gather [hbm4b:s14+s20], $0x80, s28, s20, $0xb8;
	[tilespmem:$0x1D000] =	vst v63  }
0xa5: {  	_ =	swait.ge [sflag:s17], $0x4000  }
0xa6: {  	[sflag:s17] =	ssyncset.done $0x0  }
0xa7: {  	s28 =	sadd.s32 $0x2800, s28;
	[sflag:s17] =	ssyncadd.s32 $0xFFFFC000  }
0xa8: {  	[spmem:s2] =	stream.indirect.scatter.add.f32 [tilespmem:s19], [sflag:$0x1], $0x80, s28, s20, $0xb8;
	[tilespmem:$0x1D000] =	vst v63  }
.Ltmp7:
0xa9: {  	_ =	swait.ge [sflag:s17], $0x4000;
	(pc) =	sbr.rel .LBB2_18-.Ltmp7, $4  }
0xaa: {  	[sflag:s17] =	ssyncset.done $0x0  }
0xab: {  	[sflag:s17] =	ssyncadd.s32 $0xFFFFC000  }
0xac: {  	[bflag:$0x0] =	sbarrier.arrive $0xFFFF  }
0xad: {  	[hbm:s21], [sflag:s25] =	dma.local [spmem:s26], $0x2800  }
.LBB2_10:
0xae: {  	p1 =	sne.s32 s26, $0xFE00;
	[tilespmem:s25+$0x5070] =	vst v0  }
0xaf: {  	[tilespmem:s25+$0x5000] =	vst v0  }
0xb0: {  	[tilespmem:s25+$0x5010] =	vst v0  }
.Ltmp8:
0xb1: {  	[tilespmem:s25+$0x5020] =	vst v0;
	(pc) =	sbr.rel @p1 .LBB2_10-.Ltmp8, $4  }
0xb2: {  	[tilespmem:s25+$0x5030] =	vst v0  }
0xb3: {  	[tilespmem:s25+$0x5040] =	vst v0  }
0xb4: {  	[tilespmem:s25+$0x5050] =	vst v0  }
0xb5: {  	[tilespmem:s25+$0x5060] =	vst v0;
	s25 =	sshra.s32 s26, $0x2;
	s26 =	sadd.s32 $0x200, s26  }
0xb6: {  	[tilespmem:s25+$0x5070] =	vst v0  }
0xb7: {  	[tilespmem:s25+$0x5000] =	vst v0  }
0xb8: {  	[tilespmem:s25+$0x5010] =	vst v0  }
0xb9: {  	[tilespmem:s25+$0x5020] =	vst v0  }
0xba: {  	[tilespmem:s25+$0x5030] =	vst v0  }
0xbb: {  	[tilespmem:s25+$0x5040] =	vst v0  }
0xbc: {  	[tilespmem:s25+$0x5050] =	vst v0  }
0xbd: {  	[tilespmem:s25+$0x5060] =	vst v0  }
0xbe: {  	[spmem:s5] =	stream.linear.scatter [tilespmem:s19], [sflag:$0x1], $0x4000, $0x38;
	[tilespmem:$0x1D000] =	vst v63  }
0xbf: {  	_ =	swait.ge [sflag:s17], $0x4000  }
0xc0: {  	[sflag:s17] =	ssyncset.done $0x0  }
0xc1: {  	[sflag:s17] =	ssyncadd.s32 $0xFFFFC000  }
0xc2: {  	[spmem:s8] =	stream.linear.scatter [tilespmem:s19], [sflag:$0x1], $0x4000, $0x38;
	[tilespmem:$0x1D000] =	vst v63  }
0xc3: {  	_ =	swait.ge [sflag:s17], $0x4000  }
0xc4: {  	[sflag:s17] =	ssyncset.done $0x0  }
0xc5: {  	[sflag:s17] =	ssyncadd.s32 $0xFFFFC000  }
0xc6: {  	[spmem:s9] =	stream.linear.scatter [tilespmem:s19], [sflag:$0x1], $0x4000, $0x38;
	[tilespmem:$0x1D000] =	vst v63  }
0xc7: {  	_ =	swait.ge [sflag:s17], $0x4000  }
0xc8: {  	[sflag:s17] =	ssyncset.done $0x0  }
0xc9: {  	[sflag:s17] =	ssyncadd.s32 $0xFFFFC000  }
0xca: {  	[spmem:s10] =	stream.linear.scatter [tilespmem:s19], [sflag:$0x1], $0x4000, $0x38;
	[tilespmem:$0x1D000] =	vst v63  }
0xcb: {  	_ =	swait.ge [sflag:s17], $0x4000  }
0xcc: {  	[sflag:s17] =	ssyncset.done $0x0  }
0xcd: {  	[sflag:s17] =	ssyncadd.s32 $0xFFFFC000  }
0xce: {  	[spmem:s11] =	stream.linear.scatter [tilespmem:s19], [sflag:$0x1], $0x4000, $0x38;
	[tilespmem:$0x1D000] =	vst v63  }
0xcf: {  	_ =	swait.ge [sflag:s17], $0x4000  }
0xd0: {  	[sflag:s17] =	ssyncset.done $0x0  }
0xd1: {  	[sflag:s17] =	ssyncadd.s32 $0xFFFFC000  }
0xd2: {  	s30 =	simm.s32 $0x0;
	[bflag:$0x0] =	sbarrier.arrive $0xFFFF  }
0xd3: {  	[tilespmem:s19], [sflag:$0x1] =	stream.indirect.gather [hbm4b:s13+s20], $0x80, s30, s20, $0xb8;
	[tilespmem:$0x1D000] =	vst v63  }
0xd4: {  	_ =	swait.ge [sflag:s17], $0x4000  }
0xd5: {  	[sflag:s17] =	ssyncset.done $0x0  }
0xd6: {  	s31 =	simm.s32 $0x2800;
	[sflag:s17] =	ssyncadd.s32 $0xFFFFC000  }
0xd7: {  	[spmem:s2] =	stream.indirect.scatter.add.f32 [tilespmem:s19], [sflag:$0x1], $0x80, s31, s20, $0xb8;
	[tilespmem:$0x1D000] =	vst v63  }
0xd8: {  	_ =	swait.ge [sflag:s17], $0x4000  }
0xd9: {  	s25 =	simm.s32 $0x200;
	s26 =	simm.s32 $0x400;
	[sflag:s17] =	ssyncset.done $0x0  }
.LBB2_12:
0xda: {  	s28 =	sshra.s32 s25, $0x2  }
0xdb: {  	[sflag:s17] =	ssyncadd.s32 $0xFFFFC000;
	s25 =	smov.u32 s26;
	s29 =	sadd.s32 $0x200, s26  }
0xdc: {  	[tilespmem:s19], [sflag:$0x1] =	stream.indirect.gather [hbm4b:s13+s20], $0x80, s28, s20, $0xb8;
	[tilespmem:$0x1D000] =	vst v63  }
0xdd: {  	p1 =	seq.s32 s26, $0x9C00;
	_ =	swait.ge [sflag:s17], $0x4000  }
.Ltmp9:
0xde: {  	[sflag:s17] =	ssyncset.done $0x0;
	(pc) =	sbr.rel @!p1 .LBB2_12-.Ltmp9, $4  }
0xdf: {  	s26 =	sadd.s32 $0x2800, s28;
	[sflag:s17] =	ssyncadd.s32 $0xFFFFC000  }
0xe0: {  	[spmem:s2] =	stream.indirect.scatter.add.f32 [tilespmem:s19], [sflag:$0x1], $0x80, s26, s20, $0xb8;
	[tilespmem:$0x1D000] =	vst v63  }
0xe1: {  	_ =	swait.ge [sflag:s17], $0x4000  }
0xe2: {  	s26 =	smov.u32 s29;
	[sflag:s17] =	ssyncset.done $0x0  }
0xe3: {  	s25 =	sshra.s32 s25, $0x2;
	[sflag:s17] =	ssyncadd.s32 $0xFFFFC000  }
0xe4: {  	[tilespmem:s19], [sflag:$0x1] =	stream.indirect.gather [hbm4b:s13+s20], $0x80, s25, s20, $0xb8;
	[tilespmem:$0x1D000] =	vst v63  }
0xe5: {  	_ =	swait.ge [sflag:s17], $0x4000  }
0xe6: {  	[sflag:s17] =	ssyncset.done $0x0  }
0xe7: {  	s25 =	sadd.s32 $0x2800, s25;
	[sflag:s17] =	ssyncadd.s32 $0xFFFFC000  }
0xe8: {  	[spmem:s2] =	stream.indirect.scatter.add.f32 [tilespmem:s19], [sflag:$0x1], $0x80, s25, s20, $0xb8;
	[tilespmem:$0x1D000] =	vst v63  }
0xe9: {  	_ =	swait.ge [sflag:s17], $0x4000  }
0xea: {  	[sflag:s17] =	ssyncset.done $0x0  }
0xeb: {  	s31 =	sshll.u32 s1, $0x6;
	[sflag:s17] =	ssyncadd.s32 $0xFFFFC000  }
0xec: {  	s26 =	sshrl.u32 s5, $0x3;
	s25 =	sor.u32 $0x1C01, s31;
	[bflag:$0x0] =	sbarrier.arrive $0xFFFF  }
0xed: {  	[hbm:s22], [sflag:s25] =	dma.local [spmem:s26], $0x2800  }
0xee: {  	_ =	swait.ge [sflag:s17], $0x2800  }
0xef: {  	[sflag:s17] =	ssyncset.done $0x0  }
0xf0: {  	[sflag:s17] =	ssyncadd.s32 $0xFFFFD800  }
0xf1: {  	s28 =	simm.s32 $0x0;
	s29 =	simm.s32 $0x200;
	[bflag:$0x0] =	sbarrier.arrive $0xFFFF  }
.LBB2_14:
0xf2: {  	p1 =	sne.s32 s29, $0xFE00;
	[tilespmem:s28+$0x5070] =	vst v0  }
0xf3: {  	[tilespmem:s28+$0x5000] =	vst v0  }
0xf4: {  	[tilespmem:s28+$0x5010] =	vst v0  }
.Ltmp10:
0xf5: {  	[tilespmem:s28+$0x5020] =	vst v0;
	(pc) =	sbr.rel @p1 .LBB2_14-.Ltmp10, $4  }
0xf6: {  	[tilespmem:s28+$0x5030] =	vst v0  }
0xf7: {  	[tilespmem:s28+$0x5040] =	vst v0  }
0xf8: {  	[tilespmem:s28+$0x5050] =	vst v0  }
0xf9: {  	[tilespmem:s28+$0x5060] =	vst v0;
	s28 =	sshra.s32 s29, $0x2;
	s29 =	sadd.s32 $0x200, s29  }
0xfa: {  	[tilespmem:s28+$0x5070] =	vst v0  }
0xfb: {  	[tilespmem:s28+$0x5000] =	vst v0  }
0xfc: {  	[tilespmem:s28+$0x5010] =	vst v0  }
0xfd: {  	[tilespmem:s28+$0x5020] =	vst v0  }
0xfe: {  	[tilespmem:s28+$0x5030] =	vst v0  }
0xff: {  	[tilespmem:s28+$0x5040] =	vst v0  }
0x100: {  	[tilespmem:s28+$0x5050] =	vst v0  }
0x101: {  	[tilespmem:s28+$0x5060] =	vst v0  }
0x102: {  	[spmem:s5] =	stream.linear.scatter [tilespmem:s19], [sflag:$0x1], $0x4000, $0x38;
	[tilespmem:$0x1D000] =	vst v63  }
0x103: {  	_ =	swait.ge [sflag:s17], $0x4000  }
0x104: {  	[sflag:s17] =	ssyncset.done $0x0  }
0x105: {  	[sflag:s17] =	ssyncadd.s32 $0xFFFFC000  }
0x106: {  	[spmem:s8] =	stream.linear.scatter [tilespmem:s19], [sflag:$0x1], $0x4000, $0x38;
	[tilespmem:$0x1D000] =	vst v63  }
0x107: {  	_ =	swait.ge [sflag:s17], $0x4000  }
0x108: {  	[sflag:s17] =	ssyncset.done $0x0  }
0x109: {  	[sflag:s17] =	ssyncadd.s32 $0xFFFFC000  }
0x10a: {  	[spmem:s9] =	stream.linear.scatter [tilespmem:s19], [sflag:$0x1], $0x4000, $0x38;
	[tilespmem:$0x1D000] =	vst v63  }
0x10b: {  	_ =	swait.ge [sflag:s17], $0x4000  }
0x10c: {  	[sflag:s17] =	ssyncset.done $0x0  }
0x10d: {  	[sflag:s17] =	ssyncadd.s32 $0xFFFFC000  }
0x10e: {  	[spmem:s10] =	stream.linear.scatter [tilespmem:s19], [sflag:$0x1], $0x4000, $0x38;
	[tilespmem:$0x1D000] =	vst v63  }
0x10f: {  	_ =	swait.ge [sflag:s17], $0x4000  }
0x110: {  	[sflag:s17] =	ssyncset.done $0x0  }
0x111: {  	[sflag:s17] =	ssyncadd.s32 $0xFFFFC000  }
0x112: {  	[spmem:s11] =	stream.linear.scatter [tilespmem:s19], [sflag:$0x1], $0x4000, $0x38;
	[tilespmem:$0x1D000] =	vst v63  }
0x113: {  	_ =	swait.ge [sflag:s17], $0x4000  }
0x114: {  	[sflag:s17] =	ssyncset.done $0x0  }
0x115: {  	[sflag:s17] =	ssyncadd.s32 $0xFFFFC000  }
0x116: {  	s28 =	simm.s32 $0x0;
	[bflag:$0x0] =	sbarrier.arrive $0xFFFF  }
0x117: {  	[tilespmem:s19], [sflag:$0x1] =	stream.indirect.gather [hbm4b:s15+s20], $0x80, s28, s20, $0xb8;
	[tilespmem:$0x1D000] =	vst v63  }
0x118: {  	_ =	swait.ge [sflag:s17], $0x4000  }
0x119: {  	[sflag:s17] =	ssyncset.done $0x0  }
0x11a: {  	s28 =	simm.s32 $0x2800;
	[sflag:s17] =	ssyncadd.s32 $0xFFFFC000  }
0x11b: {  	[spmem:s2] =	stream.indirect.scatter.add.f32 [tilespmem:s19], [sflag:$0x1], $0x80, s28, s20, $0xb8;
	[tilespmem:$0x1D000] =	vst v63  }
0x11c: {  	_ =	swait.ge [sflag:s17], $0x4000  }
0x11d: {  	s29 =	simm.s32 $0x400;
	s28 =	simm.s32 $0x200;
	[sflag:s17] =	ssyncset.done $0x0  }
.LBB2_16:
0x11e: {  	s30 =	sshra.s32 s28, $0x2  }
0x11f: {  	[sflag:s17] =	ssyncadd.s32 $0xFFFFC000;
	s28 =	smov.u32 s29;
	s31 =	sadd.s32 $0x200, s29  }
0x120: {  	[tilespmem:s19], [sflag:$0x1] =	stream.indirect.gather [hbm4b:s15+s20], $0x80, s30, s20, $0xb8;
	[tilespmem:$0x1D000] =	vst v63  }
0x121: {  	p1 =	sne.s32 s29, $0x9C00;
	_ =	swait.ge [sflag:s17], $0x4000  }
.Ltmp11:
0x122: {  	[sflag:s17] =	ssyncset.done $0x0;
	(pc) =	sbr.rel @p1 .LBB2_16-.Ltmp11, $4  }
0x123: {  	s29 =	sadd.s32 $0x2800, s30;
	[sflag:s17] =	ssyncadd.s32 $0xFFFFC000  }
0x124: {  	[spmem:s2] =	stream.indirect.scatter.add.f32 [tilespmem:s19], [sflag:$0x1], $0x80, s29, s20, $0xb8;
	[tilespmem:$0x1D000] =	vst v63  }
0x125: {  	_ =	swait.ge [sflag:s17], $0x4000  }
0x126: {  	s29 =	smov.u32 s31;
	[sflag:s17] =	ssyncset.done $0x0  }
.Ltmp12:
0x127: {  	_ = 	snop;
	(pc) =	sbr.rel .LBB2_17-.Ltmp12, $1  }
0x128: {  	_ =	sdelay $0x3  }
.LBB2_19:
0x129: {  	_ =	sfence.sel $0x180000  }
0x12a: {  	[bflag:$0x0] =	sbarrier.arrive $0xFFFF  }
0x12b: {  	p0 =	sne.s32 s1, $0x0;
	_ =	strace $0x9000004A  }
0x12c: {  	s0 =	sadd.s32 @!p0 $0x100000, s0;
	[bflag:$0x2] =	sbarrier.arrive $0xFFFF  }
0x12d: {  	[sflag:s0] =	ssyncadd.tile.s32 @!p0 $0x1;
	_ =	shalt  }
.Lfunc_end2:
_tile_overlayer_lowered:
.L_overlay_start_2:
0x12e: {  	(tag) =	ssettag $0x2  }
0x12f: {  	s0 =	rddreg [dreg:$0x0];
	s2 =	stileid.u32  }
0x130: {  	s1 =	rddreg [dreg:$0x1];
	p0 =	sne.s32 s2, $0x0  }
0x131: {  	s3 =	rddreg [dreg:$0x2];
	[bflag:$0x3] =	sbarrier.arrive $0xFFFF;
	s2 =	simm.s32 @!p0 $0x1C01  }
0x132: {  	[timem:s3], [sflag:s2] =	dma.local @!p0 [hbm:s0], s1  }
0x133: {  	s0 =	simm.s32 @!p0 $0x1  }
0x134: {  	_ =	swait.ge @!p0 [sflag:s0], s1  }
0x135: {  	s1 =	ssub.s32 @!p0 $0x0, s1;
	[sflag:s0] =	ssyncset.done @!p0 $0x0  }
0x136: {  	[sflag:s0] =	ssyncadd.s32 @!p0 s1  }
0x137: {  	[bflag:$0x3] =	sbarrier.arrive $0xFFFF  }
0x138: {  	_ =	shalt  }

// kernel: kernel.14.cloned.1.call-start
scs
__scs_entry_jumppad:
0x0: {  	(pc) =	sbr.rel $0x88, $3  }
0x1: {  	(tag) =	ssettag $0x0;
	lr =	simm.s32 $0x1  }
0x2: {  	[smem:$0x3F96] =	sst lr;
	_ =	strace $0xD0000000  }
0x3: {  	_ = 	snop  }
0x4: {  	_ = 	snop  }
0x5: {  	_ = 	snop  }
0x6: {  	_ = 	snop  }
0x7: {  	_ = 	snop  }
__scs_overlays_trampoline_lowered:
0x8: {  	[smem:$0x3FA5] =	sst s0  }
0x9: {  	[smem:$0x3FA6] =	sst s1  }
0xa: {  	[smem:$0x3FA7] =	sst s2  }
0xb: {  	[smem:$0x3FA8] =	sst s3  }
0xc: {  	[smem:$0x3FA9] =	sst s4  }
0xd: {  	[smem:$0x3FAA] =	sst s5  }
0xe: {  	[smem:$0x3FAB] =	sst s6  }
0xf: {  	[smem:$0x3FAC] =	sst s7  }
0x10: {  	[smem:$0x3FAD] =	sst s8  }
0x11: {  	[smem:$0x3FAE] =	sst s9;
	s0 =	simm.s32 @!p0 $0x0  }
0x12: {  	s1 =	sld [smem:$0x3F94];
	s0 =	simm.s32 @p0 $0x1  }
0x13: {  	[smem:$0x3FAF] =	sst s0;
	s0 =	simm.s32 @!p1 $0x0  }
0x14: {  	s2 =	sld [smem:$0x3F93];
	s0 =	simm.s32 @p1 $0x1  }
0x15: {  	[smem:$0x3FB0] =	sst s0;
	s0 =	simm.s32 @!p2 $0x0  }
0x16: {  	s3 =	sld [smem:$0x3FDB];
	s0 =	simm.s32 @p2 $0x1  }
0x17: {  	s4 =	simm.s32 $0x1BF5;
	[smem:$0x3FB2] =	sst s0  }
0x18: {  	s0 =	sld [smem:$0x3F95];
	_ =	swait.ge [sflag:s4], $0x0  }
0x19: {  	s7 =	sld [smem:$0x3F96]  }
0x1a: {  	s8 =	sadd.s32 $0xFFFFE003, lr  }
0x1b: {  	s9 =	sadd.s32 $0xFFFFFEF7, lr;
	s5 =	simm.s32 $0xFFFFFFFF;
	p2 =	slt.u32 s8, $0xFFFFF086  }
0x1c: {  	p1 =	slt.u32 s9, $0xF7A;
	s5 =	simm.s32 @!p2 $0x0  }
0x1d: {  	s5 =	simm.s32 @p1 $0x1;
	p0 =	seq.s32 s7, s2  }
0x1e: {  	s7 =	smul.u32 @!p0 $0xF7A, s2;
	p2 =	seq.s32 @!p0 s5, $0x0  }
0x1f: {  	s9 =	smul.u32 $0xF7A, s1;
	s8 =	simm.s32 @!p0 $0x1BF5;
	p2 =	por !p2, p0  }
0x20: {  	[sflag:s8] =	ssyncset.s32 @!p0 $0xFFFFF086;
	s6 =	sadd.s32 @!p0 s3, s7;
	s7 =	simm.s32 @!p0 $0x108  }
0x21: {  	s3 =	sadd.s32 s3, s9;
	s6 =	sadd.s32 @!p0 $0x88, s6;
	s7 =	simm.s32 @p2 $0x1082  }
0x22: {  	[simem:s7], [sflag:s8] =	dma.local @!p0 [hbm:s6], $0xF7A  }
0x23: {  	s9 =	sor.u32 $0xD0000000, s2;
	s6 =	simm.s32 $0x108;
	_ =	swait.ge @!p0 [sflag:s8], $0x0  }
0x24: {  	s3 =	sadd.s32 $0x88, s3;
	s6 =	simm.s32 @!p1 $0x1082;
	[sflag:s4] =	ssyncset.s32 $0xFFFFF086  }
0x25: {  	[simem:s6], [sflag:s4] =	dma.local [hbm:s3], $0xF7A  }
0x26: {  	[smem:$0x3F96] =	sst s1;
	(tag) =	ssettag s2;
	_ =	strace s9  }
0x27: {  	s1 =	sld [smem:$0x3FA6]  }
0x28: {  	s2 =	sld [smem:$0x3FA7]  }
0x29: {  	s4 =	sld [smem:$0x3FA9]  }
0x2a: {  	p0 =	seq.s32 s5, $0x0;
	s5 =	sld [smem:$0x3FAA]  }
0x2b: {  	s6 =	sld [smem:$0x3FAB]  }
0x2c: {  	s7 =	sld [smem:$0x3FAC]  }
0x2d: {  	s3 =	simm.s32 $0x108;
	s8 =	sld [smem:$0x3FAD]  }
0x2e: {  	s3 =	simm.s32 @!p0 $0x1082;
	s9 =	sld [smem:$0x3FAE]  }
0x2f: {  	lr =	sadd.s32 s0, s3;
	s0 =	sld [smem:$0x3FA5]  }
0x30: {  	s3 =	sld [smem:$0x3FA8]  }
0x31: {  	[smem:$0x3FB1] =	sst s10  }
0x32: {  	s10 =	sld [smem:$0x3FAF];
	_ =	sdelay $0x3  }
0x33: {  	p0 =	seq.s32 s10, $0x1;
	s10 =	sld [smem:$0x3FB1];
	_ =	sdelay $0x3  }
0x34: {  	[smem:$0x3FB1] =	sst s10  }
0x35: {  	s10 =	sld [smem:$0x3FB0];
	_ =	sdelay $0x3  }
0x36: {  	p1 =	seq.s32 s10, $0x1;
	s10 =	sld [smem:$0x3FB1];
	_ =	sdelay $0x3  }
0x37: {  	[smem:$0x3FB1] =	sst s10  }
0x38: {  	s10 =	sld [smem:$0x3FB2]  }
0x39: {  	_ = 	snop;
	(pc) =	sbr.ind lr, $3  }
0x3a: {  	_ = 	snop  }
0x3b: {  	_ = 	snop  }
0x3c: {  	p2 =	seq.s32 s10, $0x1;
	s10 =	sld [smem:$0x3FB1]  }
0x3d: {  	_ =	shalt  }
0x3e: {  	_ =	shalt  }
0x3f: {  	_ =	shalt  }
0x40: {  	_ =	shalt  }
0x41: {  	_ =	shalt  }
0x42: {  	_ =	shalt  }
0x43: {  	_ =	shalt  }
0x44: {  	_ =	shalt  }
0x45: {  	_ =	shalt  }
0x46: {  	_ =	shalt  }
0x47: {  	_ =	shalt  }
0x48: {  	_ =	shalt  }
0x49: {  	_ =	shalt  }
0x4a: {  	_ =	shalt  }
0x4b: {  	_ =	shalt  }
0x4c: {  	_ =	shalt  }
0x4d: {  	_ =	shalt  }
0x4e: {  	_ =	shalt  }
0x4f: {  	_ =	shalt  }
0x50: {  	_ =	shalt  }
0x51: {  	_ =	shalt  }
0x52: {  	_ =	shalt  }
0x53: {  	_ =	shalt  }
0x54: {  	_ =	shalt  }
0x55: {  	_ =	shalt  }
0x56: {  	_ =	shalt  }
0x57: {  	_ =	shalt  }
0x58: {  	_ =	shalt  }
0x59: {  	_ =	shalt  }
0x5a: {  	_ =	shalt  }
0x5b: {  	_ =	shalt  }
0x5c: {  	_ =	shalt  }
0x5d: {  	_ =	shalt  }
0x5e: {  	_ =	shalt  }
0x5f: {  	_ =	shalt  }
0x60: {  	_ =	shalt  }
0x61: {  	_ =	shalt  }
0x62: {  	_ =	shalt  }
0x63: {  	_ =	shalt  }
0x64: {  	_ =	shalt  }
0x65: {  	_ =	shalt  }
0x66: {  	_ =	shalt  }
0x67: {  	_ =	shalt  }
0x68: {  	_ =	shalt  }
0x69: {  	_ =	shalt  }
0x6a: {  	_ =	shalt  }
0x6b: {  	_ =	shalt  }
0x6c: {  	_ =	shalt  }
0x6d: {  	_ =	shalt  }
0x6e: {  	_ =	shalt  }
0x6f: {  	_ =	shalt  }
0x70: {  	_ =	shalt  }
0x71: {  	_ =	shalt  }
0x72: {  	_ =	shalt  }
0x73: {  	_ =	shalt  }
0x74: {  	_ =	shalt  }
0x75: {  	_ =	shalt  }
0x76: {  	_ =	shalt  }
0x77: {  	_ =	shalt  }
0x78: {  	_ =	shalt  }
0x79: {  	_ =	shalt  }
0x7a: {  	_ =	shalt  }
0x7b: {  	_ =	shalt  }
0x7c: {  	_ =	shalt  }
0x7d: {  	_ =	shalt  }
0x7e: {  	_ =	shalt  }
0x7f: {  	_ =	shalt  }
0x80: {  	_ =	shalt  }
0x81: {  	_ =	shalt  }
0x82: {  	_ =	shalt  }
0x83: {  	_ =	shalt  }
0x84: {  	_ =	shalt  }
0x85: {  	_ =	shalt  }
0x86: {  	_ =	shalt  }
0x87: {  	_ =	shalt  }
.Lfunc_end0:
.L_simem_size_0:
called_computation.2_lowered:
.L_overlay_start_0:
0x88: {  	s2 =	sld [smem:$0x3FD9]  }
0x89: {  	s3 =	sld [smem:$0x3FFE];
	_ =	sdelay $0x1  }
0x8a: {  	s1 =	srdreg.scid  }
0x8b: {  	s0 =	sand.u32 $0x1, s1  }
0x8c: {  	s17 =	sshll.u32 s0, $0xA;
	s2 =	sadd.s32 s3, s2  }
0x8d: {  	s2 =	sadd.s32 s2, s17  }
0x8e: {  	[smem:$0x3FBD] =	sst s2  }
0x8f: {  	_ = 	snop  }
0x90: {  	s2 =	sld [smem:$0x3FD0];
	(tm) =	ssettm $0x1  }
0x91: {  	s18 =	sld [smem:$0x3FFB];
	_ =	sdelay $0x3  }
0x92: {  	_ =	strace s18  }
0x93: {  	s3 =	sld [smem:$0x3FFC];
	_ =	sdelay $0x3  }
0x94: {  	_ =	strace s3  }
0x95: {  	s3 =	sld [smem:$0x3FFD];
	_ =	sdelay $0x3  }
0x96: {  	_ =	strace s3  }
0x97: {  	_ =	strace $0x8FFFFFFF  }
0x98: {  	s19 =	sld [smem:$0x3FDB];
	_ =	sdelay $0x1  }
0x99: {  	s4 =	simm.s32 $_scs_section_size  }
0x9a: {  	s5 =	simm.s32 $_size__tile_overlayer_lowered;
	s6 =	simm.s32 $_tile_overlayer_lowered  }
0x9b: {  	s22 =	simm.s32 $0x1BFF;
	s21 =	sshll.u32 s6, $0x1;
	s3 =	sadd.s32 s4, s19  }
0x9c: {  	s7 =	simm.s32 $0x0;
	s20 =	sshll.u32 s5, $0x1;
	s5 =	sadd.s32 s21, s3  }
0x9d: {  	[timem:s7], [sflag:s22] =	dma.local [hbm:s5], s20  }
0x9e: {  	_ =	swait.ge [sflag:s22], s20  }
0x9f: {  	s4 =	ssub.s32 $0x0, s20;
	[sflag:s22] =	ssyncset.done $0x0  }
0xa0: {  	[sflag:s22] =	ssyncadd.s32 s4;
	_ =	sdelay $0x1  }
0xa1: {  	s23 =	simm.s32 $0x1B8B  }
0xa2: {  	_ =	swait.ge [sflag:s23], $0x1  }
0xa3: {  	[sflag:s23] =	ssyncset.done $0x0  }
0xa4: {  	s25 =	simm.s32 $0x1B8E;
	s24 =	sld [smem:$0x3FFE];
	[sflag:s23] =	ssyncadd.s32 $0xFFFFFFFF  }
0xa5: {  	s26 =	simm.s32 $execute0_lowered;
	[smem:$0x3FD2] =	sst s25  }
0xa6: {  	s5 =	sshll.u32 s26, $0x1;
	_ =	strace $0x8000004C;
	[dreg:$0x1] =	wrdreg $0xFFFFFFFF  }
0xa7: {  	s28 =	simm.s32 $_size_execute0_lowered;
	s3 =	sadd.s32 s3, s5;
	[dreg:$0x0] =	wrdreg $0x0  }
0xa8: {  	s5 =	sshll.u32 s28, $0x1;
	[dreg:$0x2] =	wrdreg s3  }
0xa9: {  	[dreg:$0x3] =	wrdreg s5  }
0xaa: {  	[dreg:$0x4] =	wrdreg $0xC0  }
0xab: {  	_ =	task [dreg:s7], $0x5FFFF  }
0xac: {  	[dreg:$0x1] =	wrdreg $0xFFFFFFFF  }
0xad: {  	[dreg:$0x0] =	wrdreg $0x60  }
0xae: {  	[dreg:$0x2] =	wrdreg s2  }
0xaf: {  	[dreg:$0x3] =	wrdreg s24  }
0xb0: {  	[dreg:$0x4] =	wrdreg $0x90000  }
0xb1: {  	[dreg:$0x5] =	wrdreg $0x9  }
0xb2: {  	_ =	task.clear_ibuf [dreg:s7], $0x6FFFF;
	_ =	strace $0x9000004C  }
0xb3: {  	s29 =	simm.s32 $0x9;
	_ =	strace $0x8000004E  }
0xb4: {  	_ =	swait.ge [sflag:s29], $0x1  }
0xb5: {  	[sflag:s29] =	ssyncadd.s32 $0xFFFFFFFF  }
0xb6: {  	_ =	strace $0x9000004E  }
0xb7: {  	_ =	sfence  }
0xb8: {  	s30 =	sld [smem:$0x0];
	_ =	sdelay $0x2  }
0xb9: {  	s31 =	sshll.u32 s1, $0xD;
	s1 =	sshrl.u32 s1, $0x2  }
0xba: {  	s3 =	sand.u32 $0x4000, s31;
	s1 =	sadd.s32 s1, s30  }
0xbb: {  	s0 =	sor.u32 s3, s0;
	s1 =	sshll.u32 s1, $0x11  }
0xbc: {  	s0 =	sor.u32 s1, s0  }
0xbd: {  	s0 =	sadd.s32 $0x8F2B, s0  }
0xbe: {  	[sflag:s0] =	ssyncadd.remote.s32 $0x1  }
0xbf: {  	_ =	sfence.sel $0xFFFF  }
0xc0: {  	[dreg:$0x0] =	wrdreg $0xFFFFFFFF;
	(pc) =	sbr.abs _section_cstart, $3  }
0xc1: {  	[dreg:$0x1] =	wrdreg $0xFFFFFFFF  }
0xc2: {  	_ =	task.clear_ibuf [dreg:s7], $0x2FFFF;
	_ =	strace $0x9FFFFFFF  }
0xc3: {  	(tm) =	ssettm $0x7FFFFFFF  }
tec
execute0_lowered:
.L_overlay_start_1:
0x0: {  	(tag) =	ssettag $0x1  }
0x1: {  	s2 =	rddreg [dreg:$0x0]  }
0x2: {  	s14 =	rddreg [dreg:$0x1]  }
0x3: {  	s3 =	rddreg [dreg:$0x2];
	s1 =	stileid.u32  }
0x4: {  	s0 =	rddreg [dreg:$0x3];
	s4 =	simm.s32 $0x0;
	s6 =	srdreg.scid  }
0x5: {  	s16 =	simm.s32 $0x2800;
	s17 =	simm.s32 $0x5000;
	s5 =	smul.u32 $0x500, s1  }
0x6: {  	s18 =	simm.s32 $0x80;
	s19 =	smul.u32 $0x2800, s1;
	[smem:$0x7FF] =	sst s4  }
0x7: {  	s8 =	sand.u32 $0x1, s6;
	s30 =	smul.u32 $0x50000, s1;
	s13 =	sadd.s32 $0x27100, s2  }
0x8: {  	s20 =	sadd.s32 $0x148E00, s14;
	s21 =	sshll.u32 s1, $0x6;
	_ =	strace $0x8000004D  }
0x9: {  	s31 =	ssub.s32 $0x2, s8;
	p0 =	seq.s32 s8, $0x1;
	s7 =	sadd.s32 s5, s14  }
0xa: {  	s11 =	sadd.s32 s19, s14;
	s9 =	sshrl.u32 s31, $0x1;
	s6 =	sshrl.u32 s30, $0x2  }
.Ltmp0:
0xb: {  	s19 =	sadd.s32 s19, s20;
	s20 =	sor.u32 $0x1C01, s21;
	(pc) =	sbr.rel .LBB2_1-.Ltmp0, $4  }
0xc: {  	s21 =	simm.s32 $0x0;
	s15 =	ssub.s32 s31, s9;
	s5 =	sadd.s32 $0x7A00, s7  }
0xd: {  	s6 =	sadd.s32 s6, s3;
	s7 =	sadd.s32 $0x2A00, s7;
	s11 =	sadd.s32 $0x120E00, s11  }
0xe: {  	s8 =	sadd.s32 $0x4000, s6;
	s9 =	sadd.s32 $0x8000, s6;
	s10 =	sadd.s32 $0xC000, s6  }
0xf: {  	v0 =	vimm.f32 $0.0e+00;
	s12 =	sadd.s32 $0x10000, s6;
	s14 =	smax.u32 s15, $0x1;
	s15 =	simm.s32 $0x1  }
.LBB2_9:
0x10: {  	s22 =	sshra.s32 s22, $0x2;
	[sflag:s15] =	ssyncadd.s32 $0xFFFFC000  }
0x11: {  	[tilespmem:s17], [sflag:$0x1] =	stream.indirect.gather [hbm4b:s13+s18], $0x80, s22, s18, $0xb8;
	[tilespmem:$0x1D000] =	vst v63  }
0x12: {  	_ =	swait.ge [sflag:s15], $0x4000  }
0x13: {  	[sflag:s15] =	ssyncset.done $0x0  }
0x14: {  	s22 =	sadd.s32 $0x2800, s22;
	[sflag:s15] =	ssyncadd.s32 $0xFFFFC000  }
0x15: {  	[spmem:s3] =	stream.indirect.scatter.add.f32 [tilespmem:s17], [sflag:$0x1], $0x80, s22, s18, $0xb8;
	[tilespmem:$0x1D000] =	vst v63  }
0x16: {  	_ =	swait.ge [sflag:s15], $0x4000  }
0x17: {  	[sflag:s15] =	ssyncset.done $0x0  }
0x18: {  	[sflag:s15] =	ssyncadd.s32 $0xFFFFC000  }
0x19: {  	s22 =	smov.u32 s19;
	[bflag:$0x0] =	sbarrier.arrive $0xFFFF  }
.LBB2_10:
0x1a: {  	s23 =	sshrl.u32 s6, $0x3;
	s21 =	sadd.s32 $0x1, s21  }
0x1b: {  	[hbm:s22], [sflag:s20] =	dma.local [spmem:s23], $0x2800  }
0x1c: {  	p1 =	sne.s32 s21, s14  }
.Ltmp1:
0x1d: {  	_ =	swait.ge [sflag:s15], $0x2800;
	(pc) =	sbr.rel @!p1 .LBB2_11-.Ltmp1, $3  }
0x1e: {  	[sflag:s15] =	ssyncset.done $0x0  }
0x1f: {  	[sflag:s15] =	ssyncadd.s32 $0xFFFFD800  }
0x20: {  	[bflag:$0x0] =	sbarrier.arrive $0xFFFF;
	_ =	sdelay $0x1  }
.LBB2_1:
0x21: {  	[tilespmem:s4], [sflag:$0x1] =	stream.linear.gather [hbm4b:s5+s4], $0x2780, $0x38;
	[tilespmem:$0x1D000] =	vst v63  }
0x22: {  	_ =	swait.ge [sflag:s15], $0x2780  }
0x23: {  	[sflag:s15] =	ssyncset.done $0x0  }
.Ltmp2:
0x24: {  	[sflag:s15] =	ssyncadd.s32 $0xFFFFD880;
	(pc) =	sbr.rel @!p0 .LBB2_2-.Ltmp2, $4  }
0x25: {  	[tilespmem:s16], [sflag:$0x1] =	stream.linear.gather [hbm4b:s7+s4], $0x2780, $0x38;
	[tilespmem:$0x1D000] =	vst v63  }
0x26: {  	_ =	swait.ge [sflag:s15], $0x2780  }
0x27: {  	[sflag:s15] =	ssyncset.done $0x0  }
0x28: {  	s22 =	sshra.s32 s4, $0x2;
	s23 =	sadd.s32 $0x200, s4;
	[sflag:s15] =	ssyncadd.s32 $0xFFFFD880  }
.LBB2_6:
0x29: {  	p1 =	sne.s32 s23, $0xFE00;
	[tilespmem:s22+$0x5070] =	vst v0  }
0x2a: {  	[tilespmem:s22+$0x5000] =	vst v0  }
0x2b: {  	[tilespmem:s22+$0x5010] =	vst v0  }
.Ltmp3:
0x2c: {  	[tilespmem:s22+$0x5020] =	vst v0;
	(pc) =	sbr.rel @p1 .LBB2_6-.Ltmp3, $4  }
0x2d: {  	[tilespmem:s22+$0x5030] =	vst v0  }
0x2e: {  	[tilespmem:s22+$0x5040] =	vst v0  }
0x2f: {  	[tilespmem:s22+$0x5050] =	vst v0  }
0x30: {  	[tilespmem:s22+$0x5060] =	vst v0;
	s22 =	sshra.s32 s23, $0x2;
	s23 =	sadd.s32 $0x200, s23  }
0x31: {  	[tilespmem:s22+$0x5070] =	vst v0  }
0x32: {  	[tilespmem:s22+$0x5000] =	vst v0  }
0x33: {  	[tilespmem:s22+$0x5010] =	vst v0  }
0x34: {  	[tilespmem:s22+$0x5020] =	vst v0  }
0x35: {  	[tilespmem:s22+$0x5030] =	vst v0  }
0x36: {  	[tilespmem:s22+$0x5040] =	vst v0  }
0x37: {  	[tilespmem:s22+$0x5050] =	vst v0  }
0x38: {  	[tilespmem:s22+$0x5060] =	vst v0  }
0x39: {  	[spmem:s6] =	stream.linear.scatter [tilespmem:s17], [sflag:$0x1], $0x4000, $0x38;
	[tilespmem:$0x1D000] =	vst v63  }
0x3a: {  	_ =	swait.ge [sflag:s15], $0x4000  }
0x3b: {  	[sflag:s15] =	ssyncset.done $0x0  }
0x3c: {  	[sflag:s15] =	ssyncadd.s32 $0xFFFFC000  }
0x3d: {  	[spmem:s8] =	stream.linear.scatter [tilespmem:s17], [sflag:$0x1], $0x4000, $0x38;
	[tilespmem:$0x1D000] =	vst v63  }
0x3e: {  	_ =	swait.ge [sflag:s15], $0x4000  }
0x3f: {  	[sflag:s15] =	ssyncset.done $0x0  }
0x40: {  	[sflag:s15] =	ssyncadd.s32 $0xFFFFC000  }
0x41: {  	[spmem:s9] =	stream.linear.scatter [tilespmem:s17], [sflag:$0x1], $0x4000, $0x38;
	[tilespmem:$0x1D000] =	vst v63  }
0x42: {  	_ =	swait.ge [sflag:s15], $0x4000  }
0x43: {  	[sflag:s15] =	ssyncset.done $0x0  }
0x44: {  	[sflag:s15] =	ssyncadd.s32 $0xFFFFC000  }
0x45: {  	[spmem:s10] =	stream.linear.scatter [tilespmem:s17], [sflag:$0x1], $0x4000, $0x38;
	[tilespmem:$0x1D000] =	vst v63  }
0x46: {  	_ =	swait.ge [sflag:s15], $0x4000  }
0x47: {  	[sflag:s15] =	ssyncset.done $0x0  }
0x48: {  	[sflag:s15] =	ssyncadd.s32 $0xFFFFC000  }
0x49: {  	[spmem:s12] =	stream.linear.scatter [tilespmem:s17], [sflag:$0x1], $0x4000, $0x38;
	[tilespmem:$0x1D000] =	vst v63  }
0x4a: {  	_ =	swait.ge [sflag:s15], $0x4000  }
0x4b: {  	[sflag:s15] =	ssyncset.done $0x0  }
0x4c: {  	[sflag:s15] =	ssyncadd.s32 $0xFFFFC000  }
0x4d: {  	s30 =	simm.s32 $0x0;
	[bflag:$0x0] =	sbarrier.arrive $0xFFFF  }
0x4e: {  	[tilespmem:s17], [sflag:$0x1] =	stream.indirect.gather [hbm4b:s13+s18], $0x80, s30, s18, $0xb8;
	[tilespmem:$0x1D000] =	vst v63  }
0x4f: {  	_ =	swait.ge [sflag:s15], $0x4000  }
0x50: {  	[sflag:s15] =	ssyncset.done $0x0  }
0x51: {  	s31 =	simm.s32 $0x2800;
	[sflag:s15] =	ssyncadd.s32 $0xFFFFC000  }
0x52: {  	[spmem:s3] =	stream.indirect.scatter.add.f32 [tilespmem:s17], [sflag:$0x1], $0x80, s31, s18, $0xb8;
	[tilespmem:$0x1D000] =	vst v63  }
0x53: {  	_ =	swait.ge [sflag:s15], $0x4000  }
0x54: {  	s22 =	simm.s32 $0x200;
	s23 =	simm.s32 $0x400;
	[sflag:s15] =	ssyncset.done $0x0  }
.LBB2_8:
0x55: {  	s24 =	sshra.s32 s22, $0x2  }
0x56: {  	[sflag:s15] =	ssyncadd.s32 $0xFFFFC000;
	s22 =	smov.u32 s23;
	s25 =	sadd.s32 $0x200, s23  }
0x57: {  	[tilespmem:s17], [sflag:$0x1] =	stream.indirect.gather [hbm4b:s13+s18], $0x80, s24, s18, $0xb8;
	[tilespmem:$0x1D000] =	vst v63  }
0x58: {  	p1 =	sne.s32 s23, $0x9C00;
	_ =	swait.ge [sflag:s15], $0x4000  }
.Ltmp4:
0x59: {  	[sflag:s15] =	ssyncset.done $0x0;
	(pc) =	sbr.rel @p1 .LBB2_8-.Ltmp4, $4  }
0x5a: {  	s23 =	sadd.s32 $0x2800, s24;
	[sflag:s15] =	ssyncadd.s32 $0xFFFFC000  }
0x5b: {  	[spmem:s3] =	stream.indirect.scatter.add.f32 [tilespmem:s17], [sflag:$0x1], $0x80, s23, s18, $0xb8;
	[tilespmem:$0x1D000] =	vst v63  }
0x5c: {  	_ =	swait.ge [sflag:s15], $0x4000  }
0x5d: {  	s23 =	smov.u32 s25;
	[sflag:s15] =	ssyncset.done $0x0  }
.Ltmp5:
0x5e: {  	_ = 	snop;
	(pc) =	sbr.rel .LBB2_9-.Ltmp5, $1  }
0x5f: {  	_ =	sdelay $0x3  }
.LBB2_2:
0x60: {  	p1 =	sne.s32 s23, $0xFE00;
	[tilespmem:s22+$0x5070] =	vst v0  }
0x61: {  	[tilespmem:s22+$0x5000] =	vst v0  }
0x62: {  	[tilespmem:s22+$0x5010] =	vst v0  }
.Ltmp6:
0x63: {  	[tilespmem:s22+$0x5020] =	vst v0;
	(pc) =	sbr.rel @p1 .LBB2_2-.Ltmp6, $4  }
0x64: {  	[tilespmem:s22+$0x5030] =	vst v0  }
0x65: {  	[tilespmem:s22+$0x5040] =	vst v0  }
0x66: {  	[tilespmem:s22+$0x5050] =	vst v0  }
0x67: {  	[tilespmem:s22+$0x5060] =	vst v0;
	s22 =	sshra.s32 s23, $0x2;
	s23 =	sadd.s32 $0x200, s23  }
0x68: {  	[tilespmem:s22+$0x5070] =	vst v0  }
0x69: {  	[tilespmem:s22+$0x5000] =	vst v0  }
0x6a: {  	[tilespmem:s22+$0x5010] =	vst v0  }
0x6b: {  	[tilespmem:s22+$0x5020] =	vst v0  }
0x6c: {  	[tilespmem:s22+$0x5030] =	vst v0  }
0x6d: {  	[tilespmem:s22+$0x5040] =	vst v0  }
0x6e: {  	[tilespmem:s22+$0x5050] =	vst v0  }
0x6f: {  	[tilespmem:s22+$0x5060] =	vst v0  }
0x70: {  	[spmem:s6] =	stream.linear.scatter [tilespmem:s17], [sflag:$0x1], $0x4000, $0x38;
	[tilespmem:$0x1D000] =	vst v63  }
0x71: {  	_ =	swait.ge [sflag:s15], $0x4000  }
0x72: {  	[sflag:s15] =	ssyncset.done $0x0  }
0x73: {  	[sflag:s15] =	ssyncadd.s32 $0xFFFFC000  }
0x74: {  	[spmem:s8] =	stream.linear.scatter [tilespmem:s17], [sflag:$0x1], $0x4000, $0x38;
	[tilespmem:$0x1D000] =	vst v63  }
0x75: {  	_ =	swait.ge [sflag:s15], $0x4000  }
0x76: {  	[sflag:s15] =	ssyncset.done $0x0  }
0x77: {  	[sflag:s15] =	ssyncadd.s32 $0xFFFFC000  }
0x78: {  	[spmem:s9] =	stream.linear.scatter [tilespmem:s17], [sflag:$0x1], $0x4000, $0x38;
	[tilespmem:$0x1D000] =	vst v63  }
0x79: {  	_ =	swait.ge [sflag:s15], $0x4000  }
0x7a: {  	[sflag:s15] =	ssyncset.done $0x0  }
0x7b: {  	[sflag:s15] =	ssyncadd.s32 $0xFFFFC000  }
0x7c: {  	[spmem:s10] =	stream.linear.scatter [tilespmem:s17], [sflag:$0x1], $0x4000, $0x38;
	[tilespmem:$0x1D000] =	vst v63  }
0x7d: {  	_ =	swait.ge [sflag:s15], $0x4000  }
0x7e: {  	[sflag:s15] =	ssyncset.done $0x0  }
0x7f: {  	[sflag:s15] =	ssyncadd.s32 $0xFFFFC000  }
0x80: {  	[spmem:s12] =	stream.linear.scatter [tilespmem:s17], [sflag:$0x1], $0x4000, $0x38;
	[tilespmem:$0x1D000] =	vst v63  }
0x81: {  	_ =	swait.ge [sflag:s15], $0x4000  }
0x82: {  	[sflag:s15] =	ssyncset.done $0x0  }
0x83: {  	[sflag:s15] =	ssyncadd.s32 $0xFFFFC000  }
0x84: {  	s30 =	simm.s32 $0x0;
	[bflag:$0x0] =	sbarrier.arrive $0xFFFF  }
0x85: {  	[tilespmem:s17], [sflag:$0x1] =	stream.indirect.gather [hbm4b:s2+s18], $0x80, s30, s18, $0xb8;
	[tilespmem:$0x1D000] =	vst v63  }
0x86: {  	_ =	swait.ge [sflag:s15], $0x4000  }
0x87: {  	[sflag:s15] =	ssyncset.done $0x0  }
0x88: {  	s31 =	simm.s32 $0x2800;
	[sflag:s15] =	ssyncadd.s32 $0xFFFFC000  }
0x89: {  	[spmem:s3] =	stream.indirect.scatter.add.f32 [tilespmem:s17], [sflag:$0x1], $0x80, s31, s18, $0xb8;
	[tilespmem:$0x1D000] =	vst v63  }
0x8a: {  	_ =	swait.ge [sflag:s15], $0x4000  }
0x8b: {  	s22 =	simm.s32 $0x200;
	s23 =	simm.s32 $0x400;
	[sflag:s15] =	ssyncset.done $0x0  }
.LBB2_4:
0x8c: {  	s24 =	sshra.s32 s22, $0x2  }
0x8d: {  	[sflag:s15] =	ssyncadd.s32 $0xFFFFC000;
	s22 =	smov.u32 s23;
	s25 =	sadd.s32 $0x200, s23  }
0x8e: {  	[tilespmem:s17], [sflag:$0x1] =	stream.indirect.gather [hbm4b:s2+s18], $0x80, s24, s18, $0xb8;
	[tilespmem:$0x1D000] =	vst v63  }
0x8f: {  	p1 =	sne.s32 s23, $0x9C00;
	_ =	swait.ge [sflag:s15], $0x4000  }
.Ltmp7:
0x90: {  	[sflag:s15] =	ssyncset.done $0x0;
	(pc) =	sbr.rel @p1 .LBB2_4-.Ltmp7, $4  }
0x91: {  	s23 =	sadd.s32 $0x2800, s24;
	[sflag:s15] =	ssyncadd.s32 $0xFFFFC000  }
0x92: {  	[spmem:s3] =	stream.indirect.scatter.add.f32 [tilespmem:s17], [sflag:$0x1], $0x80, s23, s18, $0xb8;
	[tilespmem:$0x1D000] =	vst v63  }
0x93: {  	_ =	swait.ge [sflag:s15], $0x4000  }
0x94: {  	s23 =	smov.u32 s25;
	[sflag:s15] =	ssyncset.done $0x0  }
0x95: {  	s22 =	sshra.s32 s22, $0x2;
	[sflag:s15] =	ssyncadd.s32 $0xFFFFC000  }
0x96: {  	[tilespmem:s17], [sflag:$0x1] =	stream.indirect.gather [hbm4b:s2+s18], $0x80, s22, s18, $0xb8;
	[tilespmem:$0x1D000] =	vst v63  }
0x97: {  	_ =	swait.ge [sflag:s15], $0x4000  }
0x98: {  	[sflag:s15] =	ssyncset.done $0x0  }
0x99: {  	s22 =	sadd.s32 $0x2800, s22;
	[sflag:s15] =	ssyncadd.s32 $0xFFFFC000  }
0x9a: {  	[spmem:s3] =	stream.indirect.scatter.add.f32 [tilespmem:s17], [sflag:$0x1], $0x80, s22, s18, $0xb8;
	[tilespmem:$0x1D000] =	vst v63  }
.Ltmp8:
0x9b: {  	_ =	swait.ge [sflag:s15], $0x4000;
	(pc) =	sbr.rel .LBB2_10-.Ltmp8, $4  }
0x9c: {  	[sflag:s15] =	ssyncset.done $0x0  }
0x9d: {  	[sflag:s15] =	ssyncadd.s32 $0xFFFFC000  }
0x9e: {  	[bflag:$0x0] =	sbarrier.arrive $0xFFFF  }
0x9f: {  	s22 =	smov.u32 s11  }
.LBB2_11:
0xa0: {  	_ =	sfence.sel $0x180000  }
0xa1: {  	[bflag:$0x0] =	sbarrier.arrive $0xFFFF  }
0xa2: {  	p0 =	sne.s32 s1, $0x0;
	_ =	strace $0x9000004D  }
0xa3: {  	s0 =	sadd.s32 @!p0 $0x100000, s0;
	[bflag:$0x2] =	sbarrier.arrive $0xFFFF  }
0xa4: {  	[sflag:s0] =	ssyncadd.tile.s32 @!p0 $0x1;
	_ =	shalt  }
.Lfunc_end2:
_tile_overlayer_lowered:
.L_overlay_start_2:
0xa5: {  	(tag) =	ssettag $0x2  }
0xa6: {  	s0 =	rddreg [dreg:$0x0];
	s2 =	stileid.u32  }
0xa7: {  	s1 =	rddreg [dreg:$0x1];
	p0 =	sne.s32 s2, $0x0  }
0xa8: {  	s3 =	rddreg [dreg:$0x2];
	[bflag:$0x3] =	sbarrier.arrive $0xFFFF;
	s2 =	simm.s32 @!p0 $0x1C01  }
0xa9: {  	[timem:s3], [sflag:s2] =	dma.local @!p0 [hbm:s0], s1  }
0xaa: {  	s0 =	simm.s32 @!p0 $0x1  }
0xab: {  	_ =	swait.ge @!p0 [sflag:s0], s1  }
0xac: {  	s1 =	ssub.s32 @!p0 $0x0, s1;
	[sflag:s0] =	ssyncset.done @!p0 $0x0  }
0xad: {  	[sflag:s0] =	ssyncadd.s32 @!p0 s1  }
0xae: {  	[bflag:$0x3] =	sbarrier.arrive $0xFFFF  }
0xaf: {  	_ =	shalt  }

// kernel: kernel.8.cloned.1.call-start
scs
__scs_entry_jumppad:
0x0: {  	(pc) =	sbr.rel $0x88, $3  }
0x1: {  	(tag) =	ssettag $0x0;
	lr =	simm.s32 $0x1  }
0x2: {  	[smem:$0x3F96] =	sst lr;
	_ =	strace $0xD0000000  }
0x3: {  	_ = 	snop  }
0x4: {  	_ = 	snop  }
0x5: {  	_ = 	snop  }
0x6: {  	_ = 	snop  }
0x7: {  	_ = 	snop  }
__scs_overlays_trampoline_lowered:
0x8: {  	[smem:$0x3FA5] =	sst s0  }
0x9: {  	[smem:$0x3FA6] =	sst s1  }
0xa: {  	[smem:$0x3FA7] =	sst s2  }
0xb: {  	[smem:$0x3FA8] =	sst s3  }
0xc: {  	[smem:$0x3FA9] =	sst s4  }
0xd: {  	[smem:$0x3FAA] =	sst s5  }
0xe: {  	[smem:$0x3FAB] =	sst s6  }
0xf: {  	[smem:$0x3FAC] =	sst s7  }
0x10: {  	[smem:$0x3FAD] =	sst s8  }
0x11: {  	[smem:$0x3FAE] =	sst s9;
	s0 =	simm.s32 @!p0 $0x0  }
0x12: {  	s1 =	sld [smem:$0x3F94];
	s0 =	simm.s32 @p0 $0x1  }
0x13: {  	[smem:$0x3FAF] =	sst s0;
	s0 =	simm.s32 @!p1 $0x0  }
0x14: {  	s2 =	sld [smem:$0x3F93];
	s0 =	simm.s32 @p1 $0x1  }
0x15: {  	[smem:$0x3FB0] =	sst s0;
	s0 =	simm.s32 @!p2 $0x0  }
0x16: {  	s3 =	sld [smem:$0x3FDB];
	s0 =	simm.s32 @p2 $0x1  }
0x17: {  	s4 =	simm.s32 $0x1BF5;
	[smem:$0x3FB2] =	sst s0  }
0x18: {  	s0 =	sld [smem:$0x3F95];
	_ =	swait.ge [sflag:s4], $0x0  }
0x19: {  	s7 =	sld [smem:$0x3F96]  }
0x1a: {  	s8 =	sadd.s32 $0xFFFFE003, lr  }
0x1b: {  	s9 =	sadd.s32 $0xFFFFFEF7, lr;
	s5 =	simm.s32 $0xFFFFFFFF;
	p2 =	slt.u32 s8, $0xFFFFF086  }
0x1c: {  	p1 =	slt.u32 s9, $0xF7A;
	s5 =	simm.s32 @!p2 $0x0  }
0x1d: {  	s5 =	simm.s32 @p1 $0x1;
	p0 =	seq.s32 s7, s2  }
0x1e: {  	s7 =	smul.u32 @!p0 $0xF7A, s2;
	p2 =	seq.s32 @!p0 s5, $0x0  }
0x1f: {  	s9 =	smul.u32 $0xF7A, s1;
	s8 =	simm.s32 @!p0 $0x1BF5;
	p2 =	por !p2, p0  }
0x20: {  	[sflag:s8] =	ssyncset.s32 @!p0 $0xFFFFF086;
	s6 =	sadd.s32 @!p0 s3, s7;
	s7 =	simm.s32 @!p0 $0x108  }
0x21: {  	s3 =	sadd.s32 s3, s9;
	s6 =	sadd.s32 @!p0 $0x88, s6;
	s7 =	simm.s32 @p2 $0x1082  }
0x22: {  	[simem:s7], [sflag:s8] =	dma.local @!p0 [hbm:s6], $0xF7A  }
0x23: {  	s9 =	sor.u32 $0xD0000000, s2;
	s6 =	simm.s32 $0x108;
	_ =	swait.ge @!p0 [sflag:s8], $0x0  }
0x24: {  	s3 =	sadd.s32 $0x88, s3;
	s6 =	simm.s32 @!p1 $0x1082;
	[sflag:s4] =	ssyncset.s32 $0xFFFFF086  }
0x25: {  	[simem:s6], [sflag:s4] =	dma.local [hbm:s3], $0xF7A  }
0x26: {  	[smem:$0x3F96] =	sst s1;
	(tag) =	ssettag s2;
	_ =	strace s9  }
0x27: {  	s1 =	sld [smem:$0x3FA6]  }
0x28: {  	s2 =	sld [smem:$0x3FA7]  }
0x29: {  	s4 =	sld [smem:$0x3FA9]  }
0x2a: {  	p0 =	seq.s32 s5, $0x0;
	s5 =	sld [smem:$0x3FAA]  }
0x2b: {  	s6 =	sld [smem:$0x3FAB]  }
0x2c: {  	s7 =	sld [smem:$0x3FAC]  }
0x2d: {  	s3 =	simm.s32 $0x108;
	s8 =	sld [smem:$0x3FAD]  }
0x2e: {  	s3 =	simm.s32 @!p0 $0x1082;
	s9 =	sld [smem:$0x3FAE]  }
0x2f: {  	lr =	sadd.s32 s0, s3;
	s0 =	sld [smem:$0x3FA5]  }
0x30: {  	s3 =	sld [smem:$0x3FA8]  }
0x31: {  	[smem:$0x3FB1] =	sst s10  }
0x32: {  	s10 =	sld [smem:$0x3FAF];
	_ =	sdelay $0x3  }
0x33: {  	p0 =	seq.s32 s10, $0x1;
	s10 =	sld [smem:$0x3FB1];
	_ =	sdelay $0x3  }
0x34: {  	[smem:$0x3FB1] =	sst s10  }
0x35: {  	s10 =	sld [smem:$0x3FB0];
	_ =	sdelay $0x3  }
0x36: {  	p1 =	seq.s32 s10, $0x1;
	s10 =	sld [smem:$0x3FB1];
	_ =	sdelay $0x3  }
0x37: {  	[smem:$0x3FB1] =	sst s10  }
0x38: {  	s10 =	sld [smem:$0x3FB2]  }
0x39: {  	_ = 	snop;
	(pc) =	sbr.ind lr, $3  }
0x3a: {  	_ = 	snop  }
0x3b: {  	_ = 	snop  }
0x3c: {  	p2 =	seq.s32 s10, $0x1;
	s10 =	sld [smem:$0x3FB1]  }
0x3d: {  	_ =	shalt  }
0x3e: {  	_ =	shalt  }
0x3f: {  	_ =	shalt  }
0x40: {  	_ =	shalt  }
0x41: {  	_ =	shalt  }
0x42: {  	_ =	shalt  }
0x43: {  	_ =	shalt  }
0x44: {  	_ =	shalt  }
0x45: {  	_ =	shalt  }
0x46: {  	_ =	shalt  }
0x47: {  	_ =	shalt  }
0x48: {  	_ =	shalt  }
0x49: {  	_ =	shalt  }
0x4a: {  	_ =	shalt  }
0x4b: {  	_ =	shalt  }
0x4c: {  	_ =	shalt  }
0x4d: {  	_ =	shalt  }
0x4e: {  	_ =	shalt  }
0x4f: {  	_ =	shalt  }
0x50: {  	_ =	shalt  }
0x51: {  	_ =	shalt  }
0x52: {  	_ =	shalt  }
0x53: {  	_ =	shalt  }
0x54: {  	_ =	shalt  }
0x55: {  	_ =	shalt  }
0x56: {  	_ =	shalt  }
0x57: {  	_ =	shalt  }
0x58: {  	_ =	shalt  }
0x59: {  	_ =	shalt  }
0x5a: {  	_ =	shalt  }
0x5b: {  	_ =	shalt  }
0x5c: {  	_ =	shalt  }
0x5d: {  	_ =	shalt  }
0x5e: {  	_ =	shalt  }
0x5f: {  	_ =	shalt  }
0x60: {  	_ =	shalt  }
0x61: {  	_ =	shalt  }
0x62: {  	_ =	shalt  }
0x63: {  	_ =	shalt  }
0x64: {  	_ =	shalt  }
0x65: {  	_ =	shalt  }
0x66: {  	_ =	shalt  }
0x67: {  	_ =	shalt  }
0x68: {  	_ =	shalt  }
0x69: {  	_ =	shalt  }
0x6a: {  	_ =	shalt  }
0x6b: {  	_ =	shalt  }
0x6c: {  	_ =	shalt  }
0x6d: {  	_ =	shalt  }
0x6e: {  	_ =	shalt  }
0x6f: {  	_ =	shalt  }
0x70: {  	_ =	shalt  }
0x71: {  	_ =	shalt  }
0x72: {  	_ =	shalt  }
0x73: {  	_ =	shalt  }
0x74: {  	_ =	shalt  }
0x75: {  	_ =	shalt  }
0x76: {  	_ =	shalt  }
0x77: {  	_ =	shalt  }
0x78: {  	_ =	shalt  }
0x79: {  	_ =	shalt  }
0x7a: {  	_ =	shalt  }
0x7b: {  	_ =	shalt  }
0x7c: {  	_ =	shalt  }
0x7d: {  	_ =	shalt  }
0x7e: {  	_ =	shalt  }
0x7f: {  	_ =	shalt  }
0x80: {  	_ =	shalt  }
0x81: {  	_ =	shalt  }
0x82: {  	_ =	shalt  }
0x83: {  	_ =	shalt  }
0x84: {  	_ =	shalt  }
0x85: {  	_ =	shalt  }
0x86: {  	_ =	shalt  }
0x87: {  	_ =	shalt  }
.Lfunc_end0:
.L_simem_size_0:
called_computation_lowered:
.L_overlay_start_0:
0x88: {  	s2 =	sld [smem:$0x3FD9]  }
0x89: {  	s3 =	sld [smem:$0x3FFE];
	_ =	sdelay $0x1  }
0x8a: {  	s1 =	srdreg.scid  }
0x8b: {  	s0 =	sand.u32 $0x1, s1  }
0x8c: {  	s17 =	sshll.u32 s0, $0xA;
	s2 =	sadd.s32 s3, s2  }
0x8d: {  	s2 =	sadd.s32 s2, s17  }
0x8e: {  	[smem:$0x3FBD] =	sst s2  }
0x8f: {  	_ = 	snop  }
0x90: {  	s2 =	sld [smem:$0x3FD0];
	(tm) =	ssettm $0x1  }
0x91: {  	s18 =	sld [smem:$0x3FFB];
	_ =	sdelay $0x3  }
0x92: {  	_ =	strace s18  }
0x93: {  	s3 =	sld [smem:$0x3FFC];
	_ =	sdelay $0x3  }
0x94: {  	_ =	strace s3  }
0x95: {  	s3 =	sld [smem:$0x3FFD];
	_ =	sdelay $0x3  }
0x96: {  	_ =	strace s3  }
0x97: {  	_ =	strace $0x8FFFFFFF  }
0x98: {  	s19 =	sld [smem:$0x3FDB];
	_ =	sdelay $0x1  }
0x99: {  	s4 =	simm.s32 $_scs_section_size  }
0x9a: {  	s5 =	simm.s32 $_size__tile_overlayer_lowered;
	s6 =	simm.s32 $_tile_overlayer_lowered  }
0x9b: {  	s22 =	simm.s32 $0x1BFF;
	s21 =	sshll.u32 s6, $0x1;
	s3 =	sadd.s32 s4, s19  }
0x9c: {  	s7 =	simm.s32 $0x0;
	s20 =	sshll.u32 s5, $0x1;
	s5 =	sadd.s32 s21, s3  }
0x9d: {  	[timem:s7], [sflag:s22] =	dma.local [hbm:s5], s20  }
0x9e: {  	_ =	swait.ge [sflag:s22], s20  }
0x9f: {  	s4 =	ssub.s32 $0x0, s20;
	[sflag:s22] =	ssyncset.done $0x0  }
0xa0: {  	[sflag:s22] =	ssyncadd.s32 s4;
	_ =	sdelay $0x1  }
0xa1: {  	s23 =	simm.s32 $0x1B8B  }
0xa2: {  	_ =	swait.ge [sflag:s23], $0x1  }
0xa3: {  	[sflag:s23] =	ssyncset.done $0x0  }
0xa4: {  	s25 =	simm.s32 $0x1B8E;
	s24 =	sld [smem:$0x3FFE];
	[sflag:s23] =	ssyncadd.s32 $0xFFFFFFFF  }
0xa5: {  	s26 =	simm.s32 $execute0_lowered;
	[smem:$0x3FD2] =	sst s25  }
0xa6: {  	s5 =	sshll.u32 s26, $0x1;
	_ =	strace $0x80000046;
	[dreg:$0x1] =	wrdreg $0xFFFFFFFF  }
0xa7: {  	s28 =	simm.s32 $_size_execute0_lowered;
	s3 =	sadd.s32 s3, s5;
	[dreg:$0x0] =	wrdreg $0x0  }
0xa8: {  	s5 =	sshll.u32 s28, $0x1;
	[dreg:$0x2] =	wrdreg s3  }
0xa9: {  	[dreg:$0x3] =	wrdreg s5  }
0xaa: {  	[dreg:$0x4] =	wrdreg $0xC0  }
0xab: {  	_ =	task [dreg:s7], $0x5FFFF  }
0xac: {  	[dreg:$0x1] =	wrdreg $0xFFFFFFFF  }
0xad: {  	[dreg:$0x0] =	wrdreg $0x60  }
0xae: {  	[dreg:$0x2] =	wrdreg s2  }
0xaf: {  	[dreg:$0x3] =	wrdreg s24  }
0xb0: {  	[dreg:$0x4] =	wrdreg $0x90000  }
0xb1: {  	[dreg:$0x5] =	wrdreg $0x9  }
0xb2: {  	_ =	task.clear_ibuf [dreg:s7], $0x6FFFF;
	_ =	strace $0x90000046  }
0xb3: {  	s29 =	simm.s32 $0x9;
	_ =	strace $0x80000048  }
0xb4: {  	_ =	swait.ge [sflag:s29], $0x1  }
0xb5: {  	[sflag:s29] =	ssyncadd.s32 $0xFFFFFFFF  }
0xb6: {  	_ =	strace $0x90000048  }
0xb7: {  	_ =	sfence  }
0xb8: {  	s30 =	sld [smem:$0x0];
	_ =	sdelay $0x2  }
0xb9: {  	s31 =	sshll.u32 s1, $0xD;
	s1 =	sshrl.u32 s1, $0x2  }
0xba: {  	s3 =	sand.u32 $0x4000, s31;
	s1 =	sadd.s32 s1, s30  }
0xbb: {  	s0 =	sor.u32 s3, s0;
	s1 =	sshll.u32 s1, $0x11  }
0xbc: {  	s0 =	sor.u32 s1, s0  }
0xbd: {  	s0 =	sadd.s32 $0x8F2B, s0  }
0xbe: {  	[sflag:s0] =	ssyncadd.remote.s32 $0x1  }
0xbf: {  	_ =	sfence.sel $0xFFFF  }
0xc0: {  	[dreg:$0x0] =	wrdreg $0xFFFFFFFF;
	(pc) =	sbr.abs _section_cstart, $3  }
0xc1: {  	[dreg:$0x1] =	wrdreg $0xFFFFFFFF  }
0xc2: {  	_ =	task.clear_ibuf [dreg:s7], $0x2FFFF;
	_ =	strace $0x9FFFFFFF  }
0xc3: {  	(tm) =	ssettm $0x7FFFFFFF  }
tec
execute0_lowered:
.L_overlay_start_1:
0x0: {  	(tag) =	ssettag $0x1  }
0x1: {  	s2 =	rddreg [dreg:$0x0]  }
0x2: {  	s14 =	rddreg [dreg:$0x1]  }
0x3: {  	s3 =	rddreg [dreg:$0x2];
	s1 =	stileid.u32  }
0x4: {  	s0 =	rddreg [dreg:$0x3];
	s4 =	simm.s32 $0x0;
	s6 =	srdreg.scid  }
0x5: {  	s17 =	simm.s32 $0x5000;
	s18 =	simm.s32 $0x80;
	s5 =	smul.u32 $0x500, s1  }
0x6: {  	s20 =	smul.u32 $0x2800, s1;
	[smem:$0x7FF] =	sst s4;
	s15 =	sand.u32 $0x1, s6  }
0x7: {  	s30 =	smul.u32 $0x50000, s1;
	s12 =	sadd.s32 $0x27100, s2;
	s21 =	sadd.s32 $0x34A00, s14  }
0x8: {  	s19 =	sadd.s32 $0x5CA00, s14;
	_ =	strace $0x80000047;
	s31 =	ssub.s32 $0x2, s15  }
0x9: {  	p0 =	sne.s32 s15, $0x0;
	s15 =	simm.s32 $0x1;
	s7 =	sadd.s32 s5, s14  }
0xa: {  	s13 =	sadd.s32 s20, s14;
	s8 =	sshrl.u32 s31, $0x1;
	s6 =	sshrl.u32 s30, $0x2  }
.Ltmp0:
0xb: {  	s19 =	sadd.s32 s20, s19;
	s20 =	sadd.s32 s20, s21;
	(pc) =	sbr.rel .LBB2_1-.Ltmp0, $4  }
0xc: {  	s21 =	simm.s32 $0x0;
	s16 =	ssub.s32 s31, s8;
	s5 =	sadd.s32 $0x7A00, s7  }
0xd: {  	s6 =	sadd.s32 s6, s3;
	s7 =	sadd.s32 $0x2A00, s7;
	s13 =	sadd.s32 $0xCA00, s13  }
0xe: {  	s8 =	sadd.s32 $0x4000, s6;
	s9 =	sadd.s32 $0x8000, s6;
	s10 =	sadd.s32 $0xC000, s6  }
0xf: {  	v0 =	vimm.f32 $0.0e+00;
	v1 =	vimm.f32 $1.000000000e+00;
	s11 =	sadd.s32 $0x10000, s6;
	s14 =	smax.u32 s16, $0x1;
	s16 =	simm.s32 $0x2800  }
.LBB2_15:
0x10: {  	s22 =	sshra.s32 s22, $0x2;
	[sflag:s15] =	ssyncadd.s32 $0xFFFFC000  }
0x11: {  	[tilespmem:s17], [sflag:$0x1] =	stream.indirect.gather [hbm4b:s12+s18], $0x80, s22, s18, $0xb8;
	[tilespmem:$0x1D000] =	vst v63  }
0x12: {  	_ =	swait.ge [sflag:s15], $0x4000  }
0x13: {  	[sflag:s15] =	ssyncset.done $0x0  }
0x14: {  	s22 =	sadd.s32 $0x2800, s22;
	[sflag:s15] =	ssyncadd.s32 $0xFFFFC000  }
0x15: {  	[spmem:s3] =	stream.indirect.scatter.add.f32 [tilespmem:s17], [sflag:$0x1], $0x80, s22, s18, $0xb8;
	[tilespmem:$0x1D000] =	vst v63  }
0x16: {  	_ =	swait.ge [sflag:s15], $0x4000  }
0x17: {  	[sflag:s15] =	ssyncset.done $0x0  }
0x18: {  	s31 =	sshll.u32 s1, $0x6;
	[sflag:s15] =	ssyncadd.s32 $0xFFFFC000  }
0x19: {  	s23 =	sshrl.u32 s6, $0x3;
	s22 =	sor.u32 $0x1C01, s31;
	[bflag:$0x0] =	sbarrier.arrive $0xFFFF  }
0x1a: {  	[hbm:s20], [sflag:s22] =	dma.local [spmem:s23], $0x2800  }
.LBB2_16:
0x1b: {  	s21 =	sadd.s32 $0x1, s21  }
0x1c: {  	p1 =	sne.s32 s21, s14  }
.Ltmp1:
0x1d: {  	_ =	swait.ge [sflag:s15], $0x2800;
	(pc) =	sbr.rel @!p1 .LBB2_17-.Ltmp1, $3  }
0x1e: {  	[sflag:s15] =	ssyncset.done $0x0  }
0x1f: {  	[sflag:s15] =	ssyncadd.s32 $0xFFFFD800  }
0x20: {  	[bflag:$0x0] =	sbarrier.arrive $0xFFFF;
	_ =	sdelay $0x1  }
.LBB2_1:
0x21: {  	[tilespmem:s4], [sflag:$0x1] =	stream.linear.gather [hbm4b:s5+s4], $0x2780, $0x38;
	[tilespmem:$0x1D000] =	vst v63  }
0x22: {  	_ =	swait.ge [sflag:s15], $0x2780  }
0x23: {  	[sflag:s15] =	ssyncset.done $0x0  }
.Ltmp2:
0x24: {  	[sflag:s15] =	ssyncadd.s32 $0xFFFFD880;
	(pc) =	sbr.rel @p0 .LBB2_12-.Ltmp2, $4  }
0x25: {  	[tilespmem:s16], [sflag:$0x1] =	stream.linear.gather [hbm4b:s7+s4], $0x2780, $0x38;
	[tilespmem:$0x1D000] =	vst v63  }
0x26: {  	_ =	swait.ge [sflag:s15], $0x2780  }
0x27: {  	[sflag:s15] =	ssyncset.done $0x0  }
0x28: {  	s22 =	sshra.s32 s4, $0x2;
	s23 =	sadd.s32 $0x200, s4;
	[sflag:s15] =	ssyncadd.s32 $0xFFFFD880  }
.LBB2_2:
0x29: {  	p1 =	sne.s32 s23, $0xFE00;
	[tilespmem:s22+$0x5070] =	vst v0  }
0x2a: {  	[tilespmem:s22+$0x5000] =	vst v0  }
0x2b: {  	[tilespmem:s22+$0x5010] =	vst v0  }
.Ltmp3:
0x2c: {  	[tilespmem:s22+$0x5020] =	vst v0;
	(pc) =	sbr.rel @p1 .LBB2_2-.Ltmp3, $4  }
0x2d: {  	[tilespmem:s22+$0x5030] =	vst v0  }
0x2e: {  	[tilespmem:s22+$0x5040] =	vst v0  }
0x2f: {  	[tilespmem:s22+$0x5050] =	vst v0  }
0x30: {  	[tilespmem:s22+$0x5060] =	vst v0;
	s22 =	sshra.s32 s23, $0x2;
	s23 =	sadd.s32 $0x200, s23  }
0x31: {  	[tilespmem:s22+$0x5070] =	vst v0  }
0x32: {  	[tilespmem:s22+$0x5000] =	vst v0  }
0x33: {  	[tilespmem:s22+$0x5010] =	vst v0  }
0x34: {  	[tilespmem:s22+$0x5020] =	vst v0  }
0x35: {  	[tilespmem:s22+$0x5030] =	vst v0  }
0x36: {  	[tilespmem:s22+$0x5040] =	vst v0  }
0x37: {  	[tilespmem:s22+$0x5050] =	vst v0  }
0x38: {  	[tilespmem:s22+$0x5060] =	vst v0  }
0x39: {  	[spmem:s6] =	stream.linear.scatter [tilespmem:s17], [sflag:$0x1], $0x4000, $0x38;
	[tilespmem:$0x1D000] =	vst v63  }
0x3a: {  	_ =	swait.ge [sflag:s15], $0x4000  }
0x3b: {  	[sflag:s15] =	ssyncset.done $0x0  }
0x3c: {  	[sflag:s15] =	ssyncadd.s32 $0xFFFFC000  }
0x3d: {  	[spmem:s8] =	stream.linear.scatter [tilespmem:s17], [sflag:$0x1], $0x4000, $0x38;
	[tilespmem:$0x1D000] =	vst v63  }
0x3e: {  	_ =	swait.ge [sflag:s15], $0x4000  }
0x3f: {  	[sflag:s15] =	ssyncset.done $0x0  }
0x40: {  	[sflag:s15] =	ssyncadd.s32 $0xFFFFC000  }
0x41: {  	[spmem:s9] =	stream.linear.scatter [tilespmem:s17], [sflag:$0x1], $0x4000, $0x38;
	[tilespmem:$0x1D000] =	vst v63  }
0x42: {  	_ =	swait.ge [sflag:s15], $0x4000  }
0x43: {  	[sflag:s15] =	ssyncset.done $0x0  }
0x44: {  	[sflag:s15] =	ssyncadd.s32 $0xFFFFC000  }
0x45: {  	[spmem:s10] =	stream.linear.scatter [tilespmem:s17], [sflag:$0x1], $0x4000, $0x38;
	[tilespmem:$0x1D000] =	vst v63  }
0x46: {  	_ =	swait.ge [sflag:s15], $0x4000  }
0x47: {  	[sflag:s15] =	ssyncset.done $0x0  }
0x48: {  	[sflag:s15] =	ssyncadd.s32 $0xFFFFC000  }
0x49: {  	[spmem:s11] =	stream.linear.scatter [tilespmem:s17], [sflag:$0x1], $0x4000, $0x38;
	[tilespmem:$0x1D000] =	vst v63  }
0x4a: {  	_ =	swait.ge [sflag:s15], $0x4000  }
0x4b: {  	[sflag:s15] =	ssyncset.done $0x0  }
0x4c: {  	[sflag:s15] =	ssyncadd.s32 $0xFFFFC000  }
0x4d: {  	s30 =	simm.s32 $0x0;
	[bflag:$0x0] =	sbarrier.arrive $0xFFFF  }
0x4e: {  	[tilespmem:s17], [sflag:$0x1] =	stream.indirect.gather [hbm4b:s2+s18], $0x80, s30, s18, $0xb8;
	[tilespmem:$0x1D000] =	vst v63  }
0x4f: {  	_ =	swait.ge [sflag:s15], $0x4000  }
0x50: {  	[sflag:s15] =	ssyncset.done $0x0  }
0x51: {  	s31 =	simm.s32 $0x2800;
	[sflag:s15] =	ssyncadd.s32 $0xFFFFC000  }
0x52: {  	[spmem:s3] =	stream.indirect.scatter.add.f32 [tilespmem:s17], [sflag:$0x1], $0x80, s31, s18, $0xb8;
	[tilespmem:$0x1D000] =	vst v63  }
0x53: {  	_ =	swait.ge [sflag:s15], $0x4000  }
0x54: {  	s22 =	simm.s32 $0x200;
	s23 =	simm.s32 $0x400;
	[sflag:s15] =	ssyncset.done $0x0  }
.LBB2_4:
0x55: {  	s24 =	sshra.s32 s22, $0x2  }
0x56: {  	[sflag:s15] =	ssyncadd.s32 $0xFFFFC000;
	s22 =	smov.u32 s23;
	s25 =	sadd.s32 $0x200, s23  }
0x57: {  	[tilespmem:s17], [sflag:$0x1] =	stream.indirect.gather [hbm4b:s2+s18], $0x80, s24, s18, $0xb8;
	[tilespmem:$0x1D000] =	vst v63  }
0x58: {  	p1 =	sne.s32 s23, $0x9C00;
	_ =	swait.ge [sflag:s15], $0x4000  }
.Ltmp4:
0x59: {  	[sflag:s15] =	ssyncset.done $0x0;
	(pc) =	sbr.rel @p1 .LBB2_4-.Ltmp4, $4  }
0x5a: {  	s23 =	sadd.s32 $0x2800, s24;
	[sflag:s15] =	ssyncadd.s32 $0xFFFFC000  }
0x5b: {  	[spmem:s3] =	stream.indirect.scatter.add.f32 [tilespmem:s17], [sflag:$0x1], $0x80, s23, s18, $0xb8;
	[tilespmem:$0x1D000] =	vst v63  }
0x5c: {  	_ =	swait.ge [sflag:s15], $0x4000  }
0x5d: {  	s23 =	smov.u32 s25;
	[sflag:s15] =	ssyncset.done $0x0  }
0x5e: {  	s22 =	sshra.s32 s22, $0x2;
	[sflag:s15] =	ssyncadd.s32 $0xFFFFC000  }
0x5f: {  	[tilespmem:s17], [sflag:$0x1] =	stream.indirect.gather [hbm4b:s2+s18], $0x80, s22, s18, $0xb8;
	[tilespmem:$0x1D000] =	vst v63  }
0x60: {  	_ =	swait.ge [sflag:s15], $0x4000  }
0x61: {  	[sflag:s15] =	ssyncset.done $0x0  }
0x62: {  	s22 =	sadd.s32 $0x2800, s22;
	[sflag:s15] =	ssyncadd.s32 $0xFFFFC000  }
0x63: {  	[spmem:s3] =	stream.indirect.scatter.add.f32 [tilespmem:s17], [sflag:$0x1], $0x80, s22, s18, $0xb8;
	[tilespmem:$0x1D000] =	vst v63  }
0x64: {  	_ =	swait.ge [sflag:s15], $0x4000  }
0x65: {  	[sflag:s15] =	ssyncset.done $0x0  }
0x66: {  	s31 =	sshll.u32 s1, $0x6;
	[sflag:s15] =	ssyncadd.s32 $0xFFFFC000  }
0x67: {  	s23 =	sshrl.u32 s6, $0x3;
	s22 =	sor.u32 $0x1C01, s31;
	[bflag:$0x0] =	sbarrier.arrive $0xFFFF  }
0x68: {  	[hbm:s13], [sflag:s22] =	dma.local [spmem:s23], $0x2800  }
0x69: {  	_ =	swait.ge [sflag:s15], $0x2800  }
0x6a: {  	[sflag:s15] =	ssyncset.done $0x0  }
0x6b: {  	[sflag:s15] =	ssyncadd.s32 $0xFFFFD800  }
0x6c: {  	s24 =	simm.s32 $0x0;
	s25 =	simm.s32 $0x200;
	[bflag:$0x0] =	sbarrier.arrive $0xFFFF  }
.LBB2_6:
0x6d: {  	p1 =	sne.s32 s25, $0xFE00;
	[tilespmem:s24+$0x5070] =	vst v0  }
0x6e: {  	[tilespmem:s24+$0x5000] =	vst v0  }
0x6f: {  	[tilespmem:s24+$0x5010] =	vst v0  }
.Ltmp5:
0x70: {  	[tilespmem:s24+$0x5020] =	vst v0;
	(pc) =	sbr.rel @p1 .LBB2_6-.Ltmp5, $4  }
0x71: {  	[tilespmem:s24+$0x5030] =	vst v0  }
0x72: {  	[tilespmem:s24+$0x5040] =	vst v0  }
0x73: {  	[tilespmem:s24+$0x5050] =	vst v0  }
0x74: {  	[tilespmem:s24+$0x5060] =	vst v0;
	s24 =	sshra.s32 s25, $0x2;
	s25 =	sadd.s32 $0x200, s25  }
0x75: {  	[tilespmem:s24+$0x5070] =	vst v0  }
0x76: {  	[tilespmem:s24+$0x5000] =	vst v0  }
0x77: {  	[tilespmem:s24+$0x5010] =	vst v0  }
0x78: {  	[tilespmem:s24+$0x5020] =	vst v0  }
0x79: {  	[tilespmem:s24+$0x5030] =	vst v0  }
0x7a: {  	[tilespmem:s24+$0x5040] =	vst v0  }
0x7b: {  	[tilespmem:s24+$0x5050] =	vst v0  }
0x7c: {  	[tilespmem:s24+$0x5060] =	vst v0  }
0x7d: {  	[spmem:s6] =	stream.linear.scatter [tilespmem:s17], [sflag:$0x1], $0x4000, $0x38;
	[tilespmem:$0x1D000] =	vst v63  }
0x7e: {  	_ =	swait.ge [sflag:s15], $0x4000  }
0x7f: {  	[sflag:s15] =	ssyncset.done $0x0  }
0x80: {  	[sflag:s15] =	ssyncadd.s32 $0xFFFFC000  }
0x81: {  	[spmem:s8] =	stream.linear.scatter [tilespmem:s17], [sflag:$0x1], $0x4000, $0x38;
	[tilespmem:$0x1D000] =	vst v63  }
0x82: {  	_ =	swait.ge [sflag:s15], $0x4000  }
0x83: {  	[sflag:s15] =	ssyncset.done $0x0  }
0x84: {  	[sflag:s15] =	ssyncadd.s32 $0xFFFFC000  }
0x85: {  	[spmem:s9] =	stream.linear.scatter [tilespmem:s17], [sflag:$0x1], $0x4000, $0x38;
	[tilespmem:$0x1D000] =	vst v63  }
0x86: {  	_ =	swait.ge [sflag:s15], $0x4000  }
0x87: {  	[sflag:s15] =	ssyncset.done $0x0  }
0x88: {  	[sflag:s15] =	ssyncadd.s32 $0xFFFFC000  }
0x89: {  	[spmem:s10] =	stream.linear.scatter [tilespmem:s17], [sflag:$0x1], $0x4000, $0x38;
	[tilespmem:$0x1D000] =	vst v63  }
0x8a: {  	_ =	swait.ge [sflag:s15], $0x4000  }
0x8b: {  	[sflag:s15] =	ssyncset.done $0x0  }
0x8c: {  	[sflag:s15] =	ssyncadd.s32 $0xFFFFC000  }
0x8d: {  	[spmem:s11] =	stream.linear.scatter [tilespmem:s17], [sflag:$0x1], $0x4000, $0x38;
	[tilespmem:$0x1D000] =	vst v63  }
0x8e: {  	_ =	swait.ge [sflag:s15], $0x4000  }
0x8f: {  	[sflag:s15] =	ssyncset.done $0x0  }
0x90: {  	[sflag:s15] =	ssyncadd.s32 $0xFFFFC000  }
0x91: {  	s24 =	simm.s32 $0x0;
	s25 =	simm.s32 $0x200;
	[bflag:$0x0] =	sbarrier.arrive $0xFFFF  }
.LBB2_8:
0x92: {  	p1 =	sne.s32 s25, $0xFE00;
	[tilespmem:s24+$0x5070] =	vst v1  }
0x93: {  	[tilespmem:s24+$0x5000] =	vst v1  }
0x94: {  	[tilespmem:s24+$0x5010] =	vst v1  }
.Ltmp6:
0x95: {  	[tilespmem:s24+$0x5020] =	vst v1;
	(pc) =	sbr.rel @p1 .LBB2_8-.Ltmp6, $4  }
0x96: {  	[tilespmem:s24+$0x5030] =	vst v1  }
0x97: {  	[tilespmem:s24+$0x5040] =	vst v1  }
0x98: {  	[tilespmem:s24+$0x5050] =	vst v1  }
0x99: {  	[tilespmem:s24+$0x5060] =	vst v1;
	s24 =	sshra.s32 s25, $0x2;
	s25 =	sadd.s32 $0x200, s25  }
0x9a: {  	[tilespmem:s24+$0x5070] =	vst v1  }
0x9b: {  	[tilespmem:s24+$0x5000] =	vst v1  }
0x9c: {  	[tilespmem:s24+$0x5010] =	vst v1  }
0x9d: {  	[tilespmem:s24+$0x5020] =	vst v1  }
0x9e: {  	[tilespmem:s24+$0x5030] =	vst v1  }
0x9f: {  	[tilespmem:s24+$0x5040] =	vst v1  }
0xa0: {  	[tilespmem:s24+$0x5050] =	vst v1  }
0xa1: {  	[tilespmem:s24+$0x5060] =	vst v1;
	s31 =	simm.s32 $0x2800  }
0xa2: {  	[spmem:s3] =	stream.indirect.scatter.add.f32 [tilespmem:s17], [sflag:$0x1], $0x80, s31, s18, $0xb8;
	[tilespmem:$0x1D000] =	vst v63  }
0xa3: {  	s24 =	simm.s32 $0x200;
	_ =	swait.ge [sflag:s15], $0x4000  }
.LBB2_10:
0xa4: {  	s25 =	sshra.s32 s24, $0x2;
	[sflag:s15] =	ssyncset.done $0x0;
	p1 =	sne.s32 s24, $0x9C00  }
.Ltmp7:
0xa5: {  	s25 =	sadd.s32 $0x2800, s25;
	[sflag:s15] =	ssyncadd.s32 $0xFFFFC000;
	(pc) =	sbr.rel @p1 .LBB2_10-.Ltmp7, $3  }
0xa6: {  	[spmem:s3] =	stream.indirect.scatter.add.f32 [tilespmem:s17], [sflag:$0x1], $0x80, s25, s18, $0xb8;
	[tilespmem:$0x1D000] =	vst v63  }
0xa7: {  	s24 =	sadd.s32 $0x200, s24;
	_ =	sdelay $0x1  }
0xa8: {  	_ =	swait.ge [sflag:s15], $0x4000  }
.Ltmp8:
0xa9: {  	(pc) =	sbr.rel .LBB2_16-.Ltmp8, $4  }
0xaa: {  	[sflag:s15] =	ssyncset.done $0x0  }
0xab: {  	[sflag:s15] =	ssyncadd.s32 $0xFFFFC000  }
0xac: {  	[bflag:$0x0] =	sbarrier.arrive $0xFFFF  }
0xad: {  	[hbm:s19], [sflag:s22] =	dma.local [spmem:s23], $0x2800  }
.LBB2_12:
0xae: {  	p1 =	sne.s32 s23, $0xFE00;
	[tilespmem:s22+$0x5070] =	vst v0  }
0xaf: {  	[tilespmem:s22+$0x5000] =	vst v0  }
0xb0: {  	[tilespmem:s22+$0x5010] =	vst v0  }
.Ltmp9:
0xb1: {  	[tilespmem:s22+$0x5020] =	vst v0;
	(pc) =	sbr.rel @p1 .LBB2_12-.Ltmp9, $4  }
0xb2: {  	[tilespmem:s22+$0x5030] =	vst v0  }
0xb3: {  	[tilespmem:s22+$0x5040] =	vst v0  }
0xb4: {  	[tilespmem:s22+$0x5050] =	vst v0  }
0xb5: {  	[tilespmem:s22+$0x5060] =	vst v0;
	s22 =	sshra.s32 s23, $0x2;
	s23 =	sadd.s32 $0x200, s23  }
0xb6: {  	[tilespmem:s22+$0x5070] =	vst v0  }
0xb7: {  	[tilespmem:s22+$0x5000] =	vst v0  }
0xb8: {  	[tilespmem:s22+$0x5010] =	vst v0  }
0xb9: {  	[tilespmem:s22+$0x5020] =	vst v0  }
0xba: {  	[tilespmem:s22+$0x5030] =	vst v0  }
0xbb: {  	[tilespmem:s22+$0x5040] =	vst v0  }
0xbc: {  	[tilespmem:s22+$0x5050] =	vst v0  }
0xbd: {  	[tilespmem:s22+$0x5060] =	vst v0  }
0xbe: {  	[spmem:s6] =	stream.linear.scatter [tilespmem:s17], [sflag:$0x1], $0x4000, $0x38;
	[tilespmem:$0x1D000] =	vst v63  }
0xbf: {  	_ =	swait.ge [sflag:s15], $0x4000  }
0xc0: {  	[sflag:s15] =	ssyncset.done $0x0  }
0xc1: {  	[sflag:s15] =	ssyncadd.s32 $0xFFFFC000  }
0xc2: {  	[spmem:s8] =	stream.linear.scatter [tilespmem:s17], [sflag:$0x1], $0x4000, $0x38;
	[tilespmem:$0x1D000] =	vst v63  }
0xc3: {  	_ =	swait.ge [sflag:s15], $0x4000  }
0xc4: {  	[sflag:s15] =	ssyncset.done $0x0  }
0xc5: {  	[sflag:s15] =	ssyncadd.s32 $0xFFFFC000  }
0xc6: {  	[spmem:s9] =	stream.linear.scatter [tilespmem:s17], [sflag:$0x1], $0x4000, $0x38;
	[tilespmem:$0x1D000] =	vst v63  }
0xc7: {  	_ =	swait.ge [sflag:s15], $0x4000  }
0xc8: {  	[sflag:s15] =	ssyncset.done $0x0  }
0xc9: {  	[sflag:s15] =	ssyncadd.s32 $0xFFFFC000  }
0xca: {  	[spmem:s10] =	stream.linear.scatter [tilespmem:s17], [sflag:$0x1], $0x4000, $0x38;
	[tilespmem:$0x1D000] =	vst v63  }
0xcb: {  	_ =	swait.ge [sflag:s15], $0x4000  }
0xcc: {  	[sflag:s15] =	ssyncset.done $0x0  }
0xcd: {  	[sflag:s15] =	ssyncadd.s32 $0xFFFFC000  }
0xce: {  	[spmem:s11] =	stream.linear.scatter [tilespmem:s17], [sflag:$0x1], $0x4000, $0x38;
	[tilespmem:$0x1D000] =	vst v63  }
0xcf: {  	_ =	swait.ge [sflag:s15], $0x4000  }
0xd0: {  	[sflag:s15] =	ssyncset.done $0x0  }
0xd1: {  	[sflag:s15] =	ssyncadd.s32 $0xFFFFC000  }
0xd2: {  	s30 =	simm.s32 $0x0;
	[bflag:$0x0] =	sbarrier.arrive $0xFFFF  }
0xd3: {  	[tilespmem:s17], [sflag:$0x1] =	stream.indirect.gather [hbm4b:s12+s18], $0x80, s30, s18, $0xb8;
	[tilespmem:$0x1D000] =	vst v63  }
0xd4: {  	_ =	swait.ge [sflag:s15], $0x4000  }
0xd5: {  	[sflag:s15] =	ssyncset.done $0x0  }
0xd6: {  	s31 =	simm.s32 $0x2800;
	[sflag:s15] =	ssyncadd.s32 $0xFFFFC000  }
0xd7: {  	[spmem:s3] =	stream.indirect.scatter.add.f32 [tilespmem:s17], [sflag:$0x1], $0x80, s31, s18, $0xb8;
	[tilespmem:$0x1D000] =	vst v63  }
0xd8: {  	_ =	swait.ge [sflag:s15], $0x4000  }
0xd9: {  	s22 =	simm.s32 $0x200;
	s23 =	simm.s32 $0x400;
	[sflag:s15] =	ssyncset.done $0x0  }
.LBB2_14:
0xda: {  	s24 =	sshra.s32 s22, $0x2  }
0xdb: {  	[sflag:s15] =	ssyncadd.s32 $0xFFFFC000;
	s22 =	smov.u32 s23;
	s25 =	sadd.s32 $0x200, s23  }
0xdc: {  	[tilespmem:s17], [sflag:$0x1] =	stream.indirect.gather [hbm4b:s12+s18], $0x80, s24, s18, $0xb8;
	[tilespmem:$0x1D000] =	vst v63  }
0xdd: {  	p1 =	sne.s32 s23, $0x9C00;
	_ =	swait.ge [sflag:s15], $0x4000  }
.Ltmp10:
0xde: {  	[sflag:s15] =	ssyncset.done $0x0;
	(pc) =	sbr.rel @p1 .LBB2_14-.Ltmp10, $4  }
0xdf: {  	s23 =	sadd.s32 $0x2800, s24;
	[sflag:s15] =	ssyncadd.s32 $0xFFFFC000  }
0xe0: {  	[spmem:s3] =	stream.indirect.scatter.add.f32 [tilespmem:s17], [sflag:$0x1], $0x80, s23, s18, $0xb8;
	[tilespmem:$0x1D000] =	vst v63  }
0xe1: {  	_ =	swait.ge [sflag:s15], $0x4000  }
0xe2: {  	s23 =	smov.u32 s25;
	[sflag:s15] =	ssyncset.done $0x0  }
.Ltmp11:
0xe3: {  	_ = 	snop;
	(pc) =	sbr.rel .LBB2_15-.Ltmp11, $1  }
0xe4: {  	_ =	sdelay $0x3  }
.LBB2_17:
0xe5: {  	_ =	sfence.sel $0x180000  }
0xe6: {  	[bflag:$0x0] =	sbarrier.arrive $0xFFFF  }
0xe7: {  	p0 =	sne.s32 s1, $0x0;
	_ =	strace $0x90000047  }
0xe8: {  	s0 =	sadd.s32 @!p0 $0x100000, s0;
	[bflag:$0x2] =	sbarrier.arrive $0xFFFF  }
0xe9: {  	[sflag:s0] =	ssyncadd.tile.s32 @!p0 $0x1;
	_ =	shalt  }
.Lfunc_end2:
_tile_overlayer_lowered:
.L_overlay_start_2:
0xea: {  	(tag) =	ssettag $0x2  }
0xeb: {  	s0 =	rddreg [dreg:$0x0];
	s2 =	stileid.u32  }
0xec: {  	s1 =	rddreg [dreg:$0x1];
	p0 =	sne.s32 s2, $0x0  }
0xed: {  	s3 =	rddreg [dreg:$0x2];
	[bflag:$0x3] =	sbarrier.arrive $0xFFFF;
	s2 =	simm.s32 @!p0 $0x1C01  }
0xee: {  	[timem:s3], [sflag:s2] =	dma.local @!p0 [hbm:s0], s1  }
0xef: {  	s0 =	simm.s32 @!p0 $0x1  }
0xf0: {  	_ =	swait.ge @!p0 [sflag:s0], s1  }
0xf1: {  	s1 =	ssub.s32 @!p0 $0x0, s1;
	[sflag:s0] =	ssyncset.done @!p0 $0x0  }
0xf2: {  	[sflag:s0] =	ssyncadd.s32 @!p0 s1  }
0xf3: {  	[bflag:$0x3] =	sbarrier.arrive $0xFFFF  }
0xf4: {  	_ =	shalt  }

</sc_bundles>
